<compile_context>
chip_gen: v7x
topology: tpu7x:2x2x1
jax: 0.10.2.dev20260603
libtpu: 0.0.44.dev20260713+nightly
codegen_flags: <defaults>
</compile_context>

<pallas_src>
import jax
import jax.numpy as jnp
from jax import lax
from jax.experimental import pallas as pl
from jax.experimental.pallas import tpu as pltpu
from jax.experimental.pallas import tpu_sc as plsc

N = 10000
D = 128
NUM_TYPES = 64
E = 320000
P = 100000

NC = 2
NS = 16
NW = NC * NS
CK = 128

EPW = E // NW
FC = EPW // CK
TAIL = EPW - FC * CK

PC = -(-P // (NW * CK))
P_PAD = NW * CK * PC
NPAD = 10240
RT = NPAD // NS

BN = 2000
BE = 2000

_MESH = plsc.VectorSubcoreMesh(
    core_axis_name="c", subcore_axis_name="s", num_cores=NC, num_subcores=NS)


def _dot(a, b):
    return jnp.dot(a, b, preferred_element_type=jnp.float32)


def _embed_body(seq_ref, emb_ref, o_ref):
    s = seq_ref[...]
    oh = (s == lax.broadcasted_iota(jnp.int32, (BN, NUM_TYPES), 1))
    o_ref[...] = jnp.dot(oh.astype(jnp.float32), emb_ref[...],
                         preferred_element_type=jnp.float32,
                         precision=lax.Precision.HIGHEST)


def _embed(seq_col, emb_table):
    return pl.pallas_call(
        _embed_body,
        grid=(N // BN,),
        in_specs=[
            pl.BlockSpec((BN, 1), lambda i: (i, 0)),
            pl.BlockSpec((NUM_TYPES, D), lambda i: (0, 0)),
        ],
        out_specs=pl.BlockSpec((BN, D), lambda i: (i, 0)),
        out_shape=jax.ShapeDtypeStruct((N, D), jnp.float32),
    )(seq_col, emb_table)


def _gather_body(x_hbm, src_hbm, xg_hbm, sidx_all, sidx_t,
                 rows0, rows1, rows_t, gsem0, gsem1, wsem0, wsem1, sem_t):
    c = lax.axis_index("c")
    s = lax.axis_index("s")
    wid = c * NS + s
    base = wid * EPW
    pltpu.sync_copy(src_hbm.at[pl.ds(base, FC * CK)], sidx_all)

    def idx(i):
        return sidx_all.at[pl.ds(i * CK, CK)]

    def start_g(i, rows, sem):
        pltpu.async_copy(x_hbm.at[idx(i)], rows, sem)

    def wait_g(i, rows, sem):
        pltpu.make_async_copy(x_hbm.at[idx(i)], rows, sem).wait()

    def start_w(i, rows, sem):
        pltpu.async_copy(rows, xg_hbm.at[pl.ds(base + i * CK, CK)], sem)

    def wait_w(i, rows, sem):
        pltpu.make_async_copy(rows, xg_hbm.at[pl.ds(base + i * CK, CK)],
                              sem).wait()

    start_g(0, rows0, gsem0)
    start_g(1, rows1, gsem1)

    def pair(j, carry):
        i0 = 2 * j
        wait_g(i0, rows0, gsem0)
        start_w(i0, rows0, wsem0)
        wait_g(i0 + 1, rows1, gsem1)
        start_w(i0 + 1, rows1, wsem1)

        @pl.when(j < FC // 2 - 1)
        def _():
            wait_w(i0, rows0, wsem0)
            start_g(i0 + 2, rows0, gsem0)
            wait_w(i0 + 1, rows1, wsem1)
            start_g(i0 + 3, rows1, gsem1)

        return carry

    lax.fori_loop(0, FC // 2, pair, 0)
    wait_w(FC - 2, rows0, wsem0)
    wait_w(FC - 1, rows1, wsem1)

    off = base + FC * CK
    pltpu.sync_copy(src_hbm.at[pl.ds(off, TAIL)], sidx_t)
    pltpu.async_copy(x_hbm.at[sidx_t], rows_t, sem_t).wait()
    pltpu.sync_copy(rows_t, xg_hbm.at[pl.ds(off, TAIL)])


_gather = pl.kernel(
    _gather_body,
    out_type=jax.ShapeDtypeStruct((E, D), jnp.float32),
    mesh=_MESH,
    scratch_types=[
        pltpu.VMEM((FC * CK,), jnp.int32),
        pltpu.VMEM((TAIL,), jnp.int32),
        pltpu.VMEM((CK, D), jnp.float32),
        pltpu.VMEM((CK, D), jnp.float32),
        pltpu.VMEM((TAIL, D), jnp.float32),
        pltpu.SemaphoreType.DMA,
        pltpu.SemaphoreType.DMA,
        pltpu.SemaphoreType.DMA,
        pltpu.SemaphoreType.DMA,
        pltpu.SemaphoreType.DMA,
    ],
)


def _msg_body(xg_ref, ea_ref, wm_ref, bm_ref, o_ref):
    a = jnp.concatenate([xg_ref[...], ea_ref[...]], axis=1)
    o_ref[...] = _dot(a, wm_ref[...]) + bm_ref[...]


def _msg(xg, ea, wm, bm_row):
    return pl.pallas_call(
        _msg_body,
        grid=(E // BE,),
        in_specs=[
            pl.BlockSpec((BE, D), lambda i: (i, 0)),
            pl.BlockSpec((BE, 1), lambda i: (i, 0)),
            pl.BlockSpec((D + 1, D), lambda i: (0, 0)),
            pl.BlockSpec((1, D), lambda i: (0, 0)),
        ],
        out_specs=pl.BlockSpec((BE, D), lambda i: (i, 0)),
        out_shape=jax.ShapeDtypeStruct((E, D), jnp.float32),
    )(xg, ea, wm, bm_row)


def _scatter_body(msg_hbm, dst_hbm, zr_hbm, xp_hbm,
                  didx0, didx1, didx_t, rows0, rows1, rows_t,
                  rsem0, rsem1, ssem0, ssem1, acc):
    c = lax.axis_index("c")
    s = lax.axis_index("s")
    wid = c * NS + s
    pltpu.sync_copy(zr_hbm, acc.at[pl.ds(s * RT, RT)])
    plsc.subcore_barrier()

    base = wid * EPW

    def load(i, didx, rows, sem):
        pltpu.sync_copy(dst_hbm.at[pl.ds(base + i * CK, CK)], didx)
        pltpu.async_copy(msg_hbm.at[pl.ds(base + i * CK, CK)], rows, sem)

    def wait_load(i, rows, sem):
        pltpu.make_async_copy(msg_hbm.at[pl.ds(base + i * CK, CK)], rows,
                              sem).wait()

    def start_sa(didx, rows, sem):
        pltpu.async_copy(rows, acc.at[didx], sem, add=True)

    def wait_sa(didx, rows, sem):
        pltpu.make_async_copy(rows, acc.at[didx], sem).wait()

    load(0, didx0, rows0, rsem0)
    load(1, didx1, rows1, rsem1)

    def pair(j, carry):
        i0 = 2 * j
        wait_load(i0, rows0, rsem0)
        start_sa(didx0, rows0, ssem0)
        wait_load(i0 + 1, rows1, rsem1)
        start_sa(didx1, rows1, ssem1)

        @pl.when(j < FC // 2 - 1)
        def _():
            wait_sa(didx0, rows0, ssem0)
            load(i0 + 2, didx0, rows0, rsem0)
            wait_sa(didx1, rows1, ssem1)
            load(i0 + 3, didx1, rows1, rsem1)

        return carry

    lax.fori_loop(0, FC // 2, pair, 0)
    wait_sa(didx0, rows0, ssem0)
    wait_sa(didx1, rows1, ssem1)

    off = base + FC * CK
    pltpu.sync_copy(dst_hbm.at[pl.ds(off, TAIL)], didx_t)
    pltpu.sync_copy(msg_hbm.at[pl.ds(off, TAIL)], rows_t)
    pltpu.sync_copy(rows_t, acc.at[didx_t], add=True)

    plsc.subcore_barrier()
    pltpu.sync_copy(acc.at[pl.ds(s * RT, RT)], xp_hbm.at[c, pl.ds(s * RT, RT)])


_scatter = pl.kernel(
    _scatter_body,
    out_type=jax.ShapeDtypeStruct((NC, NPAD, D), jnp.float32),
    mesh=_MESH,
    scratch_types=[
        pltpu.VMEM((CK,), jnp.int32),
        pltpu.VMEM((CK,), jnp.int32),
        pltpu.VMEM((TAIL,), jnp.int32),
        pltpu.VMEM((CK, D), jnp.float32),
        pltpu.VMEM((CK, D), jnp.float32),
        pltpu.VMEM((TAIL, D), jnp.float32),
        pltpu.SemaphoreType.DMA,
        pltpu.SemaphoreType.DMA,
        pltpu.SemaphoreType.DMA,
        pltpu.SemaphoreType.DMA,
        pltpu.VMEM_SHARED((NPAD, D), jnp.float32),
    ],
)


def _dense_body(x_ref, xp_ref, ws_ref, bs_ref, o_ref):
    agg = xp_ref[0] + xp_ref[1]
    h = (_dot(x_ref[...], ws_ref[...]) + bs_ref[...]) + agg
    o_ref[...] = jnp.maximum(h, 0.0)


def _dense_layer(x, xp, ws, bs_row):
    return pl.pallas_call(
        _dense_body,
        grid=(N // BN,),
        in_specs=[
            pl.BlockSpec((BN, D), lambda i: (i, 0)),
            pl.BlockSpec((NC, BN, D), lambda i: (0, i, 0)),
            pl.BlockSpec((D, D), lambda i: (0, 0)),
            pl.BlockSpec((1, D), lambda i: (0, 0)),
        ],
        out_specs=pl.BlockSpec((BN, D), lambda i: (i, 0)),
        out_shape=jax.ShapeDtypeStruct((N, D), jnp.float32),
    )(x, xp, ws, bs_row)


def _heads_body(x_ref, wo_ref, bo_ref, wh_ref, bh_ref, o_ref):
    emb = _dot(x_ref[...], wo_ref[...]) + bo_ref[...]
    h = _dot(emb, wh_ref[...]) + bh_ref[...]
    col = lax.broadcasted_iota(jnp.int32, h.shape, 1)
    h = jnp.where(col == 2, jax.nn.sigmoid(h), h)
    o_ref[...] = h[:, :8]


def _heads(x, w_out, bo_row, wh, bh_row):
    return pl.pallas_call(
        _heads_body,
        grid=(N // BN,),
        in_specs=[
            pl.BlockSpec((BN, D), lambda i: (i, 0)),
            pl.BlockSpec((D, D), lambda i: (0, 0)),
            pl.BlockSpec((1, D), lambda i: (0, 0)),
            pl.BlockSpec((D, D), lambda i: (0, 0)),
            pl.BlockSpec((1, D), lambda i: (0, 0)),
        ],
        out_specs=pl.BlockSpec((BN, 8), lambda i: (i, 0)),
        out_shape=jax.ShapeDtypeStruct((N, 8), jnp.float32),
    )(x, w_out, bo_row, wh, bh_row)


def _edge_head_body(le_hbm, re_hbm, p0_hbm, p1_hbm, o_hbm,
                    i0, i1, a_v, b_v, o_v, sem):
    c = lax.axis_index("c")
    s = lax.axis_index("s")
    wid = c * NS + s
    base = wid * (PC * CK)

    def chunk(i, carry):
        off = base + i * CK
        pltpu.sync_copy(p0_hbm.at[pl.ds(off, CK)], i0)
        pltpu.sync_copy(p1_hbm.at[pl.ds(off, CK)], i1)
        pltpu.async_copy(le_hbm.at[i0], a_v, sem).wait()
        pltpu.async_copy(re_hbm.at[i1], b_v, sem).wait()
        for j in range(CK // 16):
            sl = pl.ds(j * 16, 16)
            z = a_v[sl] + b_v[sl]
            o_v[sl] = 1.0 / (1.0 + jnp.exp(-z))
        pltpu.sync_copy(o_v, o_hbm.at[pl.ds(off, CK)])
        return carry

    lax.fori_loop(0, PC, chunk, 0)


_edge_head = pl.kernel(
    _edge_head_body,
    out_type=jax.ShapeDtypeStruct((P_PAD,), jnp.float32),
    mesh=_MESH,
    scratch_types=[
        pltpu.VMEM((CK,), jnp.int32),
        pltpu.VMEM((CK,), jnp.int32),
        pltpu.VMEM((CK,), jnp.float32),
        pltpu.VMEM((CK,), jnp.float32),
        pltpu.VMEM((CK,), jnp.float32),
        pltpu.SemaphoreType.DMA,
    ],
)


def kernel(seq, nedge, edgeattr, pedge, emb_table,
           Wm1, bm1, Ws1, bs1, Wm2, bm2, Ws2, bs2,
           W_out, b_out, W_e, b_e, W_n, b_n):
    f32 = jnp.float32
    seq_col = seq.astype(jnp.int32).reshape(N, 1)
    src = nedge[0].astype(jnp.int32)
    dst = nedge[1].astype(jnp.int32)
    ea = edgeattr.astype(f32)
    ppad = P_PAD - P
    p0p = jnp.concatenate([pedge[0].astype(jnp.int32),
                           jnp.zeros((ppad,), jnp.int32)])
    p1p = jnp.concatenate([pedge[1].astype(jnp.int32),
                           jnp.zeros((ppad,), jnp.int32)])
    zr = jnp.zeros((RT, D), f32)

    x0 = _embed(seq_col, emb_table)

    xg1 = _gather(x0, src)
    msg1 = _msg(xg1, ea, Wm1, bm1[None, :])
    xp1 = _scatter(msg1, dst, zr)
    x1 = _dense_layer(x0, xp1, Ws1, bs1[None, :])

    xg2 = _gather(x1, src)
    msg2 = _msg(xg2, ea, Wm2, bm2[None, :])
    xp2 = _scatter(msg2, dst, zr)
    x2 = _dense_layer(x1, xp2, Ws2, bs2[None, :])

    wh = jnp.concatenate([W_e[:D], W_e[D:], W_n, jnp.zeros((D, 125), f32)],
                         axis=1)
    bh = jnp.concatenate([b_e, jnp.zeros((1,), f32), b_n,
                          jnp.zeros((125,), f32)])[None, :]
    lrp = _heads(x2, W_out, b_out[None, :], wh, bh)

    le = lrp[:, 0]
    re = lrp[:, 1]
    pred_node = lrp[:, 2:3]
    pe = _edge_head(le, re, p0p, p1p)
    pred_edge = pe[:P].reshape(P, 1)
    return (pred_edge, pred_node)

# --- scband reference (transcript-rebuilt; emitter-appended) ---
"""Pipeline reference for scband-supermodel-66683662238030 (READ-ONLY COPY).

The authoritative reference and input builder live on the scoring server;
editing this copy changes nothing except your own understanding.
"""

import jax, jax.numpy as jnp
import numpy as np

N = 10000
E = 320000
P = 100000
D = 128
NUM_TYPES = 64
EDGE_DIM = 1


def setup_inputs(seed: int = 0) -> dict:
    key = jax.random.key(seed)
    ks = jax.random.split(key, 16)
    s = 1.0 / np.sqrt(D)
    seq = jax.random.randint(ks[0], (N,), 0, NUM_TYPES)
    nedge = jax.random.randint(ks[1], (2, E), 0, N)
    edgeattr = jax.random.uniform(ks[2], (E, EDGE_DIM), dtype=jnp.float32)
    pedge = jax.random.randint(ks[3], (2, P), 0, N)
    emb_table = jax.random.normal(ks[4], (NUM_TYPES, D), dtype=jnp.float32) * s
    Wm1 = jax.random.normal(ks[5], (D + EDGE_DIM, D), dtype=jnp.float32) * s
    bm1 = jnp.zeros((D,), jnp.float32)
    Ws1 = jax.random.normal(ks[6], (D, D), dtype=jnp.float32) * s
    bs1 = jnp.zeros((D,), jnp.float32)
    Wm2 = jax.random.normal(ks[7], (D + EDGE_DIM, D), dtype=jnp.float32) * s
    bm2 = jnp.zeros((D,), jnp.float32)
    Ws2 = jax.random.normal(ks[8], (D, D), dtype=jnp.float32) * s
    bs2 = jnp.zeros((D,), jnp.float32)
    W_out = jax.random.normal(ks[9], (D, D), dtype=jnp.float32) * s
    b_out = jnp.zeros((D,), jnp.float32)
    W_e = jax.random.normal(ks[10], (2 * D, 1), dtype=jnp.float32) * s
    b_e = jnp.zeros((1,), jnp.float32)
    W_n = jax.random.normal(ks[11], (D, 1), dtype=jnp.float32) * s
    b_n = jnp.zeros((1,), jnp.float32)
    return {
        "seq": seq, "nedge": nedge, "edgeattr": edgeattr, "pedge": pedge,
        "emb_table": emb_table,
        "Wm1": Wm1, "bm1": bm1, "Ws1": Ws1, "bs1": bs1,
        "Wm2": Wm2, "bm2": bm2, "Ws2": Ws2, "bs2": bs2,
        "W_out": W_out, "b_out": b_out,
        "W_e": W_e, "b_e": b_e, "W_n": W_n, "b_n": b_n,
    }


def reference(seq, nedge, edgeattr, pedge, emb_table,
              Wm1, bm1, Ws1, bs1, Wm2, bm2, Ws2, bs2,
              W_out, b_out, W_e, b_e, W_n, b_n):
    # node embedding lookup (self.embedding(seq))
    x = jnp.take(emb_table, seq, axis=0)
    src = nedge[0]
    dst = nedge[1]
    # 2-layer message passing with edge attributes (self.forward(node, edgeattr, nedge))
    for (Wm, bm, Ws, bs) in ((Wm1, bm1, Ws1, bs1), (Wm2, bm2, Ws2, bs2)):
        msg_in = jnp.concatenate([x[src], edgeattr], axis=1)
        msg = msg_in @ Wm + bm
        agg = jnp.zeros((x.shape[0], msg.shape[1]), x.dtype).at[dst].add(msg)
        x = jax.nn.relu(x @ Ws + bs + agg)
    # self.out_linear
    emb = x @ W_out + b_out
    # edge prediction head: gather endpoint embeddings of candidate edges
    lemb = emb[pedge[0]]
    remb = emb[pedge[1]]
    pred_edge = jax.nn.sigmoid(jnp.concatenate([lemb, remb], axis=1) @ W_e + b_e)
    pred_node = jax.nn.sigmoid(emb @ W_n + b_n)
    return (pred_edge, pred_node)

if __name__ == "__main__":
    import jax
    _d = setup_inputs()
    print(jax.jit(kernel)(*tuple(_d.values())))

</pallas_src>

<mosaic_0001>
#map = affine_map<(d0, d1) -> (0, 0)>
#map1 = affine_map<(d0, d1) -> (0)>
module attributes {stable_mosaic.version = 14 : i64} {
  func.func @_gather_body(%arg0: i32, %arg1: i32, %arg2: memref<10000x128xf32, #tpu.memory_space<hbm>>, %arg3: memref<320000xi32, #tpu.memory_space<hbm>>, %arg4: memref<320000x128xf32, #tpu.memory_space<hbm>>, %arg5: memref<9984xi32, #tpu.memory_space<vmem>>, %arg6: memref<16xi32, #tpu.memory_space<vmem>>, %arg7: memref<128x128xf32, #tpu.memory_space<vmem>>, %arg8: memref<128x128xf32, #tpu.memory_space<vmem>>, %arg9: memref<16x128xf32, #tpu.memory_space<vmem>>, %arg10: memref<!tpu.dma_semaphore, #tpu.memory_space<semaphore_mem>>, %arg11: memref<!tpu.dma_semaphore, #tpu.memory_space<semaphore_mem>>, %arg12: memref<!tpu.dma_semaphore, #tpu.memory_space<semaphore_mem>>, %arg13: memref<!tpu.dma_semaphore, #tpu.memory_space<semaphore_mem>>, %arg14: memref<!tpu.dma_semaphore, #tpu.memory_space<semaphore_mem>>) attributes {dimension_semantics = [#tpu.dimension_semantics<core_parallel>, #tpu.dimension_semantics<subcore_parallel>], iteration_bounds = array<i64: 2, 16>, scalar_prefetch = 0 : i64, scratch_operands = 10 : i64, tpu.core_type = #tpu.core_type<sc_vector_subcore>, window_params = [{transform_indices = #map}, {transform_indices = #map1}, {transform_indices = #map}]} {
    %mul3A = arith.constant 16 : i32
    %mul3A_0 = arith.muli %arg0, %mul3A : i32
    %add3A = arith.addi %mul3A_0, %arg1 : i32
    %mul3A_1 = arith.constant 10000 : i32
    %mul3A_2 = arith.muli %add3A, %mul3A_1 : i32
    "tpu.region"() ({
      %run_scoped3A = tpu.sem_alloc : memref<!tpu.dma_semaphore, #tpu.memory_space<semaphore_mem>>
      %dma_start3A_36 = tpu.memref_slice %arg3[%mul3A_2] : memref<320000xi32, #tpu.memory_space<hbm>> -> memref<9984xi32, #tpu.memory_space<hbm>>
      %dma_start3A_37 = tpu.memref_slice %arg3[%mul3A_2] : memref<320000xi32, #tpu.memory_space<hbm>> -> memref<9984xi32, #tpu.memory_space<hbm>>
      tpu.enqueue_dma source(%dma_start3A_37 : memref<9984xi32, #tpu.memory_space<hbm>>) target(%arg5 : memref<9984xi32, #tpu.memory_space<vmem>>) target_semaphore(%run_scoped3A : memref<!tpu.dma_semaphore, #tpu.memory_space<semaphore_mem>>)
      %dma_wait3A_38 = tpu.memref_slice %arg3[%mul3A_2] : memref<320000xi32, #tpu.memory_space<hbm>> -> memref<9984xi32, #tpu.memory_space<hbm>>
      %dma_wait3A_39 = tpu.memref_slice %arg3[%mul3A_2] : memref<320000xi32, #tpu.memory_space<hbm>> -> memref<9984xi32, #tpu.memory_space<hbm>>
      tpu.wait_dma2 semaphore(%run_scoped3A : memref<!tpu.dma_semaphore, #tpu.memory_space<semaphore_mem>>) src(%dma_wait3A_39 : memref<9984xi32, #tpu.memory_space<hbm>>) dst(%arg5 : memref<9984xi32, #tpu.memory_space<vmem>>)
      tpu.yield
    }) : () -> ()
    %dma_start3A = arith.constant 0 : i32
    %dma_start3A_3 = tpu.memref_slice %arg5[%dma_start3A] : memref<9984xi32, #tpu.memory_space<vmem>> -> memref<128xi32, #tpu.memory_space<vmem>>
    %dma_start3A_4 = arith.constant 0 : i32
    %dma_start3A_5 = arith.constant 0 : i32
    %dma_start3A_6 = tpu.memref_slice %arg2[%dma_start3A_4, %dma_start3A_5] : memref<10000x128xf32, #tpu.memory_space<hbm>> -> memref<10000x128xf32, #tpu.memory_space<hbm>>
    tpu.enqueue_indirect_dma source(%dma_start3A_6 : memref<10000x128xf32, #tpu.memory_space<hbm>>) target(%arg7 : memref<128x128xf32, #tpu.memory_space<vmem>>) offsets(%dma_start3A_3 : memref<128xi32, #tpu.memory_space<vmem>>) semaphore(%arg10 : memref<!tpu.dma_semaphore, #tpu.memory_space<semaphore_mem>>)
    %dma_start3A_7 = arith.constant 128 : i32
    %dma_start3A_8 = tpu.memref_slice %arg5[%dma_start3A_7] : memref<9984xi32, #tpu.memory_space<vmem>> -> memref<128xi32, #tpu.memory_space<vmem>>
    %dma_start3A_9 = arith.constant 0 : i32
    %dma_start3A_10 = arith.constant 0 : i32
    %dma_start3A_11 = tpu.memref_slice %arg2[%dma_start3A_9, %dma_start3A_10] : memref<10000x128xf32, #tpu.memory_space<hbm>> -> memref<10000x128xf32, #tpu.memory_space<hbm>>
    tpu.enqueue_indirect_dma source(%dma_start3A_11 : memref<10000x128xf32, #tpu.memory_space<hbm>>) target(%arg8 : memref<128x128xf32, #tpu.memory_space<vmem>>) offsets(%dma_start3A_8 : memref<128xi32, #tpu.memory_space<vmem>>) semaphore(%arg11 : memref<!tpu.dma_semaphore, #tpu.memory_space<semaphore_mem>>)
    %scan3A = arith.constant 0 : i32
    %scan3A_12 = arith.constant 0 : i32
    %scan3A_13 = arith.constant 39 : i32
    %scan3A_14 = arith.addi %scan3A_12, %scan3A_13 : i32
    %scan3A_15 = arith.constant 1 : i32
    scf.for %scan3A_36 = %scan3A_12 to %scan3A_14 step %scan3A_15  : i32 {
      %mul3A_37 = arith.constant 2 : i32
      %mul3A_38 = arith.muli %mul3A_37, %scan3A_36 : i32
      %mul3A_39 = arith.constant 128 : i32
      %mul3A_40 = arith.muli %mul3A_38, %mul3A_39 : i32
      %dma_wait3A_41 = tpu.memref_slice %arg5[%mul3A_40] : memref<9984xi32, #tpu.memory_space<vmem>> -> memref<128xi32, #tpu.memory_space<vmem>>
      %dma_wait3A_42 = arith.constant 0 : i32
      %dma_wait3A_43 = arith.constant 0 : i32
      %dma_wait3A_44 = tpu.memref_slice %arg2[%dma_wait3A_42, %dma_wait3A_43] : memref<10000x128xf32, #tpu.memory_space<hbm>> -> memref<10000x128xf32, #tpu.memory_space<hbm>>
      tpu.wait_indirect_dma semaphore(%arg10 : memref<!tpu.dma_semaphore, #tpu.memory_space<semaphore_mem>>) src(%dma_wait3A_44 : memref<10000x128xf32, #tpu.memory_space<hbm>>) dst(%arg7 : memref<128x128xf32, #tpu.memory_space<vmem>>)
      %mul3A_45 = arith.constant 128 : i32
      %mul3A_46 = arith.muli %mul3A_38, %mul3A_45 : i32
      %add3A_47 = arith.addi %mul3A_2, %mul3A_46 : i32
      %dma_start3A_48 = arith.constant 0 : i32
      %dma_start3A_49 = tpu.memref_slice %arg4[%add3A_47, %dma_start3A_48] : memref<320000x128xf32, #tpu.memory_space<hbm>> -> memref<128x128xf32, #tpu.memory_space<hbm>>
      %dma_start3A_50 = arith.constant 0 : i32
      %dma_start3A_51 = tpu.memref_slice %arg4[%add3A_47, %dma_start3A_50] : memref<320000x128xf32, #tpu.memory_space<hbm>> -> memref<128x128xf32, #tpu.memory_space<hbm>>
      tpu.enqueue_dma source(%arg7 : memref<128x128xf32, #tpu.memory_space<vmem>>) target(%dma_start3A_51 : memref<128x128xf32, #tpu.memory_space<hbm>>) target_semaphore(%arg12 : memref<!tpu.dma_semaphore, #tpu.memory_space<semaphore_mem>>)
      %add3A_52 = arith.constant 1 : i32
      %add3A_53 = arith.addi %mul3A_38, %add3A_52 : i32
      %mul3A_54 = arith.constant 128 : i32
      %mul3A_55 = arith.muli %add3A_53, %mul3A_54 : i32
      %dma_wait3A_56 = tpu.memref_slice %arg5[%mul3A_55] : memref<9984xi32, #tpu.memory_space<vmem>> -> memref<128xi32, #tpu.memory_space<vmem>>
      %dma_wait3A_57 = arith.constant 0 : i32
      %dma_wait3A_58 = arith.constant 0 : i32
      %dma_wait3A_59 = tpu.memref_slice %arg2[%dma_wait3A_57, %dma_wait3A_58] : memref<10000x128xf32, #tpu.memory_space<hbm>> -> memref<10000x128xf32, #tpu.memory_space<hbm>>
      tpu.wait_indirect_dma semaphore(%arg11 : memref<!tpu.dma_semaphore, #tpu.memory_space<semaphore_mem>>) src(%dma_wait3A_59 : memref<10000x128xf32, #tpu.memory_space<hbm>>) dst(%arg8 : memref<128x128xf32, #tpu.memory_space<vmem>>)
      %add3A_60 = arith.constant 1 : i32
      %add3A_61 = arith.addi %mul3A_38, %add3A_60 : i32
      %mul3A_62 = arith.constant 128 : i32
      %mul3A_63 = arith.muli %add3A_61, %mul3A_62 : i32
      %add3A_64 = arith.addi %mul3A_2, %mul3A_63 : i32
      %dma_start3A_65 = arith.constant 0 : i32
      %dma_start3A_66 = tpu.memref_slice %arg4[%add3A_64, %dma_start3A_65] : memref<320000x128xf32, #tpu.memory_space<hbm>> -> memref<128x128xf32, #tpu.memory_space<hbm>>
      %dma_start3A_67 = arith.constant 0 : i32
      %dma_start3A_68 = tpu.memref_slice %arg4[%add3A_64, %dma_start3A_67] : memref<320000x128xf32, #tpu.memory_space<hbm>> -> memref<128x128xf32, #tpu.memory_space<hbm>>
      tpu.enqueue_dma source(%arg8 : memref<128x128xf32, #tpu.memory_space<vmem>>) target(%dma_start3A_68 : memref<128x128xf32, #tpu.memory_space<hbm>>) target_semaphore(%arg13 : memref<!tpu.dma_semaphore, #tpu.memory_space<semaphore_mem>>)
      %lt3A = arith.constant 38 : i32
      %lt3A_69 = arith.cmpi slt, %scan3A_36, %lt3A : i32
      %convert_element_type3A = arith.extui %lt3A_69 : i1 to i32
      %cond3A = arith.constant 0 : i32
      %cond3A_70 = arith.cmpi ne, %convert_element_type3A, %cond3A : i32
      scf.if %cond3A_70 {
        %mul3A_71 = arith.constant 128 : i32
        %mul3A_72 = arith.muli %mul3A_38, %mul3A_71 : i32
        %add3A_73 = arith.addi %mul3A_2, %mul3A_72 : i32
        %dma_wait3A_74 = arith.constant 0 : i32
        %dma_wait3A_75 = tpu.memref_slice %arg4[%add3A_73, %dma_wait3A_74] : memref<320000x128xf32, #tpu.memory_space<hbm>> -> memref<128x128xf32, #tpu.memory_space<hbm>>
        %dma_wait3A_76 = arith.constant 0 : i32
        %dma_wait3A_77 = tpu.memref_slice %arg4[%add3A_73, %dma_wait3A_76] : memref<320000x128xf32, #tpu.memory_space<hbm>> -> memref<128x128xf32, #tpu.memory_space<hbm>>
        tpu.wait_dma2 semaphore(%arg12 : memref<!tpu.dma_semaphore, #tpu.memory_space<semaphore_mem>>) src(%arg7 : memref<128x128xf32, #tpu.memory_space<vmem>>) dst(%dma_wait3A_77 : memref<128x128xf32, #tpu.memory_space<hbm>>)
        %add3A_78 = arith.constant 2 : i32
        %add3A_79 = arith.addi %mul3A_38, %add3A_78 : i32
        %mul3A_80 = arith.constant 128 : i32
        %mul3A_81 = arith.muli %add3A_79, %mul3A_80 : i32
        %dma_start3A_82 = tpu.memref_slice %arg5[%mul3A_81] : memref<9984xi32, #tpu.memory_space<vmem>> -> memref<128xi32, #tpu.memory_space<vmem>>
        %dma_start3A_83 = arith.constant 0 : i32
        %dma_start3A_84 = arith.constant 0 : i32
        %dma_start3A_85 = tpu.memref_slice %arg2[%dma_start3A_83, %dma_start3A_84] : memref<10000x128xf32, #tpu.memory_space<hbm>> -> memref<10000x128xf32, #tpu.memory_space<hbm>>
        tpu.enqueue_indirect_dma source(%dma_start3A_85 : memref<10000x128xf32, #tpu.memory_space<hbm>>) target(%arg7 : memref<128x128xf32, #tpu.memory_space<vmem>>) offsets(%dma_start3A_82 : memref<128xi32, #tpu.memory_space<vmem>>) semaphore(%arg10 : memref<!tpu.dma_semaphore, #tpu.memory_space<semaphore_mem>>)
        %add3A_86 = arith.constant 1 : i32
        %add3A_87 = arith.addi %mul3A_38, %add3A_86 : i32
        %mul3A_88 = arith.constant 128 : i32
        %mul3A_89 = arith.muli %add3A_87, %mul3A_88 : i32
        %add3A_90 = arith.addi %mul3A_2, %mul3A_89 : i32
        %dma_wait3A_91 = arith.constant 0 : i32
        %dma_wait3A_92 = tpu.memref_slice %arg4[%add3A_90, %dma_wait3A_91] : memref<320000x128xf32, #tpu.memory_space<hbm>> -> memref<128x128xf32, #tpu.memory_space<hbm>>
        %dma_wait3A_93 = arith.constant 0 : i32
        %dma_wait3A_94 = tpu.memref_slice %arg4[%add3A_90, %dma_wait3A_93] : memref<320000x128xf32, #tpu.memory_space<hbm>> -> memref<128x128xf32, #tpu.memory_space<hbm>>
        tpu.wait_dma2 semaphore(%arg13 : memref<!tpu.dma_semaphore, #tpu.memory_space<semaphore_mem>>) src(%arg8 : memref<128x128xf32, #tpu.memory_space<vmem>>) dst(%dma_wait3A_94 : memref<128x128xf32, #tpu.memory_space<hbm>>)
        %add3A_95 = arith.constant 3 : i32
        %add3A_96 = arith.addi %mul3A_38, %add3A_95 : i32
        %mul3A_97 = arith.constant 128 : i32
        %mul3A_98 = arith.muli %add3A_96, %mul3A_97 : i32
        %dma_start3A_99 = tpu.memref_slice %arg5[%mul3A_98] : memref<9984xi32, #tpu.memory_space<vmem>> -> memref<128xi32, #tpu.memory_space<vmem>>
        %dma_start3A_100 = arith.constant 0 : i32
        %dma_start3A_101 = arith.constant 0 : i32
        %dma_start3A_102 = tpu.memref_slice %arg2[%dma_start3A_100, %dma_start3A_101] : memref<10000x128xf32, #tpu.memory_space<hbm>> -> memref<10000x128xf32, #tpu.memory_space<hbm>>
        tpu.enqueue_indirect_dma source(%dma_start3A_102 : memref<10000x128xf32, #tpu.memory_space<hbm>>) target(%arg8 : memref<128x128xf32, #tpu.memory_space<vmem>>) offsets(%dma_start3A_99 : memref<128xi32, #tpu.memory_space<vmem>>) semaphore(%arg11 : memref<!tpu.dma_semaphore, #tpu.memory_space<semaphore_mem>>)
      } else {
      }
    }
    %scan3A_16 = arith.constant 39 : i32
    %add3A_17 = arith.constant 9728 : i32
    %add3A_18 = arith.addi %mul3A_2, %add3A_17 : i32
    %dma_wait3A = arith.constant 0 : i32
    %dma_wait3A_19 = tpu.memref_slice %arg4[%add3A_18, %dma_wait3A] : memref<320000x128xf32, #tpu.memory_space<hbm>> -> memref<128x128xf32, #tpu.memory_space<hbm>>
    %dma_wait3A_20 = arith.constant 0 : i32
    %dma_wait3A_21 = tpu.memref_slice %arg4[%add3A_18, %dma_wait3A_20] : memref<320000x128xf32, #tpu.memory_space<hbm>> -> memref<128x128xf32, #tpu.memory_space<hbm>>
    tpu.wait_dma2 semaphore(%arg12 : memref<!tpu.dma_semaphore, #tpu.memory_space<semaphore_mem>>) src(%arg7 : memref<128x128xf32, #tpu.memory_space<vmem>>) dst(%dma_wait3A_21 : memref<128x128xf32, #tpu.memory_space<hbm>>)
    %add3A_22 = arith.constant 9856 : i32
    %add3A_23 = arith.addi %mul3A_2, %add3A_22 : i32
    %dma_wait3A_24 = arith.constant 0 : i32
    %dma_wait3A_25 = tpu.memref_slice %arg4[%add3A_23, %dma_wait3A_24] : memref<320000x128xf32, #tpu.memory_space<hbm>> -> memref<128x128xf32, #tpu.memory_space<hbm>>
    %dma_wait3A_26 = arith.constant 0 : i32
    %dma_wait3A_27 = tpu.memref_slice %arg4[%add3A_23, %dma_wait3A_26] : memref<320000x128xf32, #tpu.memory_space<hbm>> -> memref<128x128xf32, #tpu.memory_space<hbm>>
    tpu.wait_dma2 semaphore(%arg13 : memref<!tpu.dma_semaphore, #tpu.memory_space<semaphore_mem>>) src(%arg8 : memref<128x128xf32, #tpu.memory_space<vmem>>) dst(%dma_wait3A_27 : memref<128x128xf32, #tpu.memory_space<hbm>>)
    %add3A_28 = arith.constant 9984 : i32
    %add3A_29 = arith.addi %mul3A_2, %add3A_28 : i32
    "tpu.region"() ({
      %run_scoped3A = tpu.sem_alloc : memref<!tpu.dma_semaphore, #tpu.memory_space<semaphore_mem>>
      %dma_start3A_36 = tpu.memref_slice %arg3[%add3A_29] : memref<320000xi32, #tpu.memory_space<hbm>> -> memref<16xi32, #tpu.memory_space<hbm>>
      %dma_start3A_37 = tpu.memref_slice %arg3[%add3A_29] : memref<320000xi32, #tpu.memory_space<hbm>> -> memref<16xi32, #tpu.memory_space<hbm>>
      tpu.enqueue_dma source(%dma_start3A_37 : memref<16xi32, #tpu.memory_space<hbm>>) target(%arg6 : memref<16xi32, #tpu.memory_space<vmem>>) target_semaphore(%run_scoped3A : memref<!tpu.dma_semaphore, #tpu.memory_space<semaphore_mem>>)
      %dma_wait3A_38 = tpu.memref_slice %arg3[%add3A_29] : memref<320000xi32, #tpu.memory_space<hbm>> -> memref<16xi32, #tpu.memory_space<hbm>>
      %dma_wait3A_39 = tpu.memref_slice %arg3[%add3A_29] : memref<320000xi32, #tpu.memory_space<hbm>> -> memref<16xi32, #tpu.memory_space<hbm>>
      tpu.wait_dma2 semaphore(%run_scoped3A : memref<!tpu.dma_semaphore, #tpu.memory_space<semaphore_mem>>) src(%dma_wait3A_39 : memref<16xi32, #tpu.memory_space<hbm>>) dst(%arg6 : memref<16xi32, #tpu.memory_space<vmem>>)
      tpu.yield
    }) : () -> ()
    %dma_start3A_30 = arith.constant 0 : i32
    %dma_start3A_31 = arith.constant 0 : i32
    %dma_start3A_32 = tpu.memref_slice %arg2[%dma_start3A_30, %dma_start3A_31] : memref<10000x128xf32, #tpu.memory_space<hbm>> -> memref<10000x128xf32, #tpu.memory_space<hbm>>
    tpu.enqueue_indirect_dma source(%dma_start3A_32 : memref<10000x128xf32, #tpu.memory_space<hbm>>) target(%arg9 : memref<16x128xf32, #tpu.memory_space<vmem>>) offsets(%arg6 : memref<16xi32, #tpu.memory_space<vmem>>) semaphore(%arg14 : memref<!tpu.dma_semaphore, #tpu.memory_space<semaphore_mem>>)
    %dma_wait3A_33 = arith.constant 0 : i32
    %dma_wait3A_34 = arith.constant 0 : i32
    %dma_wait3A_35 = tpu.memref_slice %arg2[%dma_wait3A_33, %dma_wait3A_34] : memref<10000x128xf32, #tpu.memory_space<hbm>> -> memref<10000x128xf32, #tpu.memory_space<hbm>>
    tpu.wait_indirect_dma semaphore(%arg14 : memref<!tpu.dma_semaphore, #tpu.memory_space<semaphore_mem>>) src(%dma_wait3A_35 : memref<10000x128xf32, #tpu.memory_space<hbm>>) dst(%arg9 : memref<16x128xf32, #tpu.memory_space<vmem>>)
    "tpu.region"() ({
      %run_scoped3A = tpu.sem_alloc : memref<!tpu.dma_semaphore, #tpu.memory_space<semaphore_mem>>
      %dma_start3A_36 = arith.constant 0 : i32
      %dma_start3A_37 = tpu.memref_slice %arg4[%add3A_29, %dma_start3A_36] : memref<320000x128xf32, #tpu.memory_space<hbm>> -> memref<16x128xf32, #tpu.memory_space<hbm>>
      %dma_start3A_38 = arith.constant 0 : i32
      %dma_start3A_39 = tpu.memref_slice %arg4[%add3A_29, %dma_start3A_38] : memref<320000x128xf32, #tpu.memory_space<hbm>> -> memref<16x128xf32, #tpu.memory_space<hbm>>
      tpu.enqueue_dma source(%arg9 : memref<16x128xf32, #tpu.memory_space<vmem>>) target(%dma_start3A_39 : memref<16x128xf32, #tpu.memory_space<hbm>>) target_semaphore(%run_scoped3A : memref<!tpu.dma_semaphore, #tpu.memory_space<semaphore_mem>>)
      %dma_wait3A_40 = arith.constant 0 : i32
      %dma_wait3A_41 = tpu.memref_slice %arg4[%add3A_29, %dma_wait3A_40] : memref<320000x128xf32, #tpu.memory_space<hbm>> -> memref<16x128xf32, #tpu.memory_space<hbm>>
      %dma_wait3A_42 = arith.constant 0 : i32
      %dma_wait3A_43 = tpu.memref_slice %arg4[%add3A_29, %dma_wait3A_42] : memref<320000x128xf32, #tpu.memory_space<hbm>> -> memref<16x128xf32, #tpu.memory_space<hbm>>
      tpu.wait_dma2 semaphore(%run_scoped3A : memref<!tpu.dma_semaphore, #tpu.memory_space<semaphore_mem>>) src(%arg9 : memref<16x128xf32, #tpu.memory_space<vmem>>) dst(%dma_wait3A_43 : memref<16x128xf32, #tpu.memory_space<hbm>>)
      tpu.yield
    }) : () -> ()
    return
  }
}

#map = affine_map<(d0, d1) -> (0, 0)>
#map1 = affine_map<(d0, d1) -> (0)>
module attributes {stable_mosaic.version = 14 : i64} {
  func.func @_gather_body(%arg0: i32, %arg1: i32, %arg2: memref<10000x128xf32, #tpu.memory_space<hbm>>, %arg3: memref<320000xi32, #tpu.memory_space<hbm>>, %arg4: memref<320000x128xf32, #tpu.memory_space<hbm>>, %arg5: memref<9984xi32, #tpu.memory_space<vmem>>, %arg6: memref<16xi32, #tpu.memory_space<vmem>>, %arg7: memref<128x128xf32, #tpu.memory_space<vmem>>, %arg8: memref<128x128xf32, #tpu.memory_space<vmem>>, %arg9: memref<16x128xf32, #tpu.memory_space<vmem>>, %arg10: memref<!tpu.dma_semaphore, #tpu.memory_space<semaphore_mem>>, %arg11: memref<!tpu.dma_semaphore, #tpu.memory_space<semaphore_mem>>, %arg12: memref<!tpu.dma_semaphore, #tpu.memory_space<semaphore_mem>>, %arg13: memref<!tpu.dma_semaphore, #tpu.memory_space<semaphore_mem>>, %arg14: memref<!tpu.dma_semaphore, #tpu.memory_space<semaphore_mem>>) attributes {dimension_semantics = [#tpu.dimension_semantics<core_parallel>, #tpu.dimension_semantics<subcore_parallel>], iteration_bounds = array<i64: 2, 16>, scalar_prefetch = 0 : i64, scratch_operands = 10 : i64, tpu.core_type = #tpu.core_type<sc_vector_subcore>, window_params = [{transform_indices = #map}, {transform_indices = #map1}, {transform_indices = #map}]} {
    %mul3A = arith.constant 16 : i32
    %mul3A_0 = arith.muli %arg0, %mul3A : i32
    %add3A = arith.addi %mul3A_0, %arg1 : i32
    %mul3A_1 = arith.constant 10000 : i32
    %mul3A_2 = arith.muli %add3A, %mul3A_1 : i32
    "tpu.region"() ({
      %run_scoped3A = tpu.sem_alloc : memref<!tpu.dma_semaphore, #tpu.memory_space<semaphore_mem>>
      %dma_start3A_36 = tpu.memref_slice %arg3[%mul3A_2] : memref<320000xi32, #tpu.memory_space<hbm>> -> memref<9984xi32, #tpu.memory_space<hbm>>
      %dma_start3A_37 = tpu.memref_slice %arg3[%mul3A_2] : memref<320000xi32, #tpu.memory_space<hbm>> -> memref<9984xi32, #tpu.memory_space<hbm>>
      tpu.enqueue_dma source(%dma_start3A_37 : memref<9984xi32, #tpu.memory_space<hbm>>) target(%arg5 : memref<9984xi32, #tpu.memory_space<vmem>>) target_semaphore(%run_scoped3A : memref<!tpu.dma_semaphore, #tpu.memory_space<semaphore_mem>>)
      %dma_wait3A_38 = tpu.memref_slice %arg3[%mul3A_2] : memref<320000xi32, #tpu.memory_space<hbm>> -> memref<9984xi32, #tpu.memory_space<hbm>>
      %dma_wait3A_39 = tpu.memref_slice %arg3[%mul3A_2] : memref<320000xi32, #tpu.memory_space<hbm>> -> memref<9984xi32, #tpu.memory_space<hbm>>
      tpu.wait_dma2 semaphore(%run_scoped3A : memref<!tpu.dma_semaphore, #tpu.memory_space<semaphore_mem>>) src(%dma_wait3A_39 : memref<9984xi32, #tpu.memory_space<hbm>>) dst(%arg5 : memref<9984xi32, #tpu.memory_space<vmem>>)
      tpu.yield
    }) : () -> ()
    %dma_start3A = arith.constant 0 : i32
    %dma_start3A_3 = tpu.memref_slice %arg5[%dma_start3A] : memref<9984xi32, #tpu.memory_space<vmem>> -> memref<128xi32, #tpu.memory_space<vmem>>
    %dma_start3A_4 = arith.constant 0 : i32
    %dma_start3A_5 = arith.constant 0 : i32
    %dma_start3A_6 = tpu.memref_slice %arg2[%dma_start3A_4, %dma_start3A_5] : memref<10000x128xf32, #tpu.memory_space<hbm>> -> memref<10000x128xf32, #tpu.memory_space<hbm>>
    tpu.enqueue_indirect_dma source(%dma_start3A_6 : memref<10000x128xf32, #tpu.memory_space<hbm>>) target(%arg7 : memref<128x128xf32, #tpu.memory_space<vmem>>) offsets(%dma_start3A_3 : memref<128xi32, #tpu.memory_space<vmem>>) semaphore(%arg10 : memref<!tpu.dma_semaphore, #tpu.memory_space<semaphore_mem>>)
    %dma_start3A_7 = arith.constant 128 : i32
    %dma_start3A_8 = tpu.memref_slice %arg5[%dma_start3A_7] : memref<9984xi32, #tpu.memory_space<vmem>> -> memref<128xi32, #tpu.memory_space<vmem>>
    %dma_start3A_9 = arith.constant 0 : i32
    %dma_start3A_10 = arith.constant 0 : i32
    %dma_start3A_11 = tpu.memref_slice %arg2[%dma_start3A_9, %dma_start3A_10] : memref<10000x128xf32, #tpu.memory_space<hbm>> -> memref<10000x128xf32, #tpu.memory_space<hbm>>
    tpu.enqueue_indirect_dma source(%dma_start3A_11 : memref<10000x128xf32, #tpu.memory_space<hbm>>) target(%arg8 : memref<128x128xf32, #tpu.memory_space<vmem>>) offsets(%dma_start3A_8 : memref<128xi32, #tpu.memory_space<vmem>>) semaphore(%arg11 : memref<!tpu.dma_semaphore, #tpu.memory_space<semaphore_mem>>)
    %scan3A = arith.constant 0 : i32
    %scan3A_12 = arith.constant 0 : i32
    %scan3A_13 = arith.constant 39 : i32
    %scan3A_14 = arith.addi %scan3A_12, %scan3A_13 : i32
    %scan3A_15 = arith.constant 1 : i32
    scf.for %scan3A_36 = %scan3A_12 to %scan3A_14 step %scan3A_15  : i32 {
      %mul3A_37 = arith.constant 2 : i32
      %mul3A_38 = arith.muli %mul3A_37, %scan3A_36 : i32
      %mul3A_39 = arith.constant 128 : i32
      %mul3A_40 = arith.muli %mul3A_38, %mul3A_39 : i32
      %dma_wait3A_41 = tpu.memref_slice %arg5[%mul3A_40] : memref<9984xi32, #tpu.memory_space<vmem>> -> memref<128xi32, #tpu.memory_space<vmem>>
      %dma_wait3A_42 = arith.constant 0 : i32
      %dma_wait3A_43 = arith.constant 0 : i32
      %dma_wait3A_44 = tpu.memref_slice %arg2[%dma_wait3A_42, %dma_wait3A_43] : memref<10000x128xf32, #tpu.memory_space<hbm>> -> memref<10000x128xf32, #tpu.memory_space<hbm>>
      tpu.wait_indirect_dma semaphore(%arg10 : memref<!tpu.dma_semaphore, #tpu.memory_space<semaphore_mem>>) src(%dma_wait3A_44 : memref<10000x128xf32, #tpu.memory_space<hbm>>) dst(%arg7 : memref<128x128xf32, #tpu.memory_space<vmem>>)
      %mul3A_45 = arith.constant 128 : i32
      %mul3A_46 = arith.muli %mul3A_38, %mul3A_45 : i32
      %add3A_47 = arith.addi %mul3A_2, %mul3A_46 : i32
      %dma_start3A_48 = arith.constant 0 : i32
      %dma_start3A_49 = tpu.memref_slice %arg4[%add3A_47, %dma_start3A_48] : memref<320000x128xf32, #tpu.memory_space<hbm>> -> memref<128x128xf32, #tpu.memory_space<hbm>>
      %dma_start3A_50 = arith.constant 0 : i32
      %dma_start3A_51 = tpu.memref_slice %arg4[%add3A_47, %dma_start3A_50] : memref<320000x128xf32, #tpu.memory_space<hbm>> -> memref<128x128xf32, #tpu.memory_space<hbm>>
      tpu.enqueue_dma source(%arg7 : memref<128x128xf32, #tpu.memory_space<vmem>>) target(%dma_start3A_51 : memref<128x128xf32, #tpu.memory_space<hbm>>) target_semaphore(%arg12 : memref<!tpu.dma_semaphore, #tpu.memory_space<semaphore_mem>>)
      %add3A_52 = arith.constant 1 : i32
      %add3A_53 = arith.addi %mul3A_38, %add3A_52 : i32
      %mul3A_54 = arith.constant 128 : i32
      %mul3A_55 = arith.muli %add3A_53, %mul3A_54 : i32
      %dma_wait3A_56 = tpu.memref_slice %arg5[%mul3A_55] : memref<9984xi32, #tpu.memory_space<vmem>> -> memref<128xi32, #tpu.memory_space<vmem>>
      %dma_wait3A_57 = arith.constant 0 : i32
      %dma_wait3A_58 = arith.constant 0 : i32
      %dma_wait3A_59 = tpu.memref_slice %arg2[%dma_wait3A_57, %dma_wait3A_58] : memref<10000x128xf32, #tpu.memory_space<hbm>> -> memref<10000x128xf32, #tpu.memory_space<hbm>>
      tpu.wait_indirect_dma semaphore(%arg11 : memref<!tpu.dma_semaphore, #tpu.memory_space<semaphore_mem>>) src(%dma_wait3A_59 : memref<10000x128xf32, #tpu.memory_space<hbm>>) dst(%arg8 : memref<128x128xf32, #tpu.memory_space<vmem>>)
      %add3A_60 = arith.constant 1 : i32
      %add3A_61 = arith.addi %mul3A_38, %add3A_60 : i32
      %mul3A_62 = arith.constant 128 : i32
      %mul3A_63 = arith.muli %add3A_61, %mul3A_62 : i32
      %add3A_64 = arith.addi %mul3A_2, %mul3A_63 : i32
      %dma_start3A_65 = arith.constant 0 : i32
      %dma_start3A_66 = tpu.memref_slice %arg4[%add3A_64, %dma_start3A_65] : memref<320000x128xf32, #tpu.memory_space<hbm>> -> memref<128x128xf32, #tpu.memory_space<hbm>>
      %dma_start3A_67 = arith.constant 0 : i32
      %dma_start3A_68 = tpu.memref_slice %arg4[%add3A_64, %dma_start3A_67] : memref<320000x128xf32, #tpu.memory_space<hbm>> -> memref<128x128xf32, #tpu.memory_space<hbm>>
      tpu.enqueue_dma source(%arg8 : memref<128x128xf32, #tpu.memory_space<vmem>>) target(%dma_start3A_68 : memref<128x128xf32, #tpu.memory_space<hbm>>) target_semaphore(%arg13 : memref<!tpu.dma_semaphore, #tpu.memory_space<semaphore_mem>>)
      %lt3A = arith.constant 38 : i32
      %lt3A_69 = arith.cmpi slt, %scan3A_36, %lt3A : i32
      %convert_element_type3A = arith.extui %lt3A_69 : i1 to i32
      %cond3A = arith.constant 0 : i32
      %cond3A_70 = arith.cmpi ne, %convert_element_type3A, %cond3A : i32
      scf.if %cond3A_70 {
        %mul3A_71 = arith.constant 128 : i32
        %mul3A_72 = arith.muli %mul3A_38, %mul3A_71 : i32
        %add3A_73 = arith.addi %mul3A_2, %mul3A_72 : i32
        %dma_wait3A_74 = arith.constant 0 : i32
        %dma_wait3A_75 = tpu.memref_slice %arg4[%add3A_73, %dma_wait3A_74] : memref<320000x128xf32, #tpu.memory_space<hbm>> -> memref<128x128xf32, #tpu.memory_space<hbm>>
        %dma_wait3A_76 = arith.constant 0 : i32
        %dma_wait3A_77 = tpu.memref_slice %arg4[%add3A_73, %dma_wait3A_76] : memref<320000x128xf32, #tpu.memory_space<hbm>> -> memref<128x128xf32, #tpu.memory_space<hbm>>
        tpu.wait_dma2 semaphore(%arg12 : memref<!tpu.dma_semaphore, #tpu.memory_space<semaphore_mem>>) src(%arg7 : memref<128x128xf32, #tpu.memory_space<vmem>>) dst(%dma_wait3A_77 : memref<128x128xf32, #tpu.memory_space<hbm>>)
        %add3A_78 = arith.constant 2 : i32
        %add3A_79 = arith.addi %mul3A_38, %add3A_78 : i32
        %mul3A_80 = arith.constant 128 : i32
        %mul3A_81 = arith.muli %add3A_79, %mul3A_80 : i32
        %dma_start3A_82 = tpu.memref_slice %arg5[%mul3A_81] : memref<9984xi32, #tpu.memory_space<vmem>> -> memref<128xi32, #tpu.memory_space<vmem>>
        %dma_start3A_83 = arith.constant 0 : i32
        %dma_start3A_84 = arith.constant 0 : i32
        %dma_start3A_85 = tpu.memref_slice %arg2[%dma_start3A_83, %dma_start3A_84] : memref<10000x128xf32, #tpu.memory_space<hbm>> -> memref<10000x128xf32, #tpu.memory_space<hbm>>
        tpu.enqueue_indirect_dma source(%dma_start3A_85 : memref<10000x128xf32, #tpu.memory_space<hbm>>) target(%arg7 : memref<128x128xf32, #tpu.memory_space<vmem>>) offsets(%dma_start3A_82 : memref<128xi32, #tpu.memory_space<vmem>>) semaphore(%arg10 : memref<!tpu.dma_semaphore, #tpu.memory_space<semaphore_mem>>)
        %add3A_86 = arith.constant 1 : i32
        %add3A_87 = arith.addi %mul3A_38, %add3A_86 : i32
        %mul3A_88 = arith.constant 128 : i32
        %mul3A_89 = arith.muli %add3A_87, %mul3A_88 : i32
        %add3A_90 = arith.addi %mul3A_2, %mul3A_89 : i32
        %dma_wait3A_91 = arith.constant 0 : i32
        %dma_wait3A_92 = tpu.memref_slice %arg4[%add3A_90, %dma_wait3A_91] : memref<320000x128xf32, #tpu.memory_space<hbm>> -> memref<128x128xf32, #tpu.memory_space<hbm>>
        %dma_wait3A_93 = arith.constant 0 : i32
        %dma_wait3A_94 = tpu.memref_slice %arg4[%add3A_90, %dma_wait3A_93] : memref<320000x128xf32, #tpu.memory_space<hbm>> -> memref<128x128xf32, #tpu.memory_space<hbm>>
        tpu.wait_dma2 semaphore(%arg13 : memref<!tpu.dma_semaphore, #tpu.memory_space<semaphore_mem>>) src(%arg8 : memref<128x128xf32, #tpu.memory_space<vmem>>) dst(%dma_wait3A_94 : memref<128x128xf32, #tpu.memory_space<hbm>>)
        %add3A_95 = arith.constant 3 : i32
        %add3A_96 = arith.addi %mul3A_38, %add3A_95 : i32
        %mul3A_97 = arith.constant 128 : i32
        %mul3A_98 = arith.muli %add3A_96, %mul3A_97 : i32
        %dma_start3A_99 = tpu.memref_slice %arg5[%mul3A_98] : memref<9984xi32, #tpu.memory_space<vmem>> -> memref<128xi32, #tpu.memory_space<vmem>>
        %dma_start3A_100 = arith.constant 0 : i32
        %dma_start3A_101 = arith.constant 0 : i32
        %dma_start3A_102 = tpu.memref_slice %arg2[%dma_start3A_100, %dma_start3A_101] : memref<10000x128xf32, #tpu.memory_space<hbm>> -> memref<10000x128xf32, #tpu.memory_space<hbm>>
        tpu.enqueue_indirect_dma source(%dma_start3A_102 : memref<10000x128xf32, #tpu.memory_space<hbm>>) target(%arg8 : memref<128x128xf32, #tpu.memory_space<vmem>>) offsets(%dma_start3A_99 : memref<128xi32, #tpu.memory_space<vmem>>) semaphore(%arg11 : memref<!tpu.dma_semaphore, #tpu.memory_space<semaphore_mem>>)
      } else {
      }
    }
    %scan3A_16 = arith.constant 39 : i32
    %add3A_17 = arith.constant 9728 : i32
    %add3A_18 = arith.addi %mul3A_2, %add3A_17 : i32
    %dma_wait3A = arith.constant 0 : i32
    %dma_wait3A_19 = tpu.memref_slice %arg4[%add3A_18, %dma_wait3A] : memref<320000x128xf32, #tpu.memory_space<hbm>> -> memref<128x128xf32, #tpu.memory_space<hbm>>
    %dma_wait3A_20 = arith.constant 0 : i32
    %dma_wait3A_21 = tpu.memref_slice %arg4[%add3A_18, %dma_wait3A_20] : memref<320000x128xf32, #tpu.memory_space<hbm>> -> memref<128x128xf32, #tpu.memory_space<hbm>>
    tpu.wait_dma2 semaphore(%arg12 : memref<!tpu.dma_semaphore, #tpu.memory_space<semaphore_mem>>) src(%arg7 : memref<128x128xf32, #tpu.memory_space<vmem>>) dst(%dma_wait3A_21 : memref<128x128xf32, #tpu.memory_space<hbm>>)
    %add3A_22 = arith.constant 9856 : i32
    %add3A_23 = arith.addi %mul3A_2, %add3A_22 : i32
    %dma_wait3A_24 = arith.constant 0 : i32
    %dma_wait3A_25 = tpu.memref_slice %arg4[%add3A_23, %dma_wait3A_24] : memref<320000x128xf32, #tpu.memory_space<hbm>> -> memref<128x128xf32, #tpu.memory_space<hbm>>
    %dma_wait3A_26 = arith.constant 0 : i32
    %dma_wait3A_27 = tpu.memref_slice %arg4[%add3A_23, %dma_wait3A_26] : memref<320000x128xf32, #tpu.memory_space<hbm>> -> memref<128x128xf32, #tpu.memory_space<hbm>>
    tpu.wait_dma2 semaphore(%arg13 : memref<!tpu.dma_semaphore, #tpu.memory_space<semaphore_mem>>) src(%arg8 : memref<128x128xf32, #tpu.memory_space<vmem>>) dst(%dma_wait3A_27 : memref<128x128xf32, #tpu.memory_space<hbm>>)
    %add3A_28 = arith.constant 9984 : i32
    %add3A_29 = arith.addi %mul3A_2, %add3A_28 : i32
    "tpu.region"() ({
      %run_scoped3A = tpu.sem_alloc : memref<!tpu.dma_semaphore, #tpu.memory_space<semaphore_mem>>
      %dma_start3A_36 = tpu.memref_slice %arg3[%add3A_29] : memref<320000xi32, #tpu.memory_space<hbm>> -> memref<16xi32, #tpu.memory_space<hbm>>
      %dma_start3A_37 = tpu.memref_slice %arg3[%add3A_29] : memref<320000xi32, #tpu.memory_space<hbm>> -> memref<16xi32, #tpu.memory_space<hbm>>
      tpu.enqueue_dma source(%dma_start3A_37 : memref<16xi32, #tpu.memory_space<hbm>>) target(%arg6 : memref<16xi32, #tpu.memory_space<vmem>>) target_semaphore(%run_scoped3A : memref<!tpu.dma_semaphore, #tpu.memory_space<semaphore_mem>>)
      %dma_wait3A_38 = tpu.memref_slice %arg3[%add3A_29] : memref<320000xi32, #tpu.memory_space<hbm>> -> memref<16xi32, #tpu.memory_space<hbm>>
      %dma_wait3A_39 = tpu.memref_slice %arg3[%add3A_29] : memref<320000xi32, #tpu.memory_space<hbm>> -> memref<16xi32, #tpu.memory_space<hbm>>
      tpu.wait_dma2 semaphore(%run_scoped3A : memref<!tpu.dma_semaphore, #tpu.memory_space<semaphore_mem>>) src(%dma_wait3A_39 : memref<16xi32, #tpu.memory_space<hbm>>) dst(%arg6 : memref<16xi32, #tpu.memory_space<vmem>>)
      tpu.yield
    }) : () -> ()
    %dma_start3A_30 = arith.constant 0 : i32
    %dma_start3A_31 = arith.constant 0 : i32
    %dma_start3A_32 = tpu.memref_slice %arg2[%dma_start3A_30, %dma_start3A_31] : memref<10000x128xf32, #tpu.memory_space<hbm>> -> memref<10000x128xf32, #tpu.memory_space<hbm>>
    tpu.enqueue_indirect_dma source(%dma_start3A_32 : memref<10000x128xf32, #tpu.memory_space<hbm>>) target(%arg9 : memref<16x128xf32, #tpu.memory_space<vmem>>) offsets(%arg6 : memref<16xi32, #tpu.memory_space<vmem>>) semaphore(%arg14 : memref<!tpu.dma_semaphore, #tpu.memory_space<semaphore_mem>>)
    %dma_wait3A_33 = arith.constant 0 : i32
    %dma_wait3A_34 = arith.constant 0 : i32
    %dma_wait3A_35 = tpu.memref_slice %arg2[%dma_wait3A_33, %dma_wait3A_34] : memref<10000x128xf32, #tpu.memory_space<hbm>> -> memref<10000x128xf32, #tpu.memory_space<hbm>>
    tpu.wait_indirect_dma semaphore(%arg14 : memref<!tpu.dma_semaphore, #tpu.memory_space<semaphore_mem>>) src(%dma_wait3A_35 : memref<10000x128xf32, #tpu.memory_space<hbm>>) dst(%arg9 : memref<16x128xf32, #tpu.memory_space<vmem>>)
    "tpu.region"() ({
      %run_scoped3A = tpu.sem_alloc : memref<!tpu.dma_semaphore, #tpu.memory_space<semaphore_mem>>
      %dma_start3A_36 = arith.constant 0 : i32
      %dma_start3A_37 = tpu.memref_slice %arg4[%add3A_29, %dma_start3A_36] : memref<320000x128xf32, #tpu.memory_space<hbm>> -> memref<16x128xf32, #tpu.memory_space<hbm>>
      %dma_start3A_38 = arith.constant 0 : i32
      %dma_start3A_39 = tpu.memref_slice %arg4[%add3A_29, %dma_start3A_38] : memref<320000x128xf32, #tpu.memory_space<hbm>> -> memref<16x128xf32, #tpu.memory_space<hbm>>
      tpu.enqueue_dma source(%arg9 : memref<16x128xf32, #tpu.memory_space<vmem>>) target(%dma_start3A_39 : memref<16x128xf32, #tpu.memory_space<hbm>>) target_semaphore(%run_scoped3A : memref<!tpu.dma_semaphore, #tpu.memory_space<semaphore_mem>>)
      %dma_wait3A_40 = arith.constant 0 : i32
      %dma_wait3A_41 = tpu.memref_slice %arg4[%add3A_29, %dma_wait3A_40] : memref<320000x128xf32, #tpu.memory_space<hbm>> -> memref<16x128xf32, #tpu.memory_space<hbm>>
      %dma_wait3A_42 = arith.constant 0 : i32
      %dma_wait3A_43 = tpu.memref_slice %arg4[%add3A_29, %dma_wait3A_42] : memref<320000x128xf32, #tpu.memory_space<hbm>> -> memref<16x128xf32, #tpu.memory_space<hbm>>
      tpu.wait_dma2 semaphore(%run_scoped3A : memref<!tpu.dma_semaphore, #tpu.memory_space<semaphore_mem>>) src(%arg9 : memref<16x128xf32, #tpu.memory_space<vmem>>) dst(%dma_wait3A_43 : memref<16x128xf32, #tpu.memory_space<hbm>>)
      tpu.yield
    }) : () -> ()
    return
  }
}

#map = affine_map<(d0, d1) -> (0, 0)>
#map1 = affine_map<(d0, d1) -> (0)>
#map2 = affine_map<(d0, d1) -> (0, 0, 0)>
module attributes {stable_mosaic.version = 14 : i64} {
  func.func @_scatter_body(%arg0: i32, %arg1: i32, %arg2: memref<320000x128xf32, #tpu.memory_space<hbm>>, %arg3: memref<320000xi32, #tpu.memory_space<hbm>>, %arg4: memref<640x128xf32, #tpu.memory_space<hbm>>, %arg5: memref<2x10240x128xf32, #tpu.memory_space<hbm>>, %arg6: memref<128xi32, #tpu.memory_space<vmem>>, %arg7: memref<128xi32, #tpu.memory_space<vmem>>, %arg8: memref<16xi32, #tpu.memory_space<vmem>>, %arg9: memref<128x128xf32, #tpu.memory_space<vmem>>, %arg10: memref<128x128xf32, #tpu.memory_space<vmem>>, %arg11: memref<16x128xf32, #tpu.memory_space<vmem>>, %arg12: memref<!tpu.dma_semaphore, #tpu.memory_space<semaphore_mem>>, %arg13: memref<!tpu.dma_semaphore, #tpu.memory_space<semaphore_mem>>, %arg14: memref<!tpu.dma_semaphore, #tpu.memory_space<semaphore_mem>>, %arg15: memref<!tpu.dma_semaphore, #tpu.memory_space<semaphore_mem>>, %arg16: memref<10240x128xf32, #tpu.memory_space<vmem_shared>>) attributes {dimension_semantics = [#tpu.dimension_semantics<core_parallel>, #tpu.dimension_semantics<subcore_parallel>], iteration_bounds = array<i64: 2, 16>, scalar_prefetch = 0 : i64, scratch_operands = 11 : i64, tpu.core_type = #tpu.core_type<sc_vector_subcore>, window_params = [{transform_indices = #map}, {transform_indices = #map1}, {transform_indices = #map}, {transform_indices = #map2}]} {
    %mul3A = arith.constant 16 : i32
    %mul3A_0 = arith.muli %arg0, %mul3A : i32
    %add3A = arith.addi %mul3A_0, %arg1 : i32
    %mul3A_1 = arith.constant 640 : i32
    %mul3A_2 = arith.muli %arg1, %mul3A_1 : i32
    "tpu.region"() ({
      %run_scoped3A = tpu.sem_alloc : memref<!tpu.dma_semaphore, #tpu.memory_space<semaphore_mem>>
      %dma_start3A_37 = arith.constant 0 : i32
      %dma_start3A_38 = tpu.memref_slice %arg16[%mul3A_2, %dma_start3A_37] : memref<10240x128xf32, #tpu.memory_space<vmem_shared>> -> memref<640x128xf32, #tpu.memory_space<vmem_shared>>
      tpu.enqueue_dma source(%arg4 : memref<640x128xf32, #tpu.memory_space<hbm>>) target(%dma_start3A_38 : memref<640x128xf32, #tpu.memory_space<vmem_shared>>) target_semaphore(%run_scoped3A : memref<!tpu.dma_semaphore, #tpu.memory_space<semaphore_mem>>)
      %dma_wait3A_39 = arith.constant 0 : i32
      %dma_wait3A_40 = tpu.memref_slice %arg16[%mul3A_2, %dma_wait3A_39] : memref<10240x128xf32, #tpu.memory_space<vmem_shared>> -> memref<640x128xf32, #tpu.memory_space<vmem_shared>>
      tpu.wait_dma2 semaphore(%run_scoped3A : memref<!tpu.dma_semaphore, #tpu.memory_space<semaphore_mem>>) src(%arg4 : memref<640x128xf32, #tpu.memory_space<hbm>>) dst(%dma_wait3A_40 : memref<640x128xf32, #tpu.memory_space<vmem_shared>>)
      tpu.yield
    }) : () -> ()
    %barrier3A = arith.constant 0 : index
    tpu.barrier barrier_id(%barrier3A)
    %mul3A_3 = arith.constant 10000 : i32
    %mul3A_4 = arith.muli %add3A, %mul3A_3 : i32
    %add3A_5 = arith.constant 0 : i32
    %add3A_6 = arith.addi %mul3A_4, %add3A_5 : i32
    "tpu.region"() ({
      %run_scoped3A = tpu.sem_alloc : memref<!tpu.dma_semaphore, #tpu.memory_space<semaphore_mem>>
      %dma_start3A_37 = tpu.memref_slice %arg3[%add3A_6] : memref<320000xi32, #tpu.memory_space<hbm>> -> memref<128xi32, #tpu.memory_space<hbm>>
      %dma_start3A_38 = tpu.memref_slice %arg3[%add3A_6] : memref<320000xi32, #tpu.memory_space<hbm>> -> memref<128xi32, #tpu.memory_space<hbm>>
      tpu.enqueue_dma source(%dma_start3A_38 : memref<128xi32, #tpu.memory_space<hbm>>) target(%arg6 : memref<128xi32, #tpu.memory_space<vmem>>) target_semaphore(%run_scoped3A : memref<!tpu.dma_semaphore, #tpu.memory_space<semaphore_mem>>)
      %dma_wait3A_39 = tpu.memref_slice %arg3[%add3A_6] : memref<320000xi32, #tpu.memory_space<hbm>> -> memref<128xi32, #tpu.memory_space<hbm>>
      %dma_wait3A_40 = tpu.memref_slice %arg3[%add3A_6] : memref<320000xi32, #tpu.memory_space<hbm>> -> memref<128xi32, #tpu.memory_space<hbm>>
      tpu.wait_dma2 semaphore(%run_scoped3A : memref<!tpu.dma_semaphore, #tpu.memory_space<semaphore_mem>>) src(%dma_wait3A_40 : memref<128xi32, #tpu.memory_space<hbm>>) dst(%arg6 : memref<128xi32, #tpu.memory_space<vmem>>)
      tpu.yield
    }) : () -> ()
    %add3A_7 = arith.constant 0 : i32
    %add3A_8 = arith.addi %mul3A_4, %add3A_7 : i32
    %dma_start3A = arith.constant 0 : i32
    %dma_start3A_9 = tpu.memref_slice %arg2[%add3A_8, %dma_start3A] : memref<320000x128xf32, #tpu.memory_space<hbm>> -> memref<128x128xf32, #tpu.memory_space<hbm>>
    %dma_start3A_10 = arith.constant 0 : i32
    %dma_start3A_11 = tpu.memref_slice %arg2[%add3A_8, %dma_start3A_10] : memref<320000x128xf32, #tpu.memory_space<hbm>> -> memref<128x128xf32, #tpu.memory_space<hbm>>
    tpu.enqueue_dma source(%dma_start3A_11 : memref<128x128xf32, #tpu.memory_space<hbm>>) target(%arg9 : memref<128x128xf32, #tpu.memory_space<vmem>>) target_semaphore(%arg12 : memref<!tpu.dma_semaphore, #tpu.memory_space<semaphore_mem>>)
    %add3A_12 = arith.constant 128 : i32
    %add3A_13 = arith.addi %mul3A_4, %add3A_12 : i32
    "tpu.region"() ({
      %run_scoped3A = tpu.sem_alloc : memref<!tpu.dma_semaphore, #tpu.memory_space<semaphore_mem>>
      %dma_start3A_37 = tpu.memref_slice %arg3[%add3A_13] : memref<320000xi32, #tpu.memory_space<hbm>> -> memref<128xi32, #tpu.memory_space<hbm>>
      %dma_start3A_38 = tpu.memref_slice %arg3[%add3A_13] : memref<320000xi32, #tpu.memory_space<hbm>> -> memref<128xi32, #tpu.memory_space<hbm>>
      tpu.enqueue_dma source(%dma_start3A_38 : memref<128xi32, #tpu.memory_space<hbm>>) target(%arg7 : memref<128xi32, #tpu.memory_space<vmem>>) target_semaphore(%run_scoped3A : memref<!tpu.dma_semaphore, #tpu.memory_space<semaphore_mem>>)
      %dma_wait3A_39 = tpu.memref_slice %arg3[%add3A_13] : memref<320000xi32, #tpu.memory_space<hbm>> -> memref<128xi32, #tpu.memory_space<hbm>>
      %dma_wait3A_40 = tpu.memref_slice %arg3[%add3A_13] : memref<320000xi32, #tpu.memory_space<hbm>> -> memref<128xi32, #tpu.memory_space<hbm>>
      tpu.wait_dma2 semaphore(%run_scoped3A : memref<!tpu.dma_semaphore, #tpu.memory_space<semaphore_mem>>) src(%dma_wait3A_40 : memref<128xi32, #tpu.memory_space<hbm>>) dst(%arg7 : memref<128xi32, #tpu.memory_space<vmem>>)
      tpu.yield
    }) : () -> ()
    %add3A_14 = arith.constant 128 : i32
    %add3A_15 = arith.addi %mul3A_4, %add3A_14 : i32
    %dma_start3A_16 = arith.constant 0 : i32
    %dma_start3A_17 = tpu.memref_slice %arg2[%add3A_15, %dma_start3A_16] : memref<320000x128xf32, #tpu.memory_space<hbm>> -> memref<128x128xf32, #tpu.memory_space<hbm>>
    %dma_start3A_18 = arith.constant 0 : i32
    %dma_start3A_19 = tpu.memref_slice %arg2[%add3A_15, %dma_start3A_18] : memref<320000x128xf32, #tpu.memory_space<hbm>> -> memref<128x128xf32, #tpu.memory_space<hbm>>
    tpu.enqueue_dma source(%dma_start3A_19 : memref<128x128xf32, #tpu.memory_space<hbm>>) target(%arg10 : memref<128x128xf32, #tpu.memory_space<vmem>>) target_semaphore(%arg13 : memref<!tpu.dma_semaphore, #tpu.memory_space<semaphore_mem>>)
    %scan3A = arith.constant 0 : i32
    %scan3A_20 = arith.constant 0 : i32
    %scan3A_21 = arith.constant 39 : i32
    %scan3A_22 = arith.addi %scan3A_20, %scan3A_21 : i32
    %scan3A_23 = arith.constant 1 : i32
    scf.for %scan3A_37 = %scan3A_20 to %scan3A_22 step %scan3A_23  : i32 {
      %mul3A_38 = arith.constant 2 : i32
      %mul3A_39 = arith.muli %mul3A_38, %scan3A_37 : i32
      %mul3A_40 = arith.constant 128 : i32
      %mul3A_41 = arith.muli %mul3A_39, %mul3A_40 : i32
      %add3A_42 = arith.addi %mul3A_4, %mul3A_41 : i32
      %dma_wait3A_43 = arith.constant 0 : i32
      %dma_wait3A_44 = tpu.memref_slice %arg2[%add3A_42, %dma_wait3A_43] : memref<320000x128xf32, #tpu.memory_space<hbm>> -> memref<128x128xf32, #tpu.memory_space<hbm>>
      %dma_wait3A_45 = arith.constant 0 : i32
      %dma_wait3A_46 = tpu.memref_slice %arg2[%add3A_42, %dma_wait3A_45] : memref<320000x128xf32, #tpu.memory_space<hbm>> -> memref<128x128xf32, #tpu.memory_space<hbm>>
      tpu.wait_dma2 semaphore(%arg12 : memref<!tpu.dma_semaphore, #tpu.memory_space<semaphore_mem>>) src(%dma_wait3A_46 : memref<128x128xf32, #tpu.memory_space<hbm>>) dst(%arg9 : memref<128x128xf32, #tpu.memory_space<vmem>>)
      %dma_start3A_47 = arith.constant 0 : i32
      %dma_start3A_48 = arith.constant 0 : i32
      %dma_start3A_49 = tpu.memref_slice %arg16[%dma_start3A_47, %dma_start3A_48] : memref<10240x128xf32, #tpu.memory_space<vmem_shared>> -> memref<10240x128xf32, #tpu.memory_space<vmem_shared>>
      tpu.enqueue_indirect_dma source(%arg9 : memref<128x128xf32, #tpu.memory_space<vmem>>) target(%dma_start3A_49 : memref<10240x128xf32, #tpu.memory_space<vmem_shared>>) offsets(%arg6 : memref<128xi32, #tpu.memory_space<vmem>>) semaphore(%arg14 : memref<!tpu.dma_semaphore, #tpu.memory_space<semaphore_mem>>) {add = true}
      %add3A_50 = arith.constant 1 : i32
      %add3A_51 = arith.addi %mul3A_39, %add3A_50 : i32
      %mul3A_52 = arith.constant 128 : i32
      %mul3A_53 = arith.muli %add3A_51, %mul3A_52 : i32
      %add3A_54 = arith.addi %mul3A_4, %mul3A_53 : i32
      %dma_wait3A_55 = arith.constant 0 : i32
      %dma_wait3A_56 = tpu.memref_slice %arg2[%add3A_54, %dma_wait3A_55] : memref<320000x128xf32, #tpu.memory_space<hbm>> -> memref<128x128xf32, #tpu.memory_space<hbm>>
      %dma_wait3A_57 = arith.constant 0 : i32
      %dma_wait3A_58 = tpu.memref_slice %arg2[%add3A_54, %dma_wait3A_57] : memref<320000x128xf32, #tpu.memory_space<hbm>> -> memref<128x128xf32, #tpu.memory_space<hbm>>
      tpu.wait_dma2 semaphore(%arg13 : memref<!tpu.dma_semaphore, #tpu.memory_space<semaphore_mem>>) src(%dma_wait3A_58 : memref<128x128xf32, #tpu.memory_space<hbm>>) dst(%arg10 : memref<128x128xf32, #tpu.memory_space<vmem>>)
      %dma_start3A_59 = arith.constant 0 : i32
      %dma_start3A_60 = arith.constant 0 : i32
      %dma_start3A_61 = tpu.memref_slice %arg16[%dma_start3A_59, %dma_start3A_60] : memref<10240x128xf32, #tpu.memory_space<vmem_shared>> -> memref<10240x128xf32, #tpu.memory_space<vmem_shared>>
      tpu.enqueue_indirect_dma source(%arg10 : memref<128x128xf32, #tpu.memory_space<vmem>>) target(%dma_start3A_61 : memref<10240x128xf32, #tpu.memory_space<vmem_shared>>) offsets(%arg7 : memref<128xi32, #tpu.memory_space<vmem>>) semaphore(%arg15 : memref<!tpu.dma_semaphore, #tpu.memory_space<semaphore_mem>>) {add = true}
      %lt3A = arith.constant 38 : i32
      %lt3A_62 = arith.cmpi slt, %scan3A_37, %lt3A : i32
      %convert_element_type3A = arith.extui %lt3A_62 : i1 to i32
      %cond3A = arith.constant 0 : i32
      %cond3A_63 = arith.cmpi ne, %convert_element_type3A, %cond3A : i32
      scf.if %cond3A_63 {
        %dma_wait3A_64 = arith.constant 0 : i32
        %dma_wait3A_65 = arith.constant 0 : i32
        %dma_wait3A_66 = tpu.memref_slice %arg16[%dma_wait3A_64, %dma_wait3A_65] : memref<10240x128xf32, #tpu.memory_space<vmem_shared>> -> memref<10240x128xf32, #tpu.memory_space<vmem_shared>>
        tpu.wait_indirect_dma semaphore(%arg14 : memref<!tpu.dma_semaphore, #tpu.memory_space<semaphore_mem>>) src(%arg9 : memref<128x128xf32, #tpu.memory_space<vmem>>) dst(%dma_wait3A_66 : memref<10240x128xf32, #tpu.memory_space<vmem_shared>>)
        %add3A_67 = arith.constant 2 : i32
        %add3A_68 = arith.addi %mul3A_39, %add3A_67 : i32
        %mul3A_69 = arith.constant 128 : i32
        %mul3A_70 = arith.muli %add3A_68, %mul3A_69 : i32
        %add3A_71 = arith.addi %mul3A_4, %mul3A_70 : i32
        "tpu.region"() ({
          %run_scoped3A = tpu.sem_alloc : memref<!tpu.dma_semaphore, #tpu.memory_space<semaphore_mem>>
          %dma_start3A_94 = tpu.memref_slice %arg3[%add3A_71] : memref<320000xi32, #tpu.memory_space<hbm>> -> memref<128xi32, #tpu.memory_space<hbm>>
          %dma_start3A_95 = tpu.memref_slice %arg3[%add3A_71] : memref<320000xi32, #tpu.memory_space<hbm>> -> memref<128xi32, #tpu.memory_space<hbm>>
          tpu.enqueue_dma source(%dma_start3A_95 : memref<128xi32, #tpu.memory_space<hbm>>) target(%arg6 : memref<128xi32, #tpu.memory_space<vmem>>) target_semaphore(%run_scoped3A : memref<!tpu.dma_semaphore, #tpu.memory_space<semaphore_mem>>)
          %dma_wait3A_96 = tpu.memref_slice %arg3[%add3A_71] : memref<320000xi32, #tpu.memory_space<hbm>> -> memref<128xi32, #tpu.memory_space<hbm>>
          %dma_wait3A_97 = tpu.memref_slice %arg3[%add3A_71] : memref<320000xi32, #tpu.memory_space<hbm>> -> memref<128xi32, #tpu.memory_space<hbm>>
          tpu.wait_dma2 semaphore(%run_scoped3A : memref<!tpu.dma_semaphore, #tpu.memory_space<semaphore_mem>>) src(%dma_wait3A_97 : memref<128xi32, #tpu.memory_space<hbm>>) dst(%arg6 : memref<128xi32, #tpu.memory_space<vmem>>)
          tpu.yield
        }) : () -> ()
        %mul3A_72 = arith.constant 128 : i32
        %mul3A_73 = arith.muli %add3A_68, %mul3A_72 : i32
        %add3A_74 = arith.addi %mul3A_4, %mul3A_73 : i32
        %dma_start3A_75 = arith.constant 0 : i32
        %dma_start3A_76 = tpu.memref_slice %arg2[%add3A_74, %dma_start3A_75] : memref<320000x128xf32, #tpu.memory_space<hbm>> -> memref<128x128xf32, #tpu.memory_space<hbm>>
        %dma_start3A_77 = arith.constant 0 : i32
        %dma_start3A_78 = tpu.memref_slice %arg2[%add3A_74, %dma_start3A_77] : memref<320000x128xf32, #tpu.memory_space<hbm>> -> memref<128x128xf32, #tpu.memory_space<hbm>>
        tpu.enqueue_dma source(%dma_start3A_78 : memref<128x128xf32, #tpu.memory_space<hbm>>) target(%arg9 : memref<128x128xf32, #tpu.memory_space<vmem>>) target_semaphore(%arg12 : memref<!tpu.dma_semaphore, #tpu.memory_space<semaphore_mem>>)
        %dma_wait3A_79 = arith.constant 0 : i32
        %dma_wait3A_80 = arith.constant 0 : i32
        %dma_wait3A_81 = tpu.memref_slice %arg16[%dma_wait3A_79, %dma_wait3A_80] : memref<10240x128xf32, #tpu.memory_space<vmem_shared>> -> memref<10240x128xf32, #tpu.memory_space<vmem_shared>>
        tpu.wait_indirect_dma semaphore(%arg15 : memref<!tpu.dma_semaphore, #tpu.memory_space<semaphore_mem>>) src(%arg10 : memref<128x128xf32, #tpu.memory_space<vmem>>) dst(%dma_wait3A_81 : memref<10240x128xf32, #tpu.memory_space<vmem_shared>>)
        %add3A_82 = arith.constant 3 : i32
        %add3A_83 = arith.addi %mul3A_39, %add3A_82 : i32
        %mul3A_84 = arith.constant 128 : i32
        %mul3A_85 = arith.muli %add3A_83, %mul3A_84 : i32
        %add3A_86 = arith.addi %mul3A_4, %mul3A_85 : i32
        "tpu.region"() ({
          %run_scoped3A = tpu.sem_alloc : memref<!tpu.dma_semaphore, #tpu.memory_space<semaphore_mem>>
          %dma_start3A_94 = tpu.memref_slice %arg3[%add3A_86] : memref<320000xi32, #tpu.memory_space<hbm>> -> memref<128xi32, #tpu.memory_space<hbm>>
          %dma_start3A_95 = tpu.memref_slice %arg3[%add3A_86] : memref<320000xi32, #tpu.memory_space<hbm>> -> memref<128xi32, #tpu.memory_space<hbm>>
          tpu.enqueue_dma source(%dma_start3A_95 : memref<128xi32, #tpu.memory_space<hbm>>) target(%arg7 : memref<128xi32, #tpu.memory_space<vmem>>) target_semaphore(%run_scoped3A : memref<!tpu.dma_semaphore, #tpu.memory_space<semaphore_mem>>)
          %dma_wait3A_96 = tpu.memref_slice %arg3[%add3A_86] : memref<320000xi32, #tpu.memory_space<hbm>> -> memref<128xi32, #tpu.memory_space<hbm>>
          %dma_wait3A_97 = tpu.memref_slice %arg3[%add3A_86] : memref<320000xi32, #tpu.memory_space<hbm>> -> memref<128xi32, #tpu.memory_space<hbm>>
          tpu.wait_dma2 semaphore(%run_scoped3A : memref<!tpu.dma_semaphore, #tpu.memory_space<semaphore_mem>>) src(%dma_wait3A_97 : memref<128xi32, #tpu.memory_space<hbm>>) dst(%arg7 : memref<128xi32, #tpu.memory_space<vmem>>)
          tpu.yield
        }) : () -> ()
        %mul3A_87 = arith.constant 128 : i32
        %mul3A_88 = arith.muli %add3A_83, %mul3A_87 : i32
        %add3A_89 = arith.addi %mul3A_4, %mul3A_88 : i32
        %dma_start3A_90 = arith.constant 0 : i32
        %dma_start3A_91 = tpu.memref_slice %arg2[%add3A_89, %dma_start3A_90] : memref<320000x128xf32, #tpu.memory_space<hbm>> -> memref<128x128xf32, #tpu.memory_space<hbm>>
        %dma_start3A_92 = arith.constant 0 : i32
        %dma_start3A_93 = tpu.memref_slice %arg2[%add3A_89, %dma_start3A_92] : memref<320000x128xf32, #tpu.memory_space<hbm>> -> memref<128x128xf32, #tpu.memory_space<hbm>>
        tpu.enqueue_dma source(%dma_start3A_93 : memref<128x128xf32, #tpu.memory_space<hbm>>) target(%arg10 : memref<128x128xf32, #tpu.memory_space<vmem>>) target_semaphore(%arg13 : memref<!tpu.dma_semaphore, #tpu.memory_space<semaphore_mem>>)
      } else {
      }
    }
    %scan3A_24 = arith.constant 39 : i32
    %dma_wait3A = arith.constant 0 : i32
    %dma_wait3A_25 = arith.constant 0 : i32
    %dma_wait3A_26 = tpu.memref_slice %arg16[%dma_wait3A, %dma_wait3A_25] : memref<10240x128xf32, #tpu.memory_space<vmem_shared>> -> memref<10240x128xf32, #tpu.memory_space<vmem_shared>>
    tpu.wait_indirect_dma semaphore(%arg14 : memref<!tpu.dma_semaphore, #tpu.memory_space<semaphore_mem>>) src(%arg9 : memref<128x128xf32, #tpu.memory_space<vmem>>) dst(%dma_wait3A_26 : memref<10240x128xf32, #tpu.memory_space<vmem_shared>>)
    %dma_wait3A_27 = arith.constant 0 : i32
    %dma_wait3A_28 = arith.constant 0 : i32
    %dma_wait3A_29 = tpu.memref_slice %arg16[%dma_wait3A_27, %dma_wait3A_28] : memref<10240x128xf32, #tpu.memory_space<vmem_shared>> -> memref<10240x128xf32, #tpu.memory_space<vmem_shared>>
    tpu.wait_indirect_dma semaphore(%arg15 : memref<!tpu.dma_semaphore, #tpu.memory_space<semaphore_mem>>) src(%arg10 : memref<128x128xf32, #tpu.memory_space<vmem>>) dst(%dma_wait3A_29 : memref<10240x128xf32, #tpu.memory_space<vmem_shared>>)
    %add3A_30 = arith.constant 9984 : i32
    %add3A_31 = arith.addi %mul3A_4, %add3A_30 : i32
    "tpu.region"() ({
      %run_scoped3A = tpu.sem_alloc : memref<!tpu.dma_semaphore, #tpu.memory_space<semaphore_mem>>
      %dma_start3A_37 = tpu.memref_slice %arg3[%add3A_31] : memref<320000xi32, #tpu.memory_space<hbm>> -> memref<16xi32, #tpu.memory_space<hbm>>
      %dma_start3A_38 = tpu.memref_slice %arg3[%add3A_31] : memref<320000xi32, #tpu.memory_space<hbm>> -> memref<16xi32, #tpu.memory_space<hbm>>
      tpu.enqueue_dma source(%dma_start3A_38 : memref<16xi32, #tpu.memory_space<hbm>>) target(%arg8 : memref<16xi32, #tpu.memory_space<vmem>>) target_semaphore(%run_scoped3A : memref<!tpu.dma_semaphore, #tpu.memory_space<semaphore_mem>>)
      %dma_wait3A_39 = tpu.memref_slice %arg3[%add3A_31] : memref<320000xi32, #tpu.memory_space<hbm>> -> memref<16xi32, #tpu.memory_space<hbm>>
      %dma_wait3A_40 = tpu.memref_slice %arg3[%add3A_31] : memref<320000xi32, #tpu.memory_space<hbm>> -> memref<16xi32, #tpu.memory_space<hbm>>
      tpu.wait_dma2 semaphore(%run_scoped3A : memref<!tpu.dma_semaphore, #tpu.memory_space<semaphore_mem>>) src(%dma_wait3A_40 : memref<16xi32, #tpu.memory_space<hbm>>) dst(%arg8 : memref<16xi32, #tpu.memory_space<vmem>>)
      tpu.yield
    }) : () -> ()
    "tpu.region"() ({
      %run_scoped3A = tpu.sem_alloc : memref<!tpu.dma_semaphore, #tpu.memory_space<semaphore_mem>>
      %dma_start3A_37 = arith.constant 0 : i32
      %dma_start3A_38 = tpu.memref_slice %arg2[%add3A_31, %dma_start3A_37] : memref<320000x128xf32, #tpu.memory_space<hbm>> -> memref<16x128xf32, #tpu.memory_space<hbm>>
      %dma_start3A_39 = arith.constant 0 : i32
      %dma_start3A_40 = tpu.memref_slice %arg2[%add3A_31, %dma_start3A_39] : memref<320000x128xf32, #tpu.memory_space<hbm>> -> memref<16x128xf32, #tpu.memory_space<hbm>>
      tpu.enqueue_dma source(%dma_start3A_40 : memref<16x128xf32, #tpu.memory_space<hbm>>) target(%arg11 : memref<16x128xf32, #tpu.memory_space<vmem>>) target_semaphore(%run_scoped3A : memref<!tpu.dma_semaphore, #tpu.memory_space<semaphore_mem>>)
      %dma_wait3A_41 = arith.constant 0 : i32
      %dma_wait3A_42 = tpu.memref_slice %arg2[%add3A_31, %dma_wait3A_41] : memref<320000x128xf32, #tpu.memory_space<hbm>> -> memref<16x128xf32, #tpu.memory_space<hbm>>
      %dma_wait3A_43 = arith.constant 0 : i32
      %dma_wait3A_44 = tpu.memref_slice %arg2[%add3A_31, %dma_wait3A_43] : memref<320000x128xf32, #tpu.memory_space<hbm>> -> memref<16x128xf32, #tpu.memory_space<hbm>>
      tpu.wait_dma2 semaphore(%run_scoped3A : memref<!tpu.dma_semaphore, #tpu.memory_space<semaphore_mem>>) src(%dma_wait3A_44 : memref<16x128xf32, #tpu.memory_space<hbm>>) dst(%arg11 : memref<16x128xf32, #tpu.memory_space<vmem>>)
      tpu.yield
    }) : () -> ()
    "tpu.region"() ({
      %run_scoped3A = tpu.sem_alloc : memref<!tpu.dma_semaphore, #tpu.memory_space<semaphore_mem>>
      %dma_start3A_37 = arith.constant 0 : i32
      %dma_start3A_38 = arith.constant 0 : i32
      %dma_start3A_39 = tpu.memref_slice %arg16[%dma_start3A_37, %dma_start3A_38] : memref<10240x128xf32, #tpu.memory_space<vmem_shared>> -> memref<10240x128xf32, #tpu.memory_space<vmem_shared>>
      tpu.enqueue_indirect_dma source(%arg11 : memref<16x128xf32, #tpu.memory_space<vmem>>) target(%dma_start3A_39 : memref<10240x128xf32, #tpu.memory_space<vmem_shared>>) offsets(%arg8 : memref<16xi32, #tpu.memory_space<vmem>>) semaphore(%run_scoped3A : memref<!tpu.dma_semaphore, #tpu.memory_space<semaphore_mem>>) {add = true}
      %dma_wait3A_40 = arith.constant 0 : i32
      %dma_wait3A_41 = arith.constant 0 : i32
      %dma_wait3A_42 = tpu.memref_slice %arg16[%dma_wait3A_40, %dma_wait3A_41] : memref<10240x128xf32, #tpu.memory_space<vmem_shared>> -> memref<10240x128xf32, #tpu.memory_space<vmem_shared>>
      tpu.wait_indirect_dma semaphore(%run_scoped3A : memref<!tpu.dma_semaphore, #tpu.memory_space<semaphore_mem>>) src(%arg11 : memref<16x128xf32, #tpu.memory_space<vmem>>) dst(%dma_wait3A_42 : memref<10240x128xf32, #tpu.memory_space<vmem_shared>>)
      tpu.yield
    }) : () -> ()
    %barrier3A_32 = arith.constant 0 : index
    tpu.barrier barrier_id(%barrier3A_32)
    %mul3A_33 = arith.constant 640 : i32
    %mul3A_34 = arith.muli %arg1, %mul3A_33 : i32
    %mul3A_35 = arith.constant 640 : i32
    %mul3A_36 = arith.muli %arg1, %mul3A_35 : i32
    "tpu.region"() ({
      %run_scoped3A = tpu.sem_alloc : memref<!tpu.dma_semaphore, #tpu.memory_space<semaphore_mem>>
      %dma_start3A_37 = arith.constant 0 : i32
      %dma_start3A_38 = tpu.memref_slice %arg5[%arg0, %mul3A_36, %dma_start3A_37] : memref<2x10240x128xf32, #tpu.memory_space<hbm>> -> memref<1x640x128xf32, #tpu.memory_space<hbm>>
      %dma_start3A_39 = tpu.memref_squeeze %dma_start3A_38 : memref<1x640x128xf32, #tpu.memory_space<hbm>> -> memref<640x128xf32, #tpu.memory_space<hbm>>
      %dma_start3A_40 = arith.constant 0 : i32
      %dma_start3A_41 = tpu.memref_slice %arg16[%mul3A_34, %dma_start3A_40] : memref<10240x128xf32, #tpu.memory_space<vmem_shared>> -> memref<640x128xf32, #tpu.memory_space<vmem_shared>>
      tpu.enqueue_dma source(%dma_start3A_41 : memref<640x128xf32, #tpu.memory_space<vmem_shared>>) target(%dma_start3A_39 : memref<640x128xf32, #tpu.memory_space<hbm>>) target_semaphore(%run_scoped3A : memref<!tpu.dma_semaphore, #tpu.memory_space<semaphore_mem>>)
      %dma_wait3A_42 = arith.constant 0 : i32
      %dma_wait3A_43 = tpu.memref_slice %arg5[%arg0, %mul3A_36, %dma_wait3A_42] : memref<2x10240x128xf32, #tpu.memory_space<hbm>> -> memref<1x640x128xf32, #tpu.memory_space<hbm>>
      %dma_wait3A_44 = tpu.memref_squeeze %dma_wait3A_43 : memref<1x640x128xf32, #tpu.memory_space<hbm>> -> memref<640x128xf32, #tpu.memory_space<hbm>>
      %dma_wait3A_45 = arith.constant 0 : i32
      %dma_wait3A_46 = tpu.memref_slice %arg16[%mul3A_34, %dma_wait3A_45] : memref<10240x128xf32, #tpu.memory_space<vmem_shared>> -> memref<640x128xf32, #tpu.memory_space<vmem_shared>>
      tpu.wait_dma2 semaphore(%run_scoped3A : memref<!tpu.dma_semaphore, #tpu.memory_space<semaphore_mem>>) src(%dma_wait3A_46 : memref<640x128xf32, #tpu.memory_space<vmem_shared>>) dst(%dma_wait3A_44 : memref<640x128xf32, #tpu.memory_space<hbm>>)
      tpu.yield
    }) : () -> ()
    return
  }
}

#map = affine_map<(d0, d1) -> (0, 0)>
#map1 = affine_map<(d0, d1) -> (0)>
#map2 = affine_map<(d0, d1) -> (0, 0, 0)>
module attributes {stable_mosaic.version = 14 : i64} {
  func.func @_scatter_body(%arg0: i32, %arg1: i32, %arg2: memref<320000x128xf32, #tpu.memory_space<hbm>>, %arg3: memref<320000xi32, #tpu.memory_space<hbm>>, %arg4: memref<640x128xf32, #tpu.memory_space<hbm>>, %arg5: memref<2x10240x128xf32, #tpu.memory_space<hbm>>, %arg6: memref<128xi32, #tpu.memory_space<vmem>>, %arg7: memref<128xi32, #tpu.memory_space<vmem>>, %arg8: memref<16xi32, #tpu.memory_space<vmem>>, %arg9: memref<128x128xf32, #tpu.memory_space<vmem>>, %arg10: memref<128x128xf32, #tpu.memory_space<vmem>>, %arg11: memref<16x128xf32, #tpu.memory_space<vmem>>, %arg12: memref<!tpu.dma_semaphore, #tpu.memory_space<semaphore_mem>>, %arg13: memref<!tpu.dma_semaphore, #tpu.memory_space<semaphore_mem>>, %arg14: memref<!tpu.dma_semaphore, #tpu.memory_space<semaphore_mem>>, %arg15: memref<!tpu.dma_semaphore, #tpu.memory_space<semaphore_mem>>, %arg16: memref<10240x128xf32, #tpu.memory_space<vmem_shared>>) attributes {dimension_semantics = [#tpu.dimension_semantics<core_parallel>, #tpu.dimension_semantics<subcore_parallel>], iteration_bounds = array<i64: 2, 16>, scalar_prefetch = 0 : i64, scratch_operands = 11 : i64, tpu.core_type = #tpu.core_type<sc_vector_subcore>, window_params = [{transform_indices = #map}, {transform_indices = #map1}, {transform_indices = #map}, {transform_indices = #map2}]} {
    %mul3A = arith.constant 16 : i32
    %mul3A_0 = arith.muli %arg0, %mul3A : i32
    %add3A = arith.addi %mul3A_0, %arg1 : i32
    %mul3A_1 = arith.constant 640 : i32
    %mul3A_2 = arith.muli %arg1, %mul3A_1 : i32
    "tpu.region"() ({
      %run_scoped3A = tpu.sem_alloc : memref<!tpu.dma_semaphore, #tpu.memory_space<semaphore_mem>>
      %dma_start3A_37 = arith.constant 0 : i32
      %dma_start3A_38 = tpu.memref_slice %arg16[%mul3A_2, %dma_start3A_37] : memref<10240x128xf32, #tpu.memory_space<vmem_shared>> -> memref<640x128xf32, #tpu.memory_space<vmem_shared>>
      tpu.enqueue_dma source(%arg4 : memref<640x128xf32, #tpu.memory_space<hbm>>) target(%dma_start3A_38 : memref<640x128xf32, #tpu.memory_space<vmem_shared>>) target_semaphore(%run_scoped3A : memref<!tpu.dma_semaphore, #tpu.memory_space<semaphore_mem>>)
      %dma_wait3A_39 = arith.constant 0 : i32
      %dma_wait3A_40 = tpu.memref_slice %arg16[%mul3A_2, %dma_wait3A_39] : memref<10240x128xf32, #tpu.memory_space<vmem_shared>> -> memref<640x128xf32, #tpu.memory_space<vmem_shared>>
      tpu.wait_dma2 semaphore(%run_scoped3A : memref<!tpu.dma_semaphore, #tpu.memory_space<semaphore_mem>>) src(%arg4 : memref<640x128xf32, #tpu.memory_space<hbm>>) dst(%dma_wait3A_40 : memref<640x128xf32, #tpu.memory_space<vmem_shared>>)
      tpu.yield
    }) : () -> ()
    %barrier3A = arith.constant 0 : index
    tpu.barrier barrier_id(%barrier3A)
    %mul3A_3 = arith.constant 10000 : i32
    %mul3A_4 = arith.muli %add3A, %mul3A_3 : i32
    %add3A_5 = arith.constant 0 : i32
    %add3A_6 = arith.addi %mul3A_4, %add3A_5 : i32
    "tpu.region"() ({
      %run_scoped3A = tpu.sem_alloc : memref<!tpu.dma_semaphore, #tpu.memory_space<semaphore_mem>>
      %dma_start3A_37 = tpu.memref_slice %arg3[%add3A_6] : memref<320000xi32, #tpu.memory_space<hbm>> -> memref<128xi32, #tpu.memory_space<hbm>>
      %dma_start3A_38 = tpu.memref_slice %arg3[%add3A_6] : memref<320000xi32, #tpu.memory_space<hbm>> -> memref<128xi32, #tpu.memory_space<hbm>>
      tpu.enqueue_dma source(%dma_start3A_38 : memref<128xi32, #tpu.memory_space<hbm>>) target(%arg6 : memref<128xi32, #tpu.memory_space<vmem>>) target_semaphore(%run_scoped3A : memref<!tpu.dma_semaphore, #tpu.memory_space<semaphore_mem>>)
      %dma_wait3A_39 = tpu.memref_slice %arg3[%add3A_6] : memref<320000xi32, #tpu.memory_space<hbm>> -> memref<128xi32, #tpu.memory_space<hbm>>
      %dma_wait3A_40 = tpu.memref_slice %arg3[%add3A_6] : memref<320000xi32, #tpu.memory_space<hbm>> -> memref<128xi32, #tpu.memory_space<hbm>>
      tpu.wait_dma2 semaphore(%run_scoped3A : memref<!tpu.dma_semaphore, #tpu.memory_space<semaphore_mem>>) src(%dma_wait3A_40 : memref<128xi32, #tpu.memory_space<hbm>>) dst(%arg6 : memref<128xi32, #tpu.memory_space<vmem>>)
      tpu.yield
    }) : () -> ()
    %add3A_7 = arith.constant 0 : i32
    %add3A_8 = arith.addi %mul3A_4, %add3A_7 : i32
    %dma_start3A = arith.constant 0 : i32
    %dma_start3A_9 = tpu.memref_slice %arg2[%add3A_8, %dma_start3A] : memref<320000x128xf32, #tpu.memory_space<hbm>> -> memref<128x128xf32, #tpu.memory_space<hbm>>
    %dma_start3A_10 = arith.constant 0 : i32
    %dma_start3A_11 = tpu.memref_slice %arg2[%add3A_8, %dma_start3A_10] : memref<320000x128xf32, #tpu.memory_space<hbm>> -> memref<128x128xf32, #tpu.memory_space<hbm>>
    tpu.enqueue_dma source(%dma_start3A_11 : memref<128x128xf32, #tpu.memory_space<hbm>>) target(%arg9 : memref<128x128xf32, #tpu.memory_space<vmem>>) target_semaphore(%arg12 : memref<!tpu.dma_semaphore, #tpu.memory_space<semaphore_mem>>)
    %add3A_12 = arith.constant 128 : i32
    %add3A_13 = arith.addi %mul3A_4, %add3A_12 : i32
    "tpu.region"() ({
      %run_scoped3A = tpu.sem_alloc : memref<!tpu.dma_semaphore, #tpu.memory_space<semaphore_mem>>
      %dma_start3A_37 = tpu.memref_slice %arg3[%add3A_13] : memref<320000xi32, #tpu.memory_space<hbm>> -> memref<128xi32, #tpu.memory_space<hbm>>
      %dma_start3A_38 = tpu.memref_slice %arg3[%add3A_13] : memref<320000xi32, #tpu.memory_space<hbm>> -> memref<128xi32, #tpu.memory_space<hbm>>
      tpu.enqueue_dma source(%dma_start3A_38 : memref<128xi32, #tpu.memory_space<hbm>>) target(%arg7 : memref<128xi32, #tpu.memory_space<vmem>>) target_semaphore(%run_scoped3A : memref<!tpu.dma_semaphore, #tpu.memory_space<semaphore_mem>>)
      %dma_wait3A_39 = tpu.memref_slice %arg3[%add3A_13] : memref<320000xi32, #tpu.memory_space<hbm>> -> memref<128xi32, #tpu.memory_space<hbm>>
      %dma_wait3A_40 = tpu.memref_slice %arg3[%add3A_13] : memref<320000xi32, #tpu.memory_space<hbm>> -> memref<128xi32, #tpu.memory_space<hbm>>
      tpu.wait_dma2 semaphore(%run_scoped3A : memref<!tpu.dma_semaphore, #tpu.memory_space<semaphore_mem>>) src(%dma_wait3A_40 : memref<128xi32, #tpu.memory_space<hbm>>) dst(%arg7 : memref<128xi32, #tpu.memory_space<vmem>>)
      tpu.yield
    }) : () -> ()
    %add3A_14 = arith.constant 128 : i32
    %add3A_15 = arith.addi %mul3A_4, %add3A_14 : i32
    %dma_start3A_16 = arith.constant 0 : i32
    %dma_start3A_17 = tpu.memref_slice %arg2[%add3A_15, %dma_start3A_16] : memref<320000x128xf32, #tpu.memory_space<hbm>> -> memref<128x128xf32, #tpu.memory_space<hbm>>
    %dma_start3A_18 = arith.constant 0 : i32
    %dma_start3A_19 = tpu.memref_slice %arg2[%add3A_15, %dma_start3A_18] : memref<320000x128xf32, #tpu.memory_space<hbm>> -> memref<128x128xf32, #tpu.memory_space<hbm>>
    tpu.enqueue_dma source(%dma_start3A_19 : memref<128x128xf32, #tpu.memory_space<hbm>>) target(%arg10 : memref<128x128xf32, #tpu.memory_space<vmem>>) target_semaphore(%arg13 : memref<!tpu.dma_semaphore, #tpu.memory_space<semaphore_mem>>)
    %scan3A = arith.constant 0 : i32
    %scan3A_20 = arith.constant 0 : i32
    %scan3A_21 = arith.constant 39 : i32
    %scan3A_22 = arith.addi %scan3A_20, %scan3A_21 : i32
    %scan3A_23 = arith.constant 1 : i32
    scf.for %scan3A_37 = %scan3A_20 to %scan3A_22 step %scan3A_23  : i32 {
      %mul3A_38 = arith.constant 2 : i32
      %mul3A_39 = arith.muli %mul3A_38, %scan3A_37 : i32
      %mul3A_40 = arith.constant 128 : i32
      %mul3A_41 = arith.muli %mul3A_39, %mul3A_40 : i32
      %add3A_42 = arith.addi %mul3A_4, %mul3A_41 : i32
      %dma_wait3A_43 = arith.constant 0 : i32
      %dma_wait3A_44 = tpu.memref_slice %arg2[%add3A_42, %dma_wait3A_43] : memref<320000x128xf32, #tpu.memory_space<hbm>> -> memref<128x128xf32, #tpu.memory_space<hbm>>
      %dma_wait3A_45 = arith.constant 0 : i32
      %dma_wait3A_46 = tpu.memref_slice %arg2[%add3A_42, %dma_wait3A_45] : memref<320000x128xf32, #tpu.memory_space<hbm>> -> memref<128x128xf32, #tpu.memory_space<hbm>>
      tpu.wait_dma2 semaphore(%arg12 : memref<!tpu.dma_semaphore, #tpu.memory_space<semaphore_mem>>) src(%dma_wait3A_46 : memref<128x128xf32, #tpu.memory_space<hbm>>) dst(%arg9 : memref<128x128xf32, #tpu.memory_space<vmem>>)
      %dma_start3A_47 = arith.constant 0 : i32
      %dma_start3A_48 = arith.constant 0 : i32
      %dma_start3A_49 = tpu.memref_slice %arg16[%dma_start3A_47, %dma_start3A_48] : memref<10240x128xf32, #tpu.memory_space<vmem_shared>> -> memref<10240x128xf32, #tpu.memory_space<vmem_shared>>
      tpu.enqueue_indirect_dma source(%arg9 : memref<128x128xf32, #tpu.memory_space<vmem>>) target(%dma_start3A_49 : memref<10240x128xf32, #tpu.memory_space<vmem_shared>>) offsets(%arg6 : memref<128xi32, #tpu.memory_space<vmem>>) semaphore(%arg14 : memref<!tpu.dma_semaphore, #tpu.memory_space<semaphore_mem>>) {add = true}
      %add3A_50 = arith.constant 1 : i32
      %add3A_51 = arith.addi %mul3A_39, %add3A_50 : i32
      %mul3A_52 = arith.constant 128 : i32
      %mul3A_53 = arith.muli %add3A_51, %mul3A_52 : i32
      %add3A_54 = arith.addi %mul3A_4, %mul3A_53 : i32
      %dma_wait3A_55 = arith.constant 0 : i32
      %dma_wait3A_56 = tpu.memref_slice %arg2[%add3A_54, %dma_wait3A_55] : memref<320000x128xf32, #tpu.memory_space<hbm>> -> memref<128x128xf32, #tpu.memory_space<hbm>>
      %dma_wait3A_57 = arith.constant 0 : i32
      %dma_wait3A_58 = tpu.memref_slice %arg2[%add3A_54, %dma_wait3A_57] : memref<320000x128xf32, #tpu.memory_space<hbm>> -> memref<128x128xf32, #tpu.memory_space<hbm>>
      tpu.wait_dma2 semaphore(%arg13 : memref<!tpu.dma_semaphore, #tpu.memory_space<semaphore_mem>>) src(%dma_wait3A_58 : memref<128x128xf32, #tpu.memory_space<hbm>>) dst(%arg10 : memref<128x128xf32, #tpu.memory_space<vmem>>)
      %dma_start3A_59 = arith.constant 0 : i32
      %dma_start3A_60 = arith.constant 0 : i32
      %dma_start3A_61 = tpu.memref_slice %arg16[%dma_start3A_59, %dma_start3A_60] : memref<10240x128xf32, #tpu.memory_space<vmem_shared>> -> memref<10240x128xf32, #tpu.memory_space<vmem_shared>>
      tpu.enqueue_indirect_dma source(%arg10 : memref<128x128xf32, #tpu.memory_space<vmem>>) target(%dma_start3A_61 : memref<10240x128xf32, #tpu.memory_space<vmem_shared>>) offsets(%arg7 : memref<128xi32, #tpu.memory_space<vmem>>) semaphore(%arg15 : memref<!tpu.dma_semaphore, #tpu.memory_space<semaphore_mem>>) {add = true}
      %lt3A = arith.constant 38 : i32
      %lt3A_62 = arith.cmpi slt, %scan3A_37, %lt3A : i32
      %convert_element_type3A = arith.extui %lt3A_62 : i1 to i32
      %cond3A = arith.constant 0 : i32
      %cond3A_63 = arith.cmpi ne, %convert_element_type3A, %cond3A : i32
      scf.if %cond3A_63 {
        %dma_wait3A_64 = arith.constant 0 : i32
        %dma_wait3A_65 = arith.constant 0 : i32
        %dma_wait3A_66 = tpu.memref_slice %arg16[%dma_wait3A_64, %dma_wait3A_65] : memref<10240x128xf32, #tpu.memory_space<vmem_shared>> -> memref<10240x128xf32, #tpu.memory_space<vmem_shared>>
        tpu.wait_indirect_dma semaphore(%arg14 : memref<!tpu.dma_semaphore, #tpu.memory_space<semaphore_mem>>) src(%arg9 : memref<128x128xf32, #tpu.memory_space<vmem>>) dst(%dma_wait3A_66 : memref<10240x128xf32, #tpu.memory_space<vmem_shared>>)
        %add3A_67 = arith.constant 2 : i32
        %add3A_68 = arith.addi %mul3A_39, %add3A_67 : i32
        %mul3A_69 = arith.constant 128 : i32
        %mul3A_70 = arith.muli %add3A_68, %mul3A_69 : i32
        %add3A_71 = arith.addi %mul3A_4, %mul3A_70 : i32
        "tpu.region"() ({
          %run_scoped3A = tpu.sem_alloc : memref<!tpu.dma_semaphore, #tpu.memory_space<semaphore_mem>>
          %dma_start3A_94 = tpu.memref_slice %arg3[%add3A_71] : memref<320000xi32, #tpu.memory_space<hbm>> -> memref<128xi32, #tpu.memory_space<hbm>>
          %dma_start3A_95 = tpu.memref_slice %arg3[%add3A_71] : memref<320000xi32, #tpu.memory_space<hbm>> -> memref<128xi32, #tpu.memory_space<hbm>>
          tpu.enqueue_dma source(%dma_start3A_95 : memref<128xi32, #tpu.memory_space<hbm>>) target(%arg6 : memref<128xi32, #tpu.memory_space<vmem>>) target_semaphore(%run_scoped3A : memref<!tpu.dma_semaphore, #tpu.memory_space<semaphore_mem>>)
          %dma_wait3A_96 = tpu.memref_slice %arg3[%add3A_71] : memref<320000xi32, #tpu.memory_space<hbm>> -> memref<128xi32, #tpu.memory_space<hbm>>
          %dma_wait3A_97 = tpu.memref_slice %arg3[%add3A_71] : memref<320000xi32, #tpu.memory_space<hbm>> -> memref<128xi32, #tpu.memory_space<hbm>>
          tpu.wait_dma2 semaphore(%run_scoped3A : memref<!tpu.dma_semaphore, #tpu.memory_space<semaphore_mem>>) src(%dma_wait3A_97 : memref<128xi32, #tpu.memory_space<hbm>>) dst(%arg6 : memref<128xi32, #tpu.memory_space<vmem>>)
          tpu.yield
        }) : () -> ()
        %mul3A_72 = arith.constant 128 : i32
        %mul3A_73 = arith.muli %add3A_68, %mul3A_72 : i32
        %add3A_74 = arith.addi %mul3A_4, %mul3A_73 : i32
        %dma_start3A_75 = arith.constant 0 : i32
        %dma_start3A_76 = tpu.memref_slice %arg2[%add3A_74, %dma_start3A_75] : memref<320000x128xf32, #tpu.memory_space<hbm>> -> memref<128x128xf32, #tpu.memory_space<hbm>>
        %dma_start3A_77 = arith.constant 0 : i32
        %dma_start3A_78 = tpu.memref_slice %arg2[%add3A_74, %dma_start3A_77] : memref<320000x128xf32, #tpu.memory_space<hbm>> -> memref<128x128xf32, #tpu.memory_space<hbm>>
        tpu.enqueue_dma source(%dma_start3A_78 : memref<128x128xf32, #tpu.memory_space<hbm>>) target(%arg9 : memref<128x128xf32, #tpu.memory_space<vmem>>) target_semaphore(%arg12 : memref<!tpu.dma_semaphore, #tpu.memory_space<semaphore_mem>>)
        %dma_wait3A_79 = arith.constant 0 : i32
        %dma_wait3A_80 = arith.constant 0 : i32
        %dma_wait3A_81 = tpu.memref_slice %arg16[%dma_wait3A_79, %dma_wait3A_80] : memref<10240x128xf32, #tpu.memory_space<vmem_shared>> -> memref<10240x128xf32, #tpu.memory_space<vmem_shared>>
        tpu.wait_indirect_dma semaphore(%arg15 : memref<!tpu.dma_semaphore, #tpu.memory_space<semaphore_mem>>) src(%arg10 : memref<128x128xf32, #tpu.memory_space<vmem>>) dst(%dma_wait3A_81 : memref<10240x128xf32, #tpu.memory_space<vmem_shared>>)
        %add3A_82 = arith.constant 3 : i32
        %add3A_83 = arith.addi %mul3A_39, %add3A_82 : i32
        %mul3A_84 = arith.constant 128 : i32
        %mul3A_85 = arith.muli %add3A_83, %mul3A_84 : i32
        %add3A_86 = arith.addi %mul3A_4, %mul3A_85 : i32
        "tpu.region"() ({
          %run_scoped3A = tpu.sem_alloc : memref<!tpu.dma_semaphore, #tpu.memory_space<semaphore_mem>>
          %dma_start3A_94 = tpu.memref_slice %arg3[%add3A_86] : memref<320000xi32, #tpu.memory_space<hbm>> -> memref<128xi32, #tpu.memory_space<hbm>>
          %dma_start3A_95 = tpu.memref_slice %arg3[%add3A_86] : memref<320000xi32, #tpu.memory_space<hbm>> -> memref<128xi32, #tpu.memory_space<hbm>>
          tpu.enqueue_dma source(%dma_start3A_95 : memref<128xi32, #tpu.memory_space<hbm>>) target(%arg7 : memref<128xi32, #tpu.memory_space<vmem>>) target_semaphore(%run_scoped3A : memref<!tpu.dma_semaphore, #tpu.memory_space<semaphore_mem>>)
          %dma_wait3A_96 = tpu.memref_slice %arg3[%add3A_86] : memref<320000xi32, #tpu.memory_space<hbm>> -> memref<128xi32, #tpu.memory_space<hbm>>
          %dma_wait3A_97 = tpu.memref_slice %arg3[%add3A_86] : memref<320000xi32, #tpu.memory_space<hbm>> -> memref<128xi32, #tpu.memory_space<hbm>>
          tpu.wait_dma2 semaphore(%run_scoped3A : memref<!tpu.dma_semaphore, #tpu.memory_space<semaphore_mem>>) src(%dma_wait3A_97 : memref<128xi32, #tpu.memory_space<hbm>>) dst(%arg7 : memref<128xi32, #tpu.memory_space<vmem>>)
          tpu.yield
        }) : () -> ()
        %mul3A_87 = arith.constant 128 : i32
        %mul3A_88 = arith.muli %add3A_83, %mul3A_87 : i32
        %add3A_89 = arith.addi %mul3A_4, %mul3A_88 : i32
        %dma_start3A_90 = arith.constant 0 : i32
        %dma_start3A_91 = tpu.memref_slice %arg2[%add3A_89, %dma_start3A_90] : memref<320000x128xf32, #tpu.memory_space<hbm>> -> memref<128x128xf32, #tpu.memory_space<hbm>>
        %dma_start3A_92 = arith.constant 0 : i32
        %dma_start3A_93 = tpu.memref_slice %arg2[%add3A_89, %dma_start3A_92] : memref<320000x128xf32, #tpu.memory_space<hbm>> -> memref<128x128xf32, #tpu.memory_space<hbm>>
        tpu.enqueue_dma source(%dma_start3A_93 : memref<128x128xf32, #tpu.memory_space<hbm>>) target(%arg10 : memref<128x128xf32, #tpu.memory_space<vmem>>) target_semaphore(%arg13 : memref<!tpu.dma_semaphore, #tpu.memory_space<semaphore_mem>>)
      } else {
      }
    }
    %scan3A_24 = arith.constant 39 : i32
    %dma_wait3A = arith.constant 0 : i32
    %dma_wait3A_25 = arith.constant 0 : i32
    %dma_wait3A_26 = tpu.memref_slice %arg16[%dma_wait3A, %dma_wait3A_25] : memref<10240x128xf32, #tpu.memory_space<vmem_shared>> -> memref<10240x128xf32, #tpu.memory_space<vmem_shared>>
    tpu.wait_indirect_dma semaphore(%arg14 : memref<!tpu.dma_semaphore, #tpu.memory_space<semaphore_mem>>) src(%arg9 : memref<128x128xf32, #tpu.memory_space<vmem>>) dst(%dma_wait3A_26 : memref<10240x128xf32, #tpu.memory_space<vmem_shared>>)
    %dma_wait3A_27 = arith.constant 0 : i32
    %dma_wait3A_28 = arith.constant 0 : i32
    %dma_wait3A_29 = tpu.memref_slice %arg16[%dma_wait3A_27, %dma_wait3A_28] : memref<10240x128xf32, #tpu.memory_space<vmem_shared>> -> memref<10240x128xf32, #tpu.memory_space<vmem_shared>>
    tpu.wait_indirect_dma semaphore(%arg15 : memref<!tpu.dma_semaphore, #tpu.memory_space<semaphore_mem>>) src(%arg10 : memref<128x128xf32, #tpu.memory_space<vmem>>) dst(%dma_wait3A_29 : memref<10240x128xf32, #tpu.memory_space<vmem_shared>>)
    %add3A_30 = arith.constant 9984 : i32
    %add3A_31 = arith.addi %mul3A_4, %add3A_30 : i32
    "tpu.region"() ({
      %run_scoped3A = tpu.sem_alloc : memref<!tpu.dma_semaphore, #tpu.memory_space<semaphore_mem>>
      %dma_start3A_37 = tpu.memref_slice %arg3[%add3A_31] : memref<320000xi32, #tpu.memory_space<hbm>> -> memref<16xi32, #tpu.memory_space<hbm>>
      %dma_start3A_38 = tpu.memref_slice %arg3[%add3A_31] : memref<320000xi32, #tpu.memory_space<hbm>> -> memref<16xi32, #tpu.memory_space<hbm>>
      tpu.enqueue_dma source(%dma_start3A_38 : memref<16xi32, #tpu.memory_space<hbm>>) target(%arg8 : memref<16xi32, #tpu.memory_space<vmem>>) target_semaphore(%run_scoped3A : memref<!tpu.dma_semaphore, #tpu.memory_space<semaphore_mem>>)
      %dma_wait3A_39 = tpu.memref_slice %arg3[%add3A_31] : memref<320000xi32, #tpu.memory_space<hbm>> -> memref<16xi32, #tpu.memory_space<hbm>>
      %dma_wait3A_40 = tpu.memref_slice %arg3[%add3A_31] : memref<320000xi32, #tpu.memory_space<hbm>> -> memref<16xi32, #tpu.memory_space<hbm>>
      tpu.wait_dma2 semaphore(%run_scoped3A : memref<!tpu.dma_semaphore, #tpu.memory_space<semaphore_mem>>) src(%dma_wait3A_40 : memref<16xi32, #tpu.memory_space<hbm>>) dst(%arg8 : memref<16xi32, #tpu.memory_space<vmem>>)
      tpu.yield
    }) : () -> ()
    "tpu.region"() ({
      %run_scoped3A = tpu.sem_alloc : memref<!tpu.dma_semaphore, #tpu.memory_space<semaphore_mem>>
      %dma_start3A_37 = arith.constant 0 : i32
      %dma_start3A_38 = tpu.memref_slice %arg2[%add3A_31, %dma_start3A_37] : memref<320000x128xf32, #tpu.memory_space<hbm>> -> memref<16x128xf32, #tpu.memory_space<hbm>>
      %dma_start3A_39 = arith.constant 0 : i32
      %dma_start3A_40 = tpu.memref_slice %arg2[%add3A_31, %dma_start3A_39] : memref<320000x128xf32, #tpu.memory_space<hbm>> -> memref<16x128xf32, #tpu.memory_space<hbm>>
      tpu.enqueue_dma source(%dma_start3A_40 : memref<16x128xf32, #tpu.memory_space<hbm>>) target(%arg11 : memref<16x128xf32, #tpu.memory_space<vmem>>) target_semaphore(%run_scoped3A : memref<!tpu.dma_semaphore, #tpu.memory_space<semaphore_mem>>)
      %dma_wait3A_41 = arith.constant 0 : i32
      %dma_wait3A_42 = tpu.memref_slice %arg2[%add3A_31, %dma_wait3A_41] : memref<320000x128xf32, #tpu.memory_space<hbm>> -> memref<16x128xf32, #tpu.memory_space<hbm>>
      %dma_wait3A_43 = arith.constant 0 : i32
      %dma_wait3A_44 = tpu.memref_slice %arg2[%add3A_31, %dma_wait3A_43] : memref<320000x128xf32, #tpu.memory_space<hbm>> -> memref<16x128xf32, #tpu.memory_space<hbm>>
      tpu.wait_dma2 semaphore(%run_scoped3A : memref<!tpu.dma_semaphore, #tpu.memory_space<semaphore_mem>>) src(%dma_wait3A_44 : memref<16x128xf32, #tpu.memory_space<hbm>>) dst(%arg11 : memref<16x128xf32, #tpu.memory_space<vmem>>)
      tpu.yield
    }) : () -> ()
    "tpu.region"() ({
      %run_scoped3A = tpu.sem_alloc : memref<!tpu.dma_semaphore, #tpu.memory_space<semaphore_mem>>
      %dma_start3A_37 = arith.constant 0 : i32
      %dma_start3A_38 = arith.constant 0 : i32
      %dma_start3A_39 = tpu.memref_slice %arg16[%dma_start3A_37, %dma_start3A_38] : memref<10240x128xf32, #tpu.memory_space<vmem_shared>> -> memref<10240x128xf32, #tpu.memory_space<vmem_shared>>
      tpu.enqueue_indirect_dma source(%arg11 : memref<16x128xf32, #tpu.memory_space<vmem>>) target(%dma_start3A_39 : memref<10240x128xf32, #tpu.memory_space<vmem_shared>>) offsets(%arg8 : memref<16xi32, #tpu.memory_space<vmem>>) semaphore(%run_scoped3A : memref<!tpu.dma_semaphore, #tpu.memory_space<semaphore_mem>>) {add = true}
      %dma_wait3A_40 = arith.constant 0 : i32
      %dma_wait3A_41 = arith.constant 0 : i32
      %dma_wait3A_42 = tpu.memref_slice %arg16[%dma_wait3A_40, %dma_wait3A_41] : memref<10240x128xf32, #tpu.memory_space<vmem_shared>> -> memref<10240x128xf32, #tpu.memory_space<vmem_shared>>
      tpu.wait_indirect_dma semaphore(%run_scoped3A : memref<!tpu.dma_semaphore, #tpu.memory_space<semaphore_mem>>) src(%arg11 : memref<16x128xf32, #tpu.memory_space<vmem>>) dst(%dma_wait3A_42 : memref<10240x128xf32, #tpu.memory_space<vmem_shared>>)
      tpu.yield
    }) : () -> ()
    %barrier3A_32 = arith.constant 0 : index
    tpu.barrier barrier_id(%barrier3A_32)
    %mul3A_33 = arith.constant 640 : i32
    %mul3A_34 = arith.muli %arg1, %mul3A_33 : i32
    %mul3A_35 = arith.constant 640 : i32
    %mul3A_36 = arith.muli %arg1, %mul3A_35 : i32
    "tpu.region"() ({
      %run_scoped3A = tpu.sem_alloc : memref<!tpu.dma_semaphore, #tpu.memory_space<semaphore_mem>>
      %dma_start3A_37 = arith.constant 0 : i32
      %dma_start3A_38 = tpu.memref_slice %arg5[%arg0, %mul3A_36, %dma_start3A_37] : memref<2x10240x128xf32, #tpu.memory_space<hbm>> -> memref<1x640x128xf32, #tpu.memory_space<hbm>>
      %dma_start3A_39 = tpu.memref_squeeze %dma_start3A_38 : memref<1x640x128xf32, #tpu.memory_space<hbm>> -> memref<640x128xf32, #tpu.memory_space<hbm>>
      %dma_start3A_40 = arith.constant 0 : i32
      %dma_start3A_41 = tpu.memref_slice %arg16[%mul3A_34, %dma_start3A_40] : memref<10240x128xf32, #tpu.memory_space<vmem_shared>> -> memref<640x128xf32, #tpu.memory_space<vmem_shared>>
      tpu.enqueue_dma source(%dma_start3A_41 : memref<640x128xf32, #tpu.memory_space<vmem_shared>>) target(%dma_start3A_39 : memref<640x128xf32, #tpu.memory_space<hbm>>) target_semaphore(%run_scoped3A : memref<!tpu.dma_semaphore, #tpu.memory_space<semaphore_mem>>)
      %dma_wait3A_42 = arith.constant 0 : i32
      %dma_wait3A_43 = tpu.memref_slice %arg5[%arg0, %mul3A_36, %dma_wait3A_42] : memref<2x10240x128xf32, #tpu.memory_space<hbm>> -> memref<1x640x128xf32, #tpu.memory_space<hbm>>
      %dma_wait3A_44 = tpu.memref_squeeze %dma_wait3A_43 : memref<1x640x128xf32, #tpu.memory_space<hbm>> -> memref<640x128xf32, #tpu.memory_space<hbm>>
      %dma_wait3A_45 = arith.constant 0 : i32
      %dma_wait3A_46 = tpu.memref_slice %arg16[%mul3A_34, %dma_wait3A_45] : memref<10240x128xf32, #tpu.memory_space<vmem_shared>> -> memref<640x128xf32, #tpu.memory_space<vmem_shared>>
      tpu.wait_dma2 semaphore(%run_scoped3A : memref<!tpu.dma_semaphore, #tpu.memory_space<semaphore_mem>>) src(%dma_wait3A_46 : memref<640x128xf32, #tpu.memory_space<vmem_shared>>) dst(%dma_wait3A_44 : memref<640x128xf32, #tpu.memory_space<hbm>>)
      tpu.yield
    }) : () -> ()
    return
  }
}

#map = affine_map<(d0, d1) -> (0)>
module attributes {stable_mosaic.version = 14 : i64} {
  func.func @_edge_head_body(%arg0: i32, %arg1: i32, %arg2: memref<10000xf32, #tpu.memory_space<hbm>>, %arg3: memref<10000xf32, #tpu.memory_space<hbm>>, %arg4: memref<102400xi32, #tpu.memory_space<hbm>>, %arg5: memref<102400xi32, #tpu.memory_space<hbm>>, %arg6: memref<102400xf32, #tpu.memory_space<hbm>>, %arg7: memref<128xi32, #tpu.memory_space<vmem>>, %arg8: memref<128xi32, #tpu.memory_space<vmem>>, %arg9: memref<128xf32, #tpu.memory_space<vmem>>, %arg10: memref<128xf32, #tpu.memory_space<vmem>>, %arg11: memref<128xf32, #tpu.memory_space<vmem>>, %arg12: memref<!tpu.dma_semaphore, #tpu.memory_space<semaphore_mem>>) attributes {dimension_semantics = [#tpu.dimension_semantics<core_parallel>, #tpu.dimension_semantics<subcore_parallel>], iteration_bounds = array<i64: 2, 16>, scalar_prefetch = 0 : i64, scratch_operands = 6 : i64, tpu.core_type = #tpu.core_type<sc_vector_subcore>, window_params = [{transform_indices = #map}, {transform_indices = #map}, {transform_indices = #map}, {transform_indices = #map}, {transform_indices = #map}]} {
    %mul3A = arith.constant 16 : i32
    %mul3A_0 = arith.muli %arg0, %mul3A : i32
    %add3A = arith.addi %mul3A_0, %arg1 : i32
    %mul3A_1 = arith.constant 3200 : i32
    %mul3A_2 = arith.muli %add3A, %mul3A_1 : i32
    %scan3A = arith.constant 0 : i32
    %scan3A_3 = arith.constant 0 : i32
    %scan3A_4 = arith.constant 25 : i32
    %scan3A_5 = arith.addi %scan3A_3, %scan3A_4 : i32
    %scan3A_6 = arith.constant 1 : i32
    scf.for %scan3A_8 = %scan3A_3 to %scan3A_5 step %scan3A_6  : i32 {
      %mul3A_9 = arith.constant 128 : i32
      %mul3A_10 = arith.muli %scan3A_8, %mul3A_9 : i32
      %add3A_11 = arith.addi %mul3A_2, %mul3A_10 : i32
      "tpu.region"() ({
        %run_scoped3A = tpu.sem_alloc : memref<!tpu.dma_semaphore, #tpu.memory_space<semaphore_mem>>
        %dma_start3A_181 = tpu.memref_slice %arg4[%add3A_11] : memref<102400xi32, #tpu.memory_space<hbm>> -> memref<128xi32, #tpu.memory_space<hbm>>
        %dma_start3A_182 = tpu.memref_slice %arg4[%add3A_11] : memref<102400xi32, #tpu.memory_space<hbm>> -> memref<128xi32, #tpu.memory_space<hbm>>
        tpu.enqueue_dma source(%dma_start3A_182 : memref<128xi32, #tpu.memory_space<hbm>>) target(%arg7 : memref<128xi32, #tpu.memory_space<vmem>>) target_semaphore(%run_scoped3A : memref<!tpu.dma_semaphore, #tpu.memory_space<semaphore_mem>>)
        %dma_wait3A_183 = tpu.memref_slice %arg4[%add3A_11] : memref<102400xi32, #tpu.memory_space<hbm>> -> memref<128xi32, #tpu.memory_space<hbm>>
        %dma_wait3A_184 = tpu.memref_slice %arg4[%add3A_11] : memref<102400xi32, #tpu.memory_space<hbm>> -> memref<128xi32, #tpu.memory_space<hbm>>
        tpu.wait_dma2 semaphore(%run_scoped3A : memref<!tpu.dma_semaphore, #tpu.memory_space<semaphore_mem>>) src(%dma_wait3A_184 : memref<128xi32, #tpu.memory_space<hbm>>) dst(%arg7 : memref<128xi32, #tpu.memory_space<vmem>>)
        tpu.yield
      }) : () -> ()
      "tpu.region"() ({
        %run_scoped3A = tpu.sem_alloc : memref<!tpu.dma_semaphore, #tpu.memory_space<semaphore_mem>>
        %dma_start3A_181 = tpu.memref_slice %arg5[%add3A_11] : memref<102400xi32, #tpu.memory_space<hbm>> -> memref<128xi32, #tpu.memory_space<hbm>>
        %dma_start3A_182 = tpu.memref_slice %arg5[%add3A_11] : memref<102400xi32, #tpu.memory_space<hbm>> -> memref<128xi32, #tpu.memory_space<hbm>>
        tpu.enqueue_dma source(%dma_start3A_182 : memref<128xi32, #tpu.memory_space<hbm>>) target(%arg8 : memref<128xi32, #tpu.memory_space<vmem>>) target_semaphore(%run_scoped3A : memref<!tpu.dma_semaphore, #tpu.memory_space<semaphore_mem>>)
        %dma_wait3A_183 = tpu.memref_slice %arg5[%add3A_11] : memref<102400xi32, #tpu.memory_space<hbm>> -> memref<128xi32, #tpu.memory_space<hbm>>
        %dma_wait3A_184 = tpu.memref_slice %arg5[%add3A_11] : memref<102400xi32, #tpu.memory_space<hbm>> -> memref<128xi32, #tpu.memory_space<hbm>>
        tpu.wait_dma2 semaphore(%run_scoped3A : memref<!tpu.dma_semaphore, #tpu.memory_space<semaphore_mem>>) src(%dma_wait3A_184 : memref<128xi32, #tpu.memory_space<hbm>>) dst(%arg8 : memref<128xi32, #tpu.memory_space<vmem>>)
        tpu.yield
      }) : () -> ()
      %dma_start3A = arith.constant 0 : i32
      %dma_start3A_12 = tpu.memref_slice %arg2[%dma_start3A] : memref<10000xf32, #tpu.memory_space<hbm>> -> memref<10000xf32, #tpu.memory_space<hbm>>
      tpu.enqueue_indirect_dma source(%dma_start3A_12 : memref<10000xf32, #tpu.memory_space<hbm>>) target(%arg9 : memref<128xf32, #tpu.memory_space<vmem>>) offsets(%arg7 : memref<128xi32, #tpu.memory_space<vmem>>) semaphore(%arg12 : memref<!tpu.dma_semaphore, #tpu.memory_space<semaphore_mem>>)
      %dma_wait3A = arith.constant 0 : i32
      %dma_wait3A_13 = tpu.memref_slice %arg2[%dma_wait3A] : memref<10000xf32, #tpu.memory_space<hbm>> -> memref<10000xf32, #tpu.memory_space<hbm>>
      tpu.wait_indirect_dma semaphore(%arg12 : memref<!tpu.dma_semaphore, #tpu.memory_space<semaphore_mem>>) src(%dma_wait3A_13 : memref<10000xf32, #tpu.memory_space<hbm>>) dst(%arg9 : memref<128xf32, #tpu.memory_space<vmem>>)
      %dma_start3A_14 = arith.constant 0 : i32
      %dma_start3A_15 = tpu.memref_slice %arg3[%dma_start3A_14] : memref<10000xf32, #tpu.memory_space<hbm>> -> memref<10000xf32, #tpu.memory_space<hbm>>
      tpu.enqueue_indirect_dma source(%dma_start3A_15 : memref<10000xf32, #tpu.memory_space<hbm>>) target(%arg10 : memref<128xf32, #tpu.memory_space<vmem>>) offsets(%arg8 : memref<128xi32, #tpu.memory_space<vmem>>) semaphore(%arg12 : memref<!tpu.dma_semaphore, #tpu.memory_space<semaphore_mem>>)
      %dma_wait3A_16 = arith.constant 0 : i32
      %dma_wait3A_17 = tpu.memref_slice %arg3[%dma_wait3A_16] : memref<10000xf32, #tpu.memory_space<hbm>> -> memref<10000xf32, #tpu.memory_space<hbm>>
      tpu.wait_indirect_dma semaphore(%arg12 : memref<!tpu.dma_semaphore, #tpu.memory_space<semaphore_mem>>) src(%dma_wait3A_17 : memref<10000xf32, #tpu.memory_space<hbm>>) dst(%arg10 : memref<128xf32, #tpu.memory_space<vmem>>)
      %get3A = arith.constant 0 : index
      %get3A_18 = tpu.vector_load %arg9[%get3A] {strides = array<i32>} : memref<128xf32, #tpu.memory_space<vmem>>, vector<16xf32>,
      %get3A_19 = vector.shape_cast %get3A_18 : vector<16xf32> to vector<16xf32>
      %get3A_20 = arith.constant 0 : index
      %get3A_21 = tpu.vector_load %arg10[%get3A_20] {strides = array<i32>} : memref<128xf32, #tpu.memory_space<vmem>>, vector<16xf32>,
      %get3A_22 = vector.shape_cast %get3A_21 : vector<16xf32> to vector<16xf32>
      %add3A_23 = arith.addf %get3A_19, %get3A_22 : vector<16xf32>
      %neg3A = arith.constant 0.000000e+00 : f32
      %neg3A_24 = vector.broadcast %neg3A : f32 to vector<16xf32>
      %neg3A_25 = arith.subf %neg3A_24, %add3A_23 : vector<16xf32>
      %exp3A = math.exp %neg3A_25 : vector<16xf32>
      %add3A_26 = arith.constant 1.000000e+00 : f32
      %add3A_27 = vector.broadcast %add3A_26 : f32 to vector<16xf32>
      %add3A_28 = arith.addf %add3A_27, %exp3A : vector<16xf32>
      %div3A = arith.constant 1.000000e+00 : f32
      %div3A_29 = vector.broadcast %div3A : f32 to vector<16xf32>
      %div3A_30 = arith.divf %div3A_29, %add3A_28 : vector<16xf32>
      %swap3A = arith.constant 0 : index
      %swap3A_31 = tpu.vector_load %arg11[%swap3A] {strides = array<i32>} : memref<128xf32, #tpu.memory_space<vmem>>, vector<16xf32>,
      %swap3A_32 = vector.shape_cast %swap3A_31 : vector<16xf32> to vector<16xf32>
      %swap3A_33 = vector.shape_cast %div3A_30 : vector<16xf32> to vector<16xf32>
      tpu.vector_store %arg11[%swap3A], %swap3A_33 {strides = array<i32>} : memref<128xf32, #tpu.memory_space<vmem>>, vector<16xf32>,
      %get3A_34 = arith.constant 16 : index
      %get3A_35 = tpu.vector_load %arg9[%get3A_34] {strides = array<i32>} : memref<128xf32, #tpu.memory_space<vmem>>, vector<16xf32>,
      %get3A_36 = vector.shape_cast %get3A_35 : vector<16xf32> to vector<16xf32>
      %get3A_37 = arith.constant 16 : index
      %get3A_38 = tpu.vector_load %arg10[%get3A_37] {strides = array<i32>} : memref<128xf32, #tpu.memory_space<vmem>>, vector<16xf32>,
      %get3A_39 = vector.shape_cast %get3A_38 : vector<16xf32> to vector<16xf32>
      %add3A_40 = arith.addf %get3A_36, %get3A_39 : vector<16xf32>
      %neg3A_41 = arith.constant 0.000000e+00 : f32
      %neg3A_42 = vector.broadcast %neg3A_41 : f32 to vector<16xf32>
      %neg3A_43 = arith.subf %neg3A_42, %add3A_40 : vector<16xf32>
      %exp3A_44 = math.exp %neg3A_43 : vector<16xf32>
      %add3A_45 = arith.constant 1.000000e+00 : f32
      %add3A_46 = vector.broadcast %add3A_45 : f32 to vector<16xf32>
      %add3A_47 = arith.addf %add3A_46, %exp3A_44 : vector<16xf32>
      %div3A_48 = arith.constant 1.000000e+00 : f32
      %div3A_49 = vector.broadcast %div3A_48 : f32 to vector<16xf32>
      %div3A_50 = arith.divf %div3A_49, %add3A_47 : vector<16xf32>
      %swap3A_51 = arith.constant 16 : index
      %swap3A_52 = tpu.vector_load %arg11[%swap3A_51] {strides = array<i32>} : memref<128xf32, #tpu.memory_space<vmem>>, vector<16xf32>,
      %swap3A_53 = vector.shape_cast %swap3A_52 : vector<16xf32> to vector<16xf32>
      %swap3A_54 = vector.shape_cast %div3A_50 : vector<16xf32> to vector<16xf32>
      tpu.vector_store %arg11[%swap3A_51], %swap3A_54 {strides = array<i32>} : memref<128xf32, #tpu.memory_space<vmem>>, vector<16xf32>,
      %get3A_55 = arith.constant 32 : index
      %get3A_56 = tpu.vector_load %arg9[%get3A_55] {strides = array<i32>} : memref<128xf32, #tpu.memory_space<vmem>>, vector<16xf32>,
      %get3A_57 = vector.shape_cast %get3A_56 : vector<16xf32> to vector<16xf32>
      %get3A_58 = arith.constant 32 : index
      %get3A_59 = tpu.vector_load %arg10[%get3A_58] {strides = array<i32>} : memref<128xf32, #tpu.memory_space<vmem>>, vector<16xf32>,
      %get3A_60 = vector.shape_cast %get3A_59 : vector<16xf32> to vector<16xf32>
      %add3A_61 = arith.addf %get3A_57, %get3A_60 : vector<16xf32>
      %neg3A_62 = arith.constant 0.000000e+00 : f32
      %neg3A_63 = vector.broadcast %neg3A_62 : f32 to vector<16xf32>
      %neg3A_64 = arith.subf %neg3A_63, %add3A_61 : vector<16xf32>
      %exp3A_65 = math.exp %neg3A_64 : vector<16xf32>
      %add3A_66 = arith.constant 1.000000e+00 : f32
      %add3A_67 = vector.broadcast %add3A_66 : f32 to vector<16xf32>
      %add3A_68 = arith.addf %add3A_67, %exp3A_65 : vector<16xf32>
      %div3A_69 = arith.constant 1.000000e+00 : f32
      %div3A_70 = vector.broadcast %div3A_69 : f32 to vector<16xf32>
      %div3A_71 = arith.divf %div3A_70, %add3A_68 : vector<16xf32>
      %swap3A_72 = arith.constant 32 : index
      %swap3A_73 = tpu.vector_load %arg11[%swap3A_72] {strides = array<i32>} : memref<128xf32, #tpu.memory_space<vmem>>, vector<16xf32>,
      %swap3A_74 = vector.shape_cast %swap3A_73 : vector<16xf32> to vector<16xf32>
      %swap3A_75 = vector.shape_cast %div3A_71 : vector<16xf32> to vector<16xf32>
      tpu.vector_store %arg11[%swap3A_72], %swap3A_75 {strides = array<i32>} : memref<128xf32, #tpu.memory_space<vmem>>, vector<16xf32>,
      %get3A_76 = arith.constant 48 : index
      %get3A_77 = tpu.vector_load %arg9[%get3A_76] {strides = array<i32>} : memref<128xf32, #tpu.memory_space<vmem>>, vector<16xf32>,
      %get3A_78 = vector.shape_cast %get3A_77 : vector<16xf32> to vector<16xf32>
      %get3A_79 = arith.constant 48 : index
      %get3A_80 = tpu.vector_load %arg10[%get3A_79] {strides = array<i32>} : memref<128xf32, #tpu.memory_space<vmem>>, vector<16xf32>,
      %get3A_81 = vector.shape_cast %get3A_80 : vector<16xf32> to vector<16xf32>
      %add3A_82 = arith.addf %get3A_78, %get3A_81 : vector<16xf32>
      %neg3A_83 = arith.constant 0.000000e+00 : f32
      %neg3A_84 = vector.broadcast %neg3A_83 : f32 to vector<16xf32>
      %neg3A_85 = arith.subf %neg3A_84, %add3A_82 : vector<16xf32>
      %exp3A_86 = math.exp %neg3A_85 : vector<16xf32>
      %add3A_87 = arith.constant 1.000000e+00 : f32
      %add3A_88 = vector.broadcast %add3A_87 : f32 to vector<16xf32>
      %add3A_89 = arith.addf %add3A_88, %exp3A_86 : vector<16xf32>
      %div3A_90 = arith.constant 1.000000e+00 : f32
      %div3A_91 = vector.broadcast %div3A_90 : f32 to vector<16xf32>
      %div3A_92 = arith.divf %div3A_91, %add3A_89 : vector<16xf32>
      %swap3A_93 = arith.constant 48 : index
      %swap3A_94 = tpu.vector_load %arg11[%swap3A_93] {strides = array<i32>} : memref<128xf32, #tpu.memory_space<vmem>>, vector<16xf32>,
      %swap3A_95 = vector.shape_cast %swap3A_94 : vector<16xf32> to vector<16xf32>
      %swap3A_96 = vector.shape_cast %div3A_92 : vector<16xf32> to vector<16xf32>
      tpu.vector_store %arg11[%swap3A_93], %swap3A_96 {strides = array<i32>} : memref<128xf32, #tpu.memory_space<vmem>>, vector<16xf32>,
      %get3A_97 = arith.constant 64 : index
      %get3A_98 = tpu.vector_load %arg9[%get3A_97] {strides = array<i32>} : memref<128xf32, #tpu.memory_space<vmem>>, vector<16xf32>,
      %get3A_99 = vector.shape_cast %get3A_98 : vector<16xf32> to vector<16xf32>
      %get3A_100 = arith.constant 64 : index
      %get3A_101 = tpu.vector_load %arg10[%get3A_100] {strides = array<i32>} : memref<128xf32, #tpu.memory_space<vmem>>, vector<16xf32>,
      %get3A_102 = vector.shape_cast %get3A_101 : vector<16xf32> to vector<16xf32>
      %add3A_103 = arith.addf %get3A_99, %get3A_102 : vector<16xf32>
      %neg3A_104 = arith.constant 0.000000e+00 : f32
      %neg3A_105 = vector.broadcast %neg3A_104 : f32 to vector<16xf32>
      %neg3A_106 = arith.subf %neg3A_105, %add3A_103 : vector<16xf32>
      %exp3A_107 = math.exp %neg3A_106 : vector<16xf32>
      %add3A_108 = arith.constant 1.000000e+00 : f32
      %add3A_109 = vector.broadcast %add3A_108 : f32 to vector<16xf32>
      %add3A_110 = arith.addf %add3A_109, %exp3A_107 : vector<16xf32>
      %div3A_111 = arith.constant 1.000000e+00 : f32
      %div3A_112 = vector.broadcast %div3A_111 : f32 to vector<16xf32>
      %div3A_113 = arith.divf %div3A_112, %add3A_110 : vector<16xf32>
      %swap3A_114 = arith.constant 64 : index
      %swap3A_115 = tpu.vector_load %arg11[%swap3A_114] {strides = array<i32>} : memref<128xf32, #tpu.memory_space<vmem>>, vector<16xf32>,
      %swap3A_116 = vector.shape_cast %swap3A_115 : vector<16xf32> to vector<16xf32>
      %swap3A_117 = vector.shape_cast %div3A_113 : vector<16xf32> to vector<16xf32>
      tpu.vector_store %arg11[%swap3A_114], %swap3A_117 {strides = array<i32>} : memref<128xf32, #tpu.memory_space<vmem>>, vector<16xf32>,
      %get3A_118 = arith.constant 80 : index
      %get3A_119 = tpu.vector_load %arg9[%get3A_118] {strides = array<i32>} : memref<128xf32, #tpu.memory_space<vmem>>, vector<16xf32>,
      %get3A_120 = vector.shape_cast %get3A_119 : vector<16xf32> to vector<16xf32>
      %get3A_121 = arith.constant 80 : index
      %get3A_122 = tpu.vector_load %arg10[%get3A_121] {strides = array<i32>} : memref<128xf32, #tpu.memory_space<vmem>>, vector<16xf32>,
      %get3A_123 = vector.shape_cast %get3A_122 : vector<16xf32> to vector<16xf32>
      %add3A_124 = arith.addf %get3A_120, %get3A_123 : vector<16xf32>
      %neg3A_125 = arith.constant 0.000000e+00 : f32
      %neg3A_126 = vector.broadcast %neg3A_125 : f32 to vector<16xf32>
      %neg3A_127 = arith.subf %neg3A_126, %add3A_124 : vector<16xf32>
      %exp3A_128 = math.exp %neg3A_127 : vector<16xf32>
      %add3A_129 = arith.constant 1.000000e+00 : f32
      %add3A_130 = vector.broadcast %add3A_129 : f32 to vector<16xf32>
      %add3A_131 = arith.addf %add3A_130, %exp3A_128 : vector<16xf32>
      %div3A_132 = arith.constant 1.000000e+00 : f32
      %div3A_133 = vector.broadcast %div3A_132 : f32 to vector<16xf32>
      %div3A_134 = arith.divf %div3A_133, %add3A_131 : vector<16xf32>
      %swap3A_135 = arith.constant 80 : index
      %swap3A_136 = tpu.vector_load %arg11[%swap3A_135] {strides = array<i32>} : memref<128xf32, #tpu.memory_space<vmem>>, vector<16xf32>,
      %swap3A_137 = vector.shape_cast %swap3A_136 : vector<16xf32> to vector<16xf32>
      %swap3A_138 = vector.shape_cast %div3A_134 : vector<16xf32> to vector<16xf32>
      tpu.vector_store %arg11[%swap3A_135], %swap3A_138 {strides = array<i32>} : memref<128xf32, #tpu.memory_space<vmem>>, vector<16xf32>,
      %get3A_139 = arith.constant 96 : index
      %get3A_140 = tpu.vector_load %arg9[%get3A_139] {strides = array<i32>} : memref<128xf32, #tpu.memory_space<vmem>>, vector<16xf32>,
      %get3A_141 = vector.shape_cast %get3A_140 : vector<16xf32> to vector<16xf32>
      %get3A_142 = arith.constant 96 : index
      %get3A_143 = tpu.vector_load %arg10[%get3A_142] {strides = array<i32>} : memref<128xf32, #tpu.memory_space<vmem>>, vector<16xf32>,
      %get3A_144 = vector.shape_cast %get3A_143 : vector<16xf32> to vector<16xf32>
      %add3A_145 = arith.addf %get3A_141, %get3A_144 : vector<16xf32>
      %neg3A_146 = arith.constant 0.000000e+00 : f32
      %neg3A_147 = vector.broadcast %neg3A_146 : f32 to vector<16xf32>
      %neg3A_148 = arith.subf %neg3A_147, %add3A_145 : vector<16xf32>
      %exp3A_149 = math.exp %neg3A_148 : vector<16xf32>
      %add3A_150 = arith.constant 1.000000e+00 : f32
      %add3A_151 = vector.broadcast %add3A_150 : f32 to vector<16xf32>
      %add3A_152 = arith.addf %add3A_151, %exp3A_149 : vector<16xf32>
      %div3A_153 = arith.constant 1.000000e+00 : f32
      %div3A_154 = vector.broadcast %div3A_153 : f32 to vector<16xf32>
      %div3A_155 = arith.divf %div3A_154, %add3A_152 : vector<16xf32>
      %swap3A_156 = arith.constant 96 : index
      %swap3A_157 = tpu.vector_load %arg11[%swap3A_156] {strides = array<i32>} : memref<128xf32, #tpu.memory_space<vmem>>, vector<16xf32>,
      %swap3A_158 = vector.shape_cast %swap3A_157 : vector<16xf32> to vector<16xf32>
      %swap3A_159 = vector.shape_cast %div3A_155 : vector<16xf32> to vector<16xf32>
      tpu.vector_store %arg11[%swap3A_156], %swap3A_159 {strides = array<i32>} : memref<128xf32, #tpu.memory_space<vmem>>, vector<16xf32>,
      %get3A_160 = arith.constant 112 : index
      %get3A_161 = tpu.vector_load %arg9[%get3A_160] {strides = array<i32>} : memref<128xf32, #tpu.memory_space<vmem>>, vector<16xf32>,
      %get3A_162 = vector.shape_cast %get3A_161 : vector<16xf32> to vector<16xf32>
      %get3A_163 = arith.constant 112 : index
      %get3A_164 = tpu.vector_load %arg10[%get3A_163] {strides = array<i32>} : memref<128xf32, #tpu.memory_space<vmem>>, vector<16xf32>,
      %get3A_165 = vector.shape_cast %get3A_164 : vector<16xf32> to vector<16xf32>
      %add3A_166 = arith.addf %get3A_162, %get3A_165 : vector<16xf32>
      %neg3A_167 = arith.constant 0.000000e+00 : f32
      %neg3A_168 = vector.broadcast %neg3A_167 : f32 to vector<16xf32>
      %neg3A_169 = arith.subf %neg3A_168, %add3A_166 : vector<16xf32>
      %exp3A_170 = math.exp %neg3A_169 : vector<16xf32>
      %add3A_171 = arith.constant 1.000000e+00 : f32
      %add3A_172 = vector.broadcast %add3A_171 : f32 to vector<16xf32>
      %add3A_173 = arith.addf %add3A_172, %exp3A_170 : vector<16xf32>
      %div3A_174 = arith.constant 1.000000e+00 : f32
      %div3A_175 = vector.broadcast %div3A_174 : f32 to vector<16xf32>
      %div3A_176 = arith.divf %div3A_175, %add3A_173 : vector<16xf32>
      %swap3A_177 = arith.constant 112 : index
      %swap3A_178 = tpu.vector_load %arg11[%swap3A_177] {strides = array<i32>} : memref<128xf32, #tpu.memory_space<vmem>>, vector<16xf32>,
      %swap3A_179 = vector.shape_cast %swap3A_178 : vector<16xf32> to vector<16xf32>
      %swap3A_180 = vector.shape_cast %div3A_176 : vector<16xf32> to vector<16xf32>
      tpu.vector_store %arg11[%swap3A_177], %swap3A_180 {strides = array<i32>} : memref<128xf32, #tpu.memory_space<vmem>>, vector<16xf32>,
      "tpu.region"() ({
        %run_scoped3A = tpu.sem_alloc : memref<!tpu.dma_semaphore, #tpu.memory_space<semaphore_mem>>
        %dma_start3A_181 = tpu.memref_slice %arg6[%add3A_11] : memref<102400xf32, #tpu.memory_space<hbm>> -> memref<128xf32, #tpu.memory_space<hbm>>
        %dma_start3A_182 = tpu.memref_slice %arg6[%add3A_11] : memref<102400xf32, #tpu.memory_space<hbm>> -> memref<128xf32, #tpu.memory_space<hbm>>
        tpu.enqueue_dma source(%arg11 : memref<128xf32, #tpu.memory_space<vmem>>) target(%dma_start3A_182 : memref<128xf32, #tpu.memory_space<hbm>>) target_semaphore(%run_scoped3A : memref<!tpu.dma_semaphore, #tpu.memory_space<semaphore_mem>>)
        %dma_wait3A_183 = tpu.memref_slice %arg6[%add3A_11] : memref<102400xf32, #tpu.memory_space<hbm>> -> memref<128xf32, #tpu.memory_space<hbm>>
        %dma_wait3A_184 = tpu.memref_slice %arg6[%add3A_11] : memref<102400xf32, #tpu.memory_space<hbm>> -> memref<128xf32, #tpu.memory_space<hbm>>
        tpu.wait_dma2 semaphore(%run_scoped3A : memref<!tpu.dma_semaphore, #tpu.memory_space<semaphore_mem>>) src(%arg11 : memref<128xf32, #tpu.memory_space<vmem>>) dst(%dma_wait3A_184 : memref<128xf32, #tpu.memory_space<hbm>>)
        tpu.yield
      }) : () -> ()
    }
    %scan3A_7 = arith.constant 25 : i32
    return
  }
}

module attributes {stable_mosaic.version = 14 : i64} {
  func.func @_embed_body(%arg0: i32, %arg1: memref<2000x1xi32, #tpu.memory_space<vmem>>, %arg2: memref<64x128xf32, #tpu.memory_space<vmem>>, %arg3: memref<2000x128xf32, #tpu.memory_space<vmem>>) attributes {dimension_semantics = [#tpu.dimension_semantics<arbitrary>], iteration_bounds = array<i64: 5>, scalar_prefetch = 0 : i64, scratch_operands = 0 : i64, tpu.core_type = #tpu.core_type<tc>, window_params = [{transform_indices = @transform_0, window_bounds = array<i64: 2000, 1>}, {pipeline_mode = #tpu.pipeline_mode<synchronous>, transform_indices = @transform_1, window_bounds = array<i64: 64, 128>}, {transform_indices = @transform_2, window_bounds = array<i64: 2000, 128>}]} {
    %get3A = arith.constant 0 : index
    %get3A_0 = arith.constant 0 : index
    %get3A_1 = vector.load %arg1[%get3A, %get3A_0] : memref<2000x1xi32, #tpu.memory_space<vmem>>, vector<2000x1xi32>
    %iota3A = tpu.iota {dimensions = array<i32: 1>} : vector<2000x64xi32>
    %eq3A = vector.broadcast %get3A_1 : vector<2000x1xi32> to vector<2000x64xi32>
    %eq3A_2 = arith.cmpi eq, %eq3A, %iota3A : vector<2000x64xi32>
    %convert_element_type3A = arith.extui %eq3A_2 : vector<2000x64xi1> to vector<2000x64xi32>
    %convert_element_type3A_3 = arith.sitofp %convert_element_type3A : vector<2000x64xi32> to vector<2000x64xf32>
    %get3A_4 = arith.constant 0 : index
    %get3A_5 = arith.constant 0 : index
    %get3A_6 = vector.load %arg2[%get3A_4, %get3A_5] : memref<64x128xf32, #tpu.memory_space<vmem>>, vector<64x128xf32>
    %dot_general3A = arith.constant dense<0.000000e+00> : vector<2000x128xf32>
    %dot_general3A_7 = tpu.matmul %convert_element_type3A_3, %get3A_6, %dot_general3A {dimension_numbers = #tpu.dot_dimension_numbers<[1], [0], [0], [1], [0, 0, 1, 1], [], []>, precision = #tpu.contract_precision<fp32>, transpose_lhs_hint = false} : vector<2000x64xf32>, vector<64x128xf32>, vector<2000x128xf32> -> vector<2000x128xf32>
    %swap3A = arith.constant 0 : index
    %swap3A_8 = arith.constant 0 : index
    %swap3A_9 = vector.load %arg3[%swap3A, %swap3A_8] : memref<2000x128xf32, #tpu.memory_space<vmem>>, vector<2000x128xf32>
    tpu.vector_store %arg3[%swap3A, %swap3A_8], %dot_general3A_7 {strides = array<i32>} : memref<2000x128xf32, #tpu.memory_space<vmem>>, vector<2000x128xf32>,
    return
  }
  func.func @transform_0(%arg0: i32) -> (i32, i32) {
    %c0_i32 = arith.constant 0 : i32
    %c0_i32_0 = arith.constant 0 : i32
    return %arg0, %c0_i32 : i32, i32
  }
  func.func @transform_1(%arg0: i32) -> (i32, i32) {
    %c0_i32 = arith.constant 0 : i32
    %c0_i32_0 = arith.constant 0 : i32
    %c0_i32_1 = arith.constant 0 : i32
    return %c0_i32, %c0_i32_0 : i32, i32
  }
  func.func @transform_2(%arg0: i32) -> (i32, i32) {
    %c0_i32 = arith.constant 0 : i32
    %c0_i32_0 = arith.constant 0 : i32
    return %arg0, %c0_i32 : i32, i32
  }
}

module attributes {stable_mosaic.version = 14 : i64} {
  func.func @_msg_body(%arg0: i32, %arg1: memref<2000x128xf32, #tpu.memory_space<vmem>>, %arg2: memref<2000x1xf32, #tpu.memory_space<vmem>>, %arg3: memref<129x128xf32, #tpu.memory_space<vmem>>, %arg4: memref<1x128xf32, #tpu.memory_space<vmem>>, %arg5: memref<2000x128xf32, #tpu.memory_space<vmem>>) attributes {dimension_semantics = [#tpu.dimension_semantics<arbitrary>], iteration_bounds = array<i64: 160>, scalar_prefetch = 0 : i64, scratch_operands = 0 : i64, tpu.core_type = #tpu.core_type<tc>, window_params = [{transform_indices = @transform_0, window_bounds = array<i64: 2000, 128>}, {transform_indices = @transform_1, window_bounds = array<i64: 2000, 1>}, {pipeline_mode = #tpu.pipeline_mode<synchronous>, transform_indices = @transform_2, window_bounds = array<i64: 129, 128>}, {pipeline_mode = #tpu.pipeline_mode<synchronous>, transform_indices = @transform_3, window_bounds = array<i64: 1, 128>}, {transform_indices = @transform_4, window_bounds = array<i64: 2000, 128>}]} {
    %get3A = arith.constant 0 : index
    %get3A_0 = arith.constant 0 : index
    %get3A_1 = vector.load %arg1[%get3A, %get3A_0] : memref<2000x128xf32, #tpu.memory_space<vmem>>, vector<2000x128xf32>
    %get3A_2 = arith.constant 0 : index
    %get3A_3 = arith.constant 0 : index
    %get3A_4 = vector.load %arg2[%get3A_2, %get3A_3] : memref<2000x1xf32, #tpu.memory_space<vmem>>, vector<2000x1xf32>
    %concatenate3A = tpu.concatenate %get3A_1, %get3A_4 in 1 : vector<2000x128xf32>, vector<2000x1xf32> -> vector<2000x129xf32>
    %get3A_5 = arith.constant 0 : index
    %get3A_6 = arith.constant 0 : index
    %get3A_7 = vector.load %arg3[%get3A_5, %get3A_6] : memref<129x128xf32, #tpu.memory_space<vmem>>, vector<129x128xf32>
    %dot_general3A = arith.constant dense<0.000000e+00> : vector<2000x128xf32>
    %dot_general3A_8 = tpu.matmul %concatenate3A, %get3A_7, %dot_general3A {dimension_numbers = #tpu.dot_dimension_numbers<[1], [0], [0], [1], [0, 0, 1, 1], [], []>, transpose_lhs_hint = false} : vector<2000x129xf32>, vector<129x128xf32>, vector<2000x128xf32> -> vector<2000x128xf32>
    %get3A_9 = arith.constant 0 : index
    %get3A_10 = arith.constant 0 : index
    %get3A_11 = vector.load %arg4[%get3A_9, %get3A_10] : memref<1x128xf32, #tpu.memory_space<vmem>>, vector<1x128xf32>
    %add3A = vector.broadcast %get3A_11 : vector<1x128xf32> to vector<2000x128xf32>
    %add3A_12 = arith.addf %dot_general3A_8, %add3A : vector<2000x128xf32>
    %swap3A = arith.constant 0 : index
    %swap3A_13 = arith.constant 0 : index
    %swap3A_14 = vector.load %arg5[%swap3A, %swap3A_13] : memref<2000x128xf32, #tpu.memory_space<vmem>>, vector<2000x128xf32>
    tpu.vector_store %arg5[%swap3A, %swap3A_13], %add3A_12 {strides = array<i32>} : memref<2000x128xf32, #tpu.memory_space<vmem>>, vector<2000x128xf32>,
    return
  }
  func.func @transform_0(%arg0: i32) -> (i32, i32) {
    %c0_i32 = arith.constant 0 : i32
    %c0_i32_0 = arith.constant 0 : i32
    return %arg0, %c0_i32 : i32, i32
  }
  func.func @transform_1(%arg0: i32) -> (i32, i32) {
    %c0_i32 = arith.constant 0 : i32
    %c0_i32_0 = arith.constant 0 : i32
    return %arg0, %c0_i32 : i32, i32
  }
  func.func @transform_2(%arg0: i32) -> (i32, i32) {
    %c0_i32 = arith.constant 0 : i32
    %c0_i32_0 = arith.constant 0 : i32
    %c0_i32_1 = arith.constant 0 : i32
    return %c0_i32, %c0_i32_0 : i32, i32
  }
  func.func @transform_3(%arg0: i32) -> (i32, i32) {
    %c0_i32 = arith.constant 0 : i32
    %c0_i32_0 = arith.constant 0 : i32
    %c0_i32_1 = arith.constant 0 : i32
    return %c0_i32, %c0_i32_0 : i32, i32
  }
  func.func @transform_4(%arg0: i32) -> (i32, i32) {
    %c0_i32 = arith.constant 0 : i32
    %c0_i32_0 = arith.constant 0 : i32
    return %arg0, %c0_i32 : i32, i32
  }
}

module attributes {stable_mosaic.version = 14 : i64} {
  func.func @_dense_body(%arg0: i32, %arg1: memref<2000x128xf32, #tpu.memory_space<vmem>>, %arg2: memref<2x2000x128xf32, #tpu.memory_space<vmem>>, %arg3: memref<128x128xf32, #tpu.memory_space<vmem>>, %arg4: memref<1x128xf32, #tpu.memory_space<vmem>>, %arg5: memref<2000x128xf32, #tpu.memory_space<vmem>>) attributes {dimension_semantics = [#tpu.dimension_semantics<arbitrary>], iteration_bounds = array<i64: 5>, scalar_prefetch = 0 : i64, scratch_operands = 0 : i64, tpu.core_type = #tpu.core_type<tc>, window_params = [{transform_indices = @transform_0, window_bounds = array<i64: 2000, 128>}, {transform_indices = @transform_1, window_bounds = array<i64: 2, 2000, 128>}, {pipeline_mode = #tpu.pipeline_mode<synchronous>, transform_indices = @transform_2, window_bounds = array<i64: 128, 128>}, {pipeline_mode = #tpu.pipeline_mode<synchronous>, transform_indices = @transform_3, window_bounds = array<i64: 1, 128>}, {transform_indices = @transform_4, window_bounds = array<i64: 2000, 128>}]} {
    %get3A = arith.constant 0 : index
    %get3A_0 = arith.constant 0 : index
    %get3A_1 = arith.constant 0 : index
    %get3A_2 = vector.load %arg2[%get3A, %get3A_0, %get3A_1] : memref<2x2000x128xf32, #tpu.memory_space<vmem>>, vector<1x2000x128xf32>
    %get3A_3 = vector.shape_cast %get3A_2 : vector<1x2000x128xf32> to vector<2000x128xf32>
    %get3A_4 = arith.constant 1 : index
    %get3A_5 = arith.constant 0 : index
    %get3A_6 = arith.constant 0 : index
    %get3A_7 = vector.load %arg2[%get3A_4, %get3A_5, %get3A_6] : memref<2x2000x128xf32, #tpu.memory_space<vmem>>, vector<1x2000x128xf32>
    %get3A_8 = vector.shape_cast %get3A_7 : vector<1x2000x128xf32> to vector<2000x128xf32>
    %add3A = arith.addf %get3A_3, %get3A_8 : vector<2000x128xf32>
    %get3A_9 = arith.constant 0 : index
    %get3A_10 = arith.constant 0 : index
    %get3A_11 = vector.load %arg1[%get3A_9, %get3A_10] : memref<2000x128xf32, #tpu.memory_space<vmem>>, vector<2000x128xf32>
    %get3A_12 = arith.constant 0 : index
    %get3A_13 = arith.constant 0 : index
    %get3A_14 = vector.load %arg3[%get3A_12, %get3A_13] : memref<128x128xf32, #tpu.memory_space<vmem>>, vector<128x128xf32>
    %dot_general3A = arith.constant dense<0.000000e+00> : vector<2000x128xf32>
    %dot_general3A_15 = tpu.matmul %get3A_11, %get3A_14, %dot_general3A {dimension_numbers = #tpu.dot_dimension_numbers<[1], [0], [0], [1], [0, 0, 1, 1], [], []>, transpose_lhs_hint = false} : vector<2000x128xf32>, vector<128x128xf32>, vector<2000x128xf32> -> vector<2000x128xf32>
    %get3A_16 = arith.constant 0 : index
    %get3A_17 = arith.constant 0 : index
    %get3A_18 = vector.load %arg4[%get3A_16, %get3A_17] : memref<1x128xf32, #tpu.memory_space<vmem>>, vector<1x128xf32>
    %add3A_19 = vector.broadcast %get3A_18 : vector<1x128xf32> to vector<2000x128xf32>
    %add3A_20 = arith.addf %dot_general3A_15, %add3A_19 : vector<2000x128xf32>
    %add3A_21 = arith.addf %add3A_20, %add3A : vector<2000x128xf32>
    %max3A = arith.constant 0.000000e+00 : f32
    %max3A_22 = vector.broadcast %max3A : f32 to vector<2000x128xf32>
    %max3A_23 = arith.maximumf %add3A_21, %max3A_22 : vector<2000x128xf32>
    %swap3A = arith.constant 0 : index
    %swap3A_24 = arith.constant 0 : index
    %swap3A_25 = vector.load %arg5[%swap3A, %swap3A_24] : memref<2000x128xf32, #tpu.memory_space<vmem>>, vector<2000x128xf32>
    tpu.vector_store %arg5[%swap3A, %swap3A_24], %max3A_23 {strides = array<i32>} : memref<2000x128xf32, #tpu.memory_space<vmem>>, vector<2000x128xf32>,
    return
  }
  func.func @transform_0(%arg0: i32) -> (i32, i32) {
    %c0_i32 = arith.constant 0 : i32
    %c0_i32_0 = arith.constant 0 : i32
    return %arg0, %c0_i32 : i32, i32
  }
  func.func @transform_1(%arg0: i32) -> (i32, i32, i32) {
    %c0_i32 = arith.constant 0 : i32
    %c0_i32_0 = arith.constant 0 : i32
    %c0_i32_1 = arith.constant 0 : i32
    return %c0_i32, %arg0, %c0_i32_0 : i32, i32, i32
  }
  func.func @transform_2(%arg0: i32) -> (i32, i32) {
    %c0_i32 = arith.constant 0 : i32
    %c0_i32_0 = arith.constant 0 : i32
    %c0_i32_1 = arith.constant 0 : i32
    return %c0_i32, %c0_i32_0 : i32, i32
  }
  func.func @transform_3(%arg0: i32) -> (i32, i32) {
    %c0_i32 = arith.constant 0 : i32
    %c0_i32_0 = arith.constant 0 : i32
    %c0_i32_1 = arith.constant 0 : i32
    return %c0_i32, %c0_i32_0 : i32, i32
  }
  func.func @transform_4(%arg0: i32) -> (i32, i32) {
    %c0_i32 = arith.constant 0 : i32
    %c0_i32_0 = arith.constant 0 : i32
    return %arg0, %c0_i32 : i32, i32
  }
}

module attributes {stable_mosaic.version = 14 : i64} {
  func.func @_heads_body(%arg0: i32, %arg1: memref<2000x128xf32, #tpu.memory_space<vmem>>, %arg2: memref<128x128xf32, #tpu.memory_space<vmem>>, %arg3: memref<1x128xf32, #tpu.memory_space<vmem>>, %arg4: memref<128x128xf32, #tpu.memory_space<vmem>>, %arg5: memref<1x128xf32, #tpu.memory_space<vmem>>, %arg6: memref<2000x8xf32, #tpu.memory_space<vmem>>) attributes {dimension_semantics = [#tpu.dimension_semantics<arbitrary>], iteration_bounds = array<i64: 5>, scalar_prefetch = 0 : i64, scratch_operands = 0 : i64, tpu.core_type = #tpu.core_type<tc>, window_params = [{transform_indices = @transform_0, window_bounds = array<i64: 2000, 128>}, {pipeline_mode = #tpu.pipeline_mode<synchronous>, transform_indices = @transform_1, window_bounds = array<i64: 128, 128>}, {pipeline_mode = #tpu.pipeline_mode<synchronous>, transform_indices = @transform_2, window_bounds = array<i64: 1, 128>}, {pipeline_mode = #tpu.pipeline_mode<synchronous>, transform_indices = @transform_3, window_bounds = array<i64: 128, 128>}, {pipeline_mode = #tpu.pipeline_mode<synchronous>, transform_indices = @transform_4, window_bounds = array<i64: 1, 128>}, {transform_indices = @transform_5, window_bounds = array<i64: 2000, 8>}]} {
    %get3A = arith.constant 0 : index
    %get3A_0 = arith.constant 0 : index
    %get3A_1 = vector.load %arg1[%get3A, %get3A_0] : memref<2000x128xf32, #tpu.memory_space<vmem>>, vector<2000x128xf32>
    %get3A_2 = arith.constant 0 : index
    %get3A_3 = arith.constant 0 : index
    %get3A_4 = vector.load %arg2[%get3A_2, %get3A_3] : memref<128x128xf32, #tpu.memory_space<vmem>>, vector<128x128xf32>
    %dot_general3A = arith.constant dense<0.000000e+00> : vector<2000x128xf32>
    %dot_general3A_5 = tpu.matmul %get3A_1, %get3A_4, %dot_general3A {dimension_numbers = #tpu.dot_dimension_numbers<[1], [0], [0], [1], [0, 0, 1, 1], [], []>, transpose_lhs_hint = false} : vector<2000x128xf32>, vector<128x128xf32>, vector<2000x128xf32> -> vector<2000x128xf32>
    %get3A_6 = arith.constant 0 : index
    %get3A_7 = arith.constant 0 : index
    %get3A_8 = vector.load %arg3[%get3A_6, %get3A_7] : memref<1x128xf32, #tpu.memory_space<vmem>>, vector<1x128xf32>
    %add3A = vector.broadcast %get3A_8 : vector<1x128xf32> to vector<2000x128xf32>
    %add3A_9 = arith.addf %dot_general3A_5, %add3A : vector<2000x128xf32>
    %get3A_10 = arith.constant 0 : index
    %get3A_11 = arith.constant 0 : index
    %get3A_12 = vector.load %arg4[%get3A_10, %get3A_11] : memref<128x128xf32, #tpu.memory_space<vmem>>, vector<128x128xf32>
    %dot_general3A_13 = arith.constant dense<0.000000e+00> : vector<2000x128xf32>
    %dot_general3A_14 = tpu.matmul %add3A_9, %get3A_12, %dot_general3A_13 {dimension_numbers = #tpu.dot_dimension_numbers<[1], [0], [0], [1], [0, 0, 1, 1], [], []>, transpose_lhs_hint = false} : vector<2000x128xf32>, vector<128x128xf32>, vector<2000x128xf32> -> vector<2000x128xf32>
    %get3A_15 = arith.constant 0 : index
    %get3A_16 = arith.constant 0 : index
    %get3A_17 = vector.load %arg5[%get3A_15, %get3A_16] : memref<1x128xf32, #tpu.memory_space<vmem>>, vector<1x128xf32>
    %add3A_18 = vector.broadcast %get3A_17 : vector<1x128xf32> to vector<2000x128xf32>
    %add3A_19 = arith.addf %dot_general3A_14, %add3A_18 : vector<2000x128xf32>
    %iota3A = tpu.iota {dimensions = array<i32: 1>} : vector<2000x128xi32>
    %eq3A = arith.constant 2 : i32
    %eq3A_20 = vector.broadcast %eq3A : i32 to vector<2000x128xi32>
    %eq3A_21 = arith.cmpi eq, %iota3A, %eq3A_20 : vector<2000x128xi32>
    %logistic3A = arith.negf %add3A_19 : vector<2000x128xf32>
    %logistic3A_22 = math.exp %logistic3A : vector<2000x128xf32>
    %logistic3A_23 = arith.constant 1.000000e+00 : f32
    %logistic3A_24 = vector.broadcast %logistic3A_23 : f32 to vector<2000x128xf32>
    %logistic3A_25 = arith.addf %logistic3A_24, %logistic3A_22 : vector<2000x128xf32>
    %logistic3A_26 = arith.divf %logistic3A_24, %logistic3A_25 : vector<2000x128xf32>
    %select_n3A = arith.select %eq3A_21, %logistic3A_26, %add3A_19 : vector<2000x128xi1>, vector<2000x128xf32>
    %slice3A = vector.extract_strided_slice %select_n3A {offsets = [0, 0], sizes = [2000, 8], strides = [1, 1]} : vector<2000x128xf32> to vector<2000x8xf32>
    %swap3A = arith.constant 0 : index
    %swap3A_27 = arith.constant 0 : index
    %swap3A_28 = vector.load %arg6[%swap3A, %swap3A_27] : memref<2000x8xf32, #tpu.memory_space<vmem>>, vector<2000x8xf32>
    tpu.vector_store %arg6[%swap3A, %swap3A_27], %slice3A {strides = array<i32>} : memref<2000x8xf32, #tpu.memory_space<vmem>>, vector<2000x8xf32>,
    return
  }
  func.func @transform_0(%arg0: i32) -> (i32, i32) {
    %c0_i32 = arith.constant 0 : i32
    %c0_i32_0 = arith.constant 0 : i32
    return %arg0, %c0_i32 : i32, i32
  }
  func.func @transform_1(%arg0: i32) -> (i32, i32) {
    %c0_i32 = arith.constant 0 : i32
    %c0_i32_0 = arith.constant 0 : i32
    %c0_i32_1 = arith.constant 0 : i32
    return %c0_i32, %c0_i32_0 : i32, i32
  }
  func.func @transform_2(%arg0: i32) -> (i32, i32) {
    %c0_i32 = arith.constant 0 : i32
    %c0_i32_0 = arith.constant 0 : i32
    %c0_i32_1 = arith.constant 0 : i32
    return %c0_i32, %c0_i32_0 : i32, i32
  }
  func.func @transform_3(%arg0: i32) -> (i32, i32) {
    %c0_i32 = arith.constant 0 : i32
    %c0_i32_0 = arith.constant 0 : i32
    %c0_i32_1 = arith.constant 0 : i32
    return %c0_i32, %c0_i32_0 : i32, i32
  }
  func.func @transform_4(%arg0: i32) -> (i32, i32) {
    %c0_i32 = arith.constant 0 : i32
    %c0_i32_0 = arith.constant 0 : i32
    %c0_i32_1 = arith.constant 0 : i32
    return %c0_i32, %c0_i32_0 : i32, i32
  }
  func.func @transform_5(%arg0: i32) -> (i32, i32) {
    %c0_i32 = arith.constant 0 : i32
    %c0_i32_0 = arith.constant 0 : i32
    return %arg0, %c0_i32 : i32, i32
  }
}

</mosaic_0001>

<sc_bundles>
// kernel: kernel.13.cloned.1.call-start
scs
__scs_entry_jumppad:
0x0: {  	(pc) =	sbr.rel $0x88, $3  }
0x1: {  	(tag) =	ssettag $0x0;
	lr =	simm.s32 $0x1  }
0x2: {  	[smem:$0x3F8E] =	sst lr;
	_ =	strace $0xD0000000  }
0x3: {  	_ = 	snop  }
0x4: {  	_ = 	snop  }
0x5: {  	_ = 	snop  }
0x6: {  	_ = 	snop  }
0x7: {  	_ = 	snop  }
__scs_overlays_trampoline_lowered:
0x8: {  	[smem:$0x3F9D] =	sst s0  }
0x9: {  	[smem:$0x3F9E] =	sst s1  }
0xa: {  	[smem:$0x3F9F] =	sst s2  }
0xb: {  	[smem:$0x3FA0] =	sst s3  }
0xc: {  	[smem:$0x3FA1] =	sst s4  }
0xd: {  	[smem:$0x3FA2] =	sst s5  }
0xe: {  	[smem:$0x3FA3] =	sst s6  }
0xf: {  	[smem:$0x3FA4] =	sst s7  }
0x10: {  	[smem:$0x3FA5] =	sst s8  }
0x11: {  	[smem:$0x3FA6] =	sst s9;
	s0 =	simm.s32 @!p0 $0x0  }
0x12: {  	s1 =	sld [smem:$0x3F8C];
	s0 =	simm.s32 @p0 $0x1  }
0x13: {  	[smem:$0x3FA7] =	sst s0;
	s0 =	simm.s32 @!p1 $0x0  }
0x14: {  	s2 =	sld [smem:$0x3F8B];
	s0 =	simm.s32 @p1 $0x1  }
0x15: {  	[smem:$0x3FA8] =	sst s0;
	s0 =	simm.s32 @!p2 $0x0  }
0x16: {  	s3 =	sld [smem:$0x3FDB];
	s0 =	simm.s32 @p2 $0x1  }
0x17: {  	s4 =	simm.s32 $0x1BF5;
	[smem:$0x3FAA] =	sst s0  }
0x18: {  	s0 =	sld [smem:$0x3F8D];
	_ =	swait.ge [sflag:s4], $0x0  }
0x19: {  	s7 =	sld [smem:$0x3F8E]  }
0x1a: {  	s8 =	sadd.s32 $0xFFFFE003, lr  }
0x1b: {  	s9 =	sadd.s32 $0xFFFFFEF7, lr;
	s5 =	simm.s32 $0xFFFFFFFF;
	p2 =	slt.u32 s8, $0xFFFFF086  }
0x1c: {  	p1 =	slt.u32 s9, $0xF7A;
	s5 =	simm.s32 @!p2 $0x0  }
0x1d: {  	s5 =	simm.s32 @p1 $0x1;
	p0 =	seq.s32 s7, s2  }
0x1e: {  	s7 =	smul.u32 @!p0 $0xF7A, s2;
	p2 =	seq.s32 @!p0 s5, $0x0  }
0x1f: {  	s9 =	smul.u32 $0xF7A, s1;
	s8 =	simm.s32 @!p0 $0x1BF5;
	p2 =	por !p2, p0  }
0x20: {  	[sflag:s8] =	ssyncset.s32 @!p0 $0xFFFFF086;
	s6 =	sadd.s32 @!p0 s3, s7;
	s7 =	simm.s32 @!p0 $0x108  }
0x21: {  	s3 =	sadd.s32 s3, s9;
	s6 =	sadd.s32 @!p0 $0x88, s6;
	s7 =	simm.s32 @p2 $0x1082  }
0x22: {  	[simem:s7], [sflag:s8] =	dma.local @!p0 [hbm:s6], $0xF7A  }
0x23: {  	s9 =	sor.u32 $0xD0000000, s2;
	s6 =	simm.s32 $0x108;
	_ =	swait.ge @!p0 [sflag:s8], $0x0  }
0x24: {  	s3 =	sadd.s32 $0x88, s3;
	s6 =	simm.s32 @!p1 $0x1082;
	[sflag:s4] =	ssyncset.s32 $0xFFFFF086  }
0x25: {  	[simem:s6], [sflag:s4] =	dma.local [hbm:s3], $0xF7A  }
0x26: {  	[smem:$0x3F8E] =	sst s1;
	(tag) =	ssettag s2;
	_ =	strace s9  }
0x27: {  	s1 =	sld [smem:$0x3F9E]  }
0x28: {  	s2 =	sld [smem:$0x3F9F]  }
0x29: {  	s4 =	sld [smem:$0x3FA1]  }
0x2a: {  	p0 =	seq.s32 s5, $0x0;
	s5 =	sld [smem:$0x3FA2]  }
0x2b: {  	s6 =	sld [smem:$0x3FA3]  }
0x2c: {  	s7 =	sld [smem:$0x3FA4]  }
0x2d: {  	s3 =	simm.s32 $0x108;
	s8 =	sld [smem:$0x3FA5]  }
0x2e: {  	s3 =	simm.s32 @!p0 $0x1082;
	s9 =	sld [smem:$0x3FA6]  }
0x2f: {  	lr =	sadd.s32 s0, s3;
	s0 =	sld [smem:$0x3F9D]  }
0x30: {  	s3 =	sld [smem:$0x3FA0]  }
0x31: {  	[smem:$0x3FA9] =	sst s10  }
0x32: {  	s10 =	sld [smem:$0x3FA7];
	_ =	sdelay $0x3  }
0x33: {  	p0 =	seq.s32 s10, $0x1;
	s10 =	sld [smem:$0x3FA9];
	_ =	sdelay $0x3  }
0x34: {  	[smem:$0x3FA9] =	sst s10  }
0x35: {  	s10 =	sld [smem:$0x3FA8];
	_ =	sdelay $0x3  }
0x36: {  	p1 =	seq.s32 s10, $0x1;
	s10 =	sld [smem:$0x3FA9];
	_ =	sdelay $0x3  }
0x37: {  	[smem:$0x3FA9] =	sst s10  }
0x38: {  	s10 =	sld [smem:$0x3FAA]  }
0x39: {  	_ = 	snop;
	(pc) =	sbr.ind lr, $3  }
0x3a: {  	_ = 	snop  }
0x3b: {  	_ = 	snop  }
0x3c: {  	p2 =	seq.s32 s10, $0x1;
	s10 =	sld [smem:$0x3FA9]  }
0x3d: {  	_ =	shalt  }
0x3e: {  	_ =	shalt  }
0x3f: {  	_ =	shalt  }
0x40: {  	_ =	shalt  }
0x41: {  	_ =	shalt  }
0x42: {  	_ =	shalt  }
0x43: {  	_ =	shalt  }
0x44: {  	_ =	shalt  }
0x45: {  	_ =	shalt  }
0x46: {  	_ =	shalt  }
0x47: {  	_ =	shalt  }
0x48: {  	_ =	shalt  }
0x49: {  	_ =	shalt  }
0x4a: {  	_ =	shalt  }
0x4b: {  	_ =	shalt  }
0x4c: {  	_ =	shalt  }
0x4d: {  	_ =	shalt  }
0x4e: {  	_ =	shalt  }
0x4f: {  	_ =	shalt  }
0x50: {  	_ =	shalt  }
0x51: {  	_ =	shalt  }
0x52: {  	_ =	shalt  }
0x53: {  	_ =	shalt  }
0x54: {  	_ =	shalt  }
0x55: {  	_ =	shalt  }
0x56: {  	_ =	shalt  }
0x57: {  	_ =	shalt  }
0x58: {  	_ =	shalt  }
0x59: {  	_ =	shalt  }
0x5a: {  	_ =	shalt  }
0x5b: {  	_ =	shalt  }
0x5c: {  	_ =	shalt  }
0x5d: {  	_ =	shalt  }
0x5e: {  	_ =	shalt  }
0x5f: {  	_ =	shalt  }
0x60: {  	_ =	shalt  }
0x61: {  	_ =	shalt  }
0x62: {  	_ =	shalt  }
0x63: {  	_ =	shalt  }
0x64: {  	_ =	shalt  }
0x65: {  	_ =	shalt  }
0x66: {  	_ =	shalt  }
0x67: {  	_ =	shalt  }
0x68: {  	_ =	shalt  }
0x69: {  	_ =	shalt  }
0x6a: {  	_ =	shalt  }
0x6b: {  	_ =	shalt  }
0x6c: {  	_ =	shalt  }
0x6d: {  	_ =	shalt  }
0x6e: {  	_ =	shalt  }
0x6f: {  	_ =	shalt  }
0x70: {  	_ =	shalt  }
0x71: {  	_ =	shalt  }
0x72: {  	_ =	shalt  }
0x73: {  	_ =	shalt  }
0x74: {  	_ =	shalt  }
0x75: {  	_ =	shalt  }
0x76: {  	_ =	shalt  }
0x77: {  	_ =	shalt  }
0x78: {  	_ =	shalt  }
0x79: {  	_ =	shalt  }
0x7a: {  	_ =	shalt  }
0x7b: {  	_ =	shalt  }
0x7c: {  	_ =	shalt  }
0x7d: {  	_ =	shalt  }
0x7e: {  	_ =	shalt  }
0x7f: {  	_ =	shalt  }
0x80: {  	_ =	shalt  }
0x81: {  	_ =	shalt  }
0x82: {  	_ =	shalt  }
0x83: {  	_ =	shalt  }
0x84: {  	_ =	shalt  }
0x85: {  	_ =	shalt  }
0x86: {  	_ =	shalt  }
0x87: {  	_ =	shalt  }
.Lfunc_end0:
.L_simem_size_0:
called_computation_lowered:
.L_overlay_start_0:
0x88: {  	s2 =	sld [smem:$0x3FD9]  }
0x89: {  	s3 =	sld [smem:$0x3FFE];
	_ =	sdelay $0x1  }
0x8a: {  	s1 =	srdreg.scid  }
0x8b: {  	s0 =	sand.u32 $0x1, s1  }
0x8c: {  	s16 =	sshll.u32 s0, $0xA;
	s2 =	sadd.s32 s3, s2  }
0x8d: {  	s2 =	sadd.s32 s2, s16  }
0x8e: {  	[smem:$0x3FB5] =	sst s2  }
0x8f: {  	_ = 	snop  }
0x90: {  	(tm) =	ssettm $0x1  }
0x91: {  	s17 =	sld [smem:$0x3FFB];
	_ =	sdelay $0x3  }
0x92: {  	_ =	strace s17  }
0x93: {  	s2 =	sld [smem:$0x3FFC];
	_ =	sdelay $0x3  }
0x94: {  	_ =	strace s2  }
0x95: {  	s2 =	sld [smem:$0x3FFD];
	_ =	sdelay $0x3  }
0x96: {  	_ =	strace s2  }
0x97: {  	_ =	strace $0x8FFFFFFF  }
0x98: {  	s18 =	sld [smem:$0x3FDB];
	_ =	sdelay $0x1  }
0x99: {  	s19 =	simm.s32 $_scs_section_size  }
0x9a: {  	s4 =	simm.s32 $_size__tile_overlayer_lowered;
	s5 =	simm.s32 $_tile_overlayer_lowered  }
0x9b: {  	s22 =	simm.s32 $0x1BFF;
	s21 =	sshll.u32 s5, $0x1;
	s2 =	sadd.s32 s19, s18  }
0x9c: {  	s6 =	simm.s32 $0x0;
	s20 =	sshll.u32 s4, $0x1;
	s4 =	sadd.s32 s21, s2  }
0x9d: {  	[timem:s6], [sflag:s22] =	dma.local [hbm:s4], s20  }
0x9e: {  	_ =	swait.ge [sflag:s22], s20  }
0x9f: {  	s3 =	ssub.s32 $0x0, s20;
	[sflag:s22] =	ssyncset.done $0x0  }
0xa0: {  	[sflag:s22] =	ssyncadd.s32 s3;
	_ =	sdelay $0x1  }
0xa1: {  	s23 =	simm.s32 $0x1B8B  }
0xa2: {  	_ =	swait.ge [sflag:s23], $0x1  }
0xa3: {  	[sflag:s23] =	ssyncset.done $0x0  }
0xa4: {  	s25 =	simm.s32 $0x1B8E;
	s24 =	sld [smem:$0x3FFE];
	[sflag:s23] =	ssyncadd.s32 $0xFFFFFFFF  }
0xa5: {  	s26 =	simm.s32 $execute0_lowered;
	[smem:$0x3FD2] =	sst s25  }
0xa6: {  	s4 =	sshll.u32 s26, $0x1;
	_ =	strace $0x80000046;
	[dreg:$0x1] =	wrdreg $0xFFFFFFFF  }
0xa7: {  	s28 =	simm.s32 $_size_execute0_lowered;
	s2 =	sadd.s32 s2, s4;
	[dreg:$0x0] =	wrdreg $0x0  }
0xa8: {  	s4 =	sshll.u32 s28, $0x1;
	[dreg:$0x2] =	wrdreg s2  }
0xa9: {  	[dreg:$0x3] =	wrdreg s4  }
0xaa: {  	[dreg:$0x4] =	wrdreg $0xC0  }
0xab: {  	_ =	task [dreg:s6], $0x5FFFF  }
0xac: {  	[dreg:$0x1] =	wrdreg $0xFFFFFFFF  }
0xad: {  	[dreg:$0x0] =	wrdreg $0x60  }
0xae: {  	[dreg:$0x2] =	wrdreg s24  }
0xaf: {  	[dreg:$0x3] =	wrdreg $0x9  }
0xb0: {  	_ =	task.clear_ibuf [dreg:s6], $0x4FFFF;
	_ =	strace $0x90000046  }
0xb1: {  	s29 =	simm.s32 $0x9;
	_ =	strace $0x80000048  }
0xb2: {  	_ =	swait.ge [sflag:s29], $0x1  }
0xb3: {  	[sflag:s29] =	ssyncadd.s32 $0xFFFFFFFF  }
0xb4: {  	_ =	strace $0x90000048  }
0xb5: {  	_ =	sfence  }
0xb6: {  	s30 =	sld [smem:$0x0];
	_ =	sdelay $0x2  }
0xb7: {  	s31 =	sshll.u32 s1, $0xD;
	s1 =	sshrl.u32 s1, $0x2  }
0xb8: {  	s3 =	sand.u32 $0x4000, s31;
	s1 =	sadd.s32 s1, s30  }
0xb9: {  	s0 =	sor.u32 s3, s0;
	s1 =	sshll.u32 s1, $0x11  }
0xba: {  	s0 =	sor.u32 s1, s0  }
0xbb: {  	s0 =	sadd.s32 $0x8F2B, s0  }
0xbc: {  	[sflag:s0] =	ssyncadd.remote.s32 $0x1  }
0xbd: {  	_ =	sfence.sel $0xFFFF  }
0xbe: {  	[dreg:$0x0] =	wrdreg $0xFFFFFFFF;
	(pc) =	sbr.abs _section_cstart, $3  }
0xbf: {  	[dreg:$0x1] =	wrdreg $0xFFFFFFFF  }
0xc0: {  	_ =	task.clear_ibuf [dreg:s6], $0x2FFFF;
	_ =	strace $0x9FFFFFFF  }
0xc1: {  	(tm) =	ssettm $0x7FFFFFFF  }
tec
execute0_lowered:
.L_overlay_start_1:
0x0: {  	(tag) =	ssettag $0x1  }
0x1: {  	s4 =	rddreg [dreg:$0x0]  }
0x2: {  	s1 =	srdreg.scid;
	s0 =	rddreg [dreg:$0x1];
	s2 =	simm.s32 $0x0  }
0x3: {  	s16 =	simm.s32 $0x1;
	s17 =	simm.s32 $0x2;
	s6 =	sand.u32 $0x1, s1  }
0x4: {  	s18 =	simm.s32 $0x3;
	s19 =	simm.s32 $0x4;
	s24 =	smul.u32 $0x271000, s6  }
0x5: {  	s20 =	simm.s32 $0x2700;
	s1 =	stileid.u32;
	s26 =	smul.u32 $0x1388000, s6  }
0x6: {  	[smem:$0x7FF] =	sst s2;
	s3 =	sshll.u32 s6, $0x4;
	s29 =	smul.u32 $0x138800, s1  }
0x7: {  	s9 =	sadd.s32 $0x2800, s4;
	s14 =	smul.u32 $0x27100, s1;
	s5 =	sor.u32 s1, s3  }
0x8: {  	s11 =	sadd.s32 $0x3D600, s4;
	s7 =	ssub.s32 $0x2, s6;
	s8 =	smul.u32 $0x2710, s5  }
0x9: {  	_ =	strace $0x80000047;
	s21 =	sshrl.u32 s7, $0x1;
	s10 =	smul.u32 $0x138800, s5  }
0xa: {  	s3 =	sadd.s32 $0x16400, s4;
	s7 =	ssub.s32 s7, s21;
	s13 =	smul.u32 $0x27100, s5  }
0xb: {  	s15 =	sadd.s32 s24, s11;
	s21 =	simm.s32 $0x10;
	s24 =	simm.s32 $0x0  }
0xc: {  	s7 =	smax.u32 s7, $0x1;
	s30 =	sadd.s32 s14, s15;
	s14 =	simm.s32 $0x2780  }
0xd: {  	s15 =	simm.s32 $0x6780;
	s12 =	sadd.s32 $0x2700, s8;
	s22 =	sshrl.u32 s8, $0x3  }
0xe: {  	s10 =	sshrl.u32 s10, $0x3;
	s13 =	sadd.s32 s13, s11;
	s23 =	sshrl.u32 s12, $0x3  }
0xf: {  	s4 =	sadd.s32 s9, s22;
	s25 =	sshll.u32 s12, $0x4;
	s28 =	sadd.s32 s11, s10  }
0x10: {  	s10 =	sadd.s32 s29, s26;
	s12 =	simm.s32 $0x6;
	s22 =	simm.s32 $0xA780  }
0x11: {  	s5 =	sadd.s32 s9, s23;
	s6 =	sadd.s32 s11, s25;
	s8 =	sadd.s32 $0x26000, s28  }
0x12: {  	s9 =	sadd.s32 $0x26800, s13;
	s31 =	sshrl.u32 s10, $0x3;
	s10 =	sadd.s32 $0x800, s30  }
0x13: {  	s13 =	simm.s32 $0x80;
	s23 =	simm.s32 $0x5;
	s11 =	sadd.s32 s31, s11  }
.LBB2_1:
0x14: {  	[tilespmem:s2], [sflag:$0x6] =	stream.linear.gather [hbm4b:s4+s2], $0x2700, $0x38;
	[tilespmem:$0xAF80] =	vst v63  }
0x15: {  	_ =	swait.ge [sflag:s12], $0x2700  }
0x16: {  	[sflag:s12] =	ssyncset.done $0x0  }
0x17: {  	[sflag:s12] =	ssyncadd.s32 $0xFFFFD900  }
0x18: {  	[tilespmem:s14], [sflag:$0x1] =	stream.indirect.gather [hbm4b:s3+s13], $0x80, s2, s13, $0xb8;
	[tilespmem:$0xAF80] =	vst v63  }
0x19: {  	_ = 	snop  }
0x1a: {  	[tilespmem:s15], [sflag:$0x2] =	stream.indirect.gather [hbm4b:s3+s13], $0x80, s13, s13, $0xb8;
	[tilespmem:$0xAF80] =	vst v63  }
0x1b: {  	_ =	swait.ge [sflag:s16], $0x4000  }
0x1c: {  	[sflag:s16] =	ssyncset.done $0x0  }
0x1d: {  	s25 =	sadd.s32 $0x0, s11;
	[sflag:s16] =	ssyncadd.s32 $0xFFFFC000  }
0x1e: {  	[hbm4b:s25+s2] =	stream.linear.scatter [tilespmem:s14], [sflag:$0x3], $0x4000, $0x38;
	[tilespmem:$0xAF80] =	vst v63  }
0x1f: {  	_ =	swait.ge [sflag:s17], $0x4000  }
0x20: {  	[sflag:s17] =	ssyncset.done $0x0  }
0x21: {  	s30 =	sadd.s32 $0x0, s10;
	[sflag:s17] =	ssyncadd.s32 $0xFFFFC000  }
0x22: {  	[hbm4b:s30+s2] =	stream.linear.scatter [tilespmem:s15], [sflag:$0x4], $0x4000, $0x38;
	[tilespmem:$0xAF80] =	vst v63  }
0x23: {  	_ =	swait.ge [sflag:s18], $0x4000  }
0x24: {  	[sflag:s18] =	ssyncset.done $0x0  }
0x25: {  	s31 =	simm.s32 $0x100;
	[sflag:s18] =	ssyncadd.s32 $0xFFFFC000  }
0x26: {  	[tilespmem:s14], [sflag:$0x1] =	stream.indirect.gather [hbm4b:s3+s13], $0x80, s31, s13, $0xb8;
	[tilespmem:$0xAF80] =	vst v63  }
0x27: {  	_ =	swait.ge [sflag:s19], $0x4000  }
0x28: {  	s26 =	simm.s32 $0x1000;
	[sflag:s19] =	ssyncset.done $0x0  }
0x29: {  	s28 =	simm.s32 $0x280;
	s25 =	simm.s32 $0x180;
	[sflag:s19] =	ssyncadd.s32 $0xFFFFC000  }
.LBB2_2:
0x2a: {  	[tilespmem:s15], [sflag:$0x2] =	stream.indirect.gather [hbm4b:s3+s13], $0x80, s25, s13, $0xb8;
	[tilespmem:$0xAF80] =	vst v63  }
0x2b: {  	s29 =	smov.u32 s26;
	s25 =	smov.u32 s28  }
0x2c: {  	p0 =	sne.s32 s26, $0x25000;
	s26 =	sadd.s32 $0x1000, s26;
	_ =	swait.ge [sflag:s16], $0x4000  }
0x2d: {  	[sflag:s16] =	ssyncset.done $0x0  }
0x2e: {  	s30 =	sadd.s32 s29, s11;
	[sflag:s16] =	ssyncadd.s32 $0xFFFFC000  }
0x2f: {  	[hbm4b:s30+s2] =	stream.linear.scatter [tilespmem:s14], [sflag:$0x3], $0x4000, $0x38;
	[tilespmem:$0xAF80] =	vst v63  }
0x30: {  	_ =	swait.ge [sflag:s17], $0x4000  }
0x31: {  	[sflag:s17] =	ssyncset.done $0x0  }
0x32: {  	s29 =	sadd.s32 s29, s10;
	[sflag:s17] =	ssyncadd.s32 $0xFFFFC000  }
0x33: {  	[hbm4b:s29+s2] =	stream.linear.scatter [tilespmem:s15], [sflag:$0x4], $0x4000, $0x38;
	[tilespmem:$0xAF80] =	vst v63  }
0x34: {  	_ =	swait.ge [sflag:s18], $0x4000  }
0x35: {  	[sflag:s18] =	ssyncset.done $0x0  }
.Ltmp0:
0x36: {  	s29 =	sadd.s32 $0xFFFFFF80, s28;
	[sflag:s18] =	ssyncadd.s32 $0xFFFFC000;
	(pc) =	sbr.rel @p0 .LBB2_2-.Ltmp0, $4  }
0x37: {  	[tilespmem:s14], [sflag:$0x1] =	stream.indirect.gather [hbm4b:s3+s13], $0x80, s29, s13, $0xb8;
	[tilespmem:$0xAF80] =	vst v63  }
0x38: {  	_ =	swait.ge [sflag:s19], $0x4000  }
0x39: {  	[sflag:s19] =	ssyncset.done $0x0  }
0x3a: {  	s28 =	sadd.s32 $0x100, s28;
	[sflag:s19] =	ssyncadd.s32 $0xFFFFC000  }
0x3b: {  	[tilespmem:s15], [sflag:$0x2] =	stream.indirect.gather [hbm4b:s3+s13], $0x80, s25, s13, $0xb8;
	[tilespmem:$0xAF80] =	vst v63  }
0x3c: {  	_ =	swait.ge [sflag:s16], $0x4000  }
0x3d: {  	[sflag:s16] =	ssyncset.done $0x0  }
0x3e: {  	[sflag:s16] =	ssyncadd.s32 $0xFFFFC000  }
0x3f: {  	[hbm4b:s8+s2] =	stream.linear.scatter [tilespmem:s14], [sflag:$0x3], $0x4000, $0x38;
	[tilespmem:$0xAF80] =	vst v63  }
0x40: {  	_ =	swait.ge [sflag:s17], $0x4000  }
0x41: {  	[sflag:s17] =	ssyncset.done $0x0  }
0x42: {  	[sflag:s17] =	ssyncadd.s32 $0xFFFFC000  }
0x43: {  	[hbm4b:s9+s2] =	stream.linear.scatter [tilespmem:s15], [sflag:$0x4], $0x4000, $0x38;
	[tilespmem:$0xAF80] =	vst v63  }
0x44: {  	_ =	swait.ge [sflag:s18], $0x4000  }
0x45: {  	[sflag:s18] =	ssyncset.done $0x0  }
0x46: {  	[sflag:s18] =	ssyncadd.s32 $0xFFFFC000  }
0x47: {  	_ =	swait.ge [sflag:s19], $0x4000  }
0x48: {  	[sflag:s19] =	ssyncset.done $0x0  }
0x49: {  	[sflag:s19] =	ssyncadd.s32 $0xFFFFC000  }
0x4a: {  	[tilespmem:s20], [sflag:$0x6] =	stream.linear.gather [hbm4b:s5+s2], $0x10, $0x38;
	[tilespmem:$0xAF80] =	vst v63  }
0x4b: {  	_ =	swait.ge [sflag:s12], $0x10  }
0x4c: {  	[sflag:s12] =	ssyncset.done $0x0  }
0x4d: {  	[sflag:s12] =	ssyncadd.s32 $0xFFFFFFF0  }
0x4e: {  	[tilespmem:s22], [sflag:$0x5] =	stream.indirect.gather [hbm4b:s3+s21], $0x80, s20, s21, $0xb8;
	[tilespmem:$0xAF80] =	vst v63  }
0x4f: {  	s24 =	sadd.s32 $0x1, s24;
	_ =	swait.ge [sflag:s23], $0x800  }
0x50: {  	p0 =	sne.s32 s24, s7;
	[sflag:s23] =	ssyncset.done $0x0  }
.Ltmp1:
0x51: {  	[sflag:s23] =	ssyncadd.s32 $0xFFFFF800;
	(pc) =	sbr.rel @p0 .LBB2_1-.Ltmp1, $4  }
0x52: {  	[hbm4b:s6+s2] =	stream.linear.scatter [tilespmem:s22], [sflag:$0x6], $0x800, $0x38;
	[tilespmem:$0xAF80] =	vst v63  }
0x53: {  	_ =	swait.ge [sflag:s12], $0x800  }
0x54: {  	[sflag:s12] =	ssyncset.done $0x0  }
0x55: {  	[sflag:s12] =	ssyncadd.s32 $0xFFFFF800  }
0x56: {  	_ =	sfence.sel $0x180000  }
0x57: {  	[bflag:$0x0] =	sbarrier.arrive $0xFFFF  }
0x58: {  	p0 =	sne.s32 s1, $0x0;
	_ =	strace $0x90000047  }
0x59: {  	s0 =	sadd.s32 @!p0 $0x100000, s0;
	[bflag:$0x2] =	sbarrier.arrive $0xFFFF  }
0x5a: {  	[sflag:s0] =	ssyncadd.tile.s32 @!p0 $0x1;
	_ =	shalt  }
.Lfunc_end2:
_tile_overlayer_lowered:
.L_overlay_start_2:
0x5b: {  	(tag) =	ssettag $0x2  }
0x5c: {  	s0 =	rddreg [dreg:$0x0];
	s2 =	stileid.u32  }
0x5d: {  	s1 =	rddreg [dreg:$0x1];
	p0 =	sne.s32 s2, $0x0  }
0x5e: {  	s3 =	rddreg [dreg:$0x2];
	[bflag:$0x3] =	sbarrier.arrive $0xFFFF;
	s2 =	simm.s32 @!p0 $0x1C06  }
0x5f: {  	[timem:s3], [sflag:s2] =	dma.local @!p0 [hbm:s0], s1  }
0x60: {  	s0 =	simm.s32 @!p0 $0x6  }
0x61: {  	_ =	swait.ge @!p0 [sflag:s0], s1  }
0x62: {  	s1 =	ssub.s32 @!p0 $0x0, s1;
	[sflag:s0] =	ssyncset.done @!p0 $0x0  }
0x63: {  	[sflag:s0] =	ssyncadd.s32 @!p0 s1  }
0x64: {  	[bflag:$0x3] =	sbarrier.arrive $0xFFFF  }
0x65: {  	_ =	shalt  }

// kernel: kernel.16.cloned.1.call-start
scs
__scs_entry_jumppad:
0x0: {  	(pc) =	sbr.rel $0x88, $3  }
0x1: {  	(tag) =	ssettag $0x0;
	lr =	simm.s32 $0x1  }
0x2: {  	[smem:$0x3F8E] =	sst lr;
	_ =	strace $0xD0000000  }
0x3: {  	_ = 	snop  }
0x4: {  	_ = 	snop  }
0x5: {  	_ = 	snop  }
0x6: {  	_ = 	snop  }
0x7: {  	_ = 	snop  }
__scs_overlays_trampoline_lowered:
0x8: {  	[smem:$0x3F9D] =	sst s0  }
0x9: {  	[smem:$0x3F9E] =	sst s1  }
0xa: {  	[smem:$0x3F9F] =	sst s2  }
0xb: {  	[smem:$0x3FA0] =	sst s3  }
0xc: {  	[smem:$0x3FA1] =	sst s4  }
0xd: {  	[smem:$0x3FA2] =	sst s5  }
0xe: {  	[smem:$0x3FA3] =	sst s6  }
0xf: {  	[smem:$0x3FA4] =	sst s7  }
0x10: {  	[smem:$0x3FA5] =	sst s8  }
0x11: {  	[smem:$0x3FA6] =	sst s9;
	s0 =	simm.s32 @!p0 $0x0  }
0x12: {  	s1 =	sld [smem:$0x3F8C];
	s0 =	simm.s32 @p0 $0x1  }
0x13: {  	[smem:$0x3FA7] =	sst s0;
	s0 =	simm.s32 @!p1 $0x0  }
0x14: {  	s2 =	sld [smem:$0x3F8B];
	s0 =	simm.s32 @p1 $0x1  }
0x15: {  	[smem:$0x3FA8] =	sst s0;
	s0 =	simm.s32 @!p2 $0x0  }
0x16: {  	s3 =	sld [smem:$0x3FDB];
	s0 =	simm.s32 @p2 $0x1  }
0x17: {  	s4 =	simm.s32 $0x1BF5;
	[smem:$0x3FAA] =	sst s0  }
0x18: {  	s0 =	sld [smem:$0x3F8D];
	_ =	swait.ge [sflag:s4], $0x0  }
0x19: {  	s7 =	sld [smem:$0x3F8E]  }
0x1a: {  	s8 =	sadd.s32 $0xFFFFE003, lr  }
0x1b: {  	s9 =	sadd.s32 $0xFFFFFEF7, lr;
	s5 =	simm.s32 $0xFFFFFFFF;
	p2 =	slt.u32 s8, $0xFFFFF086  }
0x1c: {  	p1 =	slt.u32 s9, $0xF7A;
	s5 =	simm.s32 @!p2 $0x0  }
0x1d: {  	s5 =	simm.s32 @p1 $0x1;
	p0 =	seq.s32 s7, s2  }
0x1e: {  	s7 =	smul.u32 @!p0 $0xF7A, s2;
	p2 =	seq.s32 @!p0 s5, $0x0  }
0x1f: {  	s9 =	smul.u32 $0xF7A, s1;
	s8 =	simm.s32 @!p0 $0x1BF5;
	p2 =	por !p2, p0  }
0x20: {  	[sflag:s8] =	ssyncset.s32 @!p0 $0xFFFFF086;
	s6 =	sadd.s32 @!p0 s3, s7;
	s7 =	simm.s32 @!p0 $0x108  }
0x21: {  	s3 =	sadd.s32 s3, s9;
	s6 =	sadd.s32 @!p0 $0x88, s6;
	s7 =	simm.s32 @p2 $0x1082  }
0x22: {  	[simem:s7], [sflag:s8] =	dma.local @!p0 [hbm:s6], $0xF7A  }
0x23: {  	s9 =	sor.u32 $0xD0000000, s2;
	s6 =	simm.s32 $0x108;
	_ =	swait.ge @!p0 [sflag:s8], $0x0  }
0x24: {  	s3 =	sadd.s32 $0x88, s3;
	s6 =	simm.s32 @!p1 $0x1082;
	[sflag:s4] =	ssyncset.s32 $0xFFFFF086  }
0x25: {  	[simem:s6], [sflag:s4] =	dma.local [hbm:s3], $0xF7A  }
0x26: {  	[smem:$0x3F8E] =	sst s1;
	(tag) =	ssettag s2;
	_ =	strace s9  }
0x27: {  	s1 =	sld [smem:$0x3F9E]  }
0x28: {  	s2 =	sld [smem:$0x3F9F]  }
0x29: {  	s4 =	sld [smem:$0x3FA1]  }
0x2a: {  	p0 =	seq.s32 s5, $0x0;
	s5 =	sld [smem:$0x3FA2]  }
0x2b: {  	s6 =	sld [smem:$0x3FA3]  }
0x2c: {  	s7 =	sld [smem:$0x3FA4]  }
0x2d: {  	s3 =	simm.s32 $0x108;
	s8 =	sld [smem:$0x3FA5]  }
0x2e: {  	s3 =	simm.s32 @!p0 $0x1082;
	s9 =	sld [smem:$0x3FA6]  }
0x2f: {  	lr =	sadd.s32 s0, s3;
	s0 =	sld [smem:$0x3F9D]  }
0x30: {  	s3 =	sld [smem:$0x3FA0]  }
0x31: {  	[smem:$0x3FA9] =	sst s10  }
0x32: {  	s10 =	sld [smem:$0x3FA7];
	_ =	sdelay $0x3  }
0x33: {  	p0 =	seq.s32 s10, $0x1;
	s10 =	sld [smem:$0x3FA9];
	_ =	sdelay $0x3  }
0x34: {  	[smem:$0x3FA9] =	sst s10  }
0x35: {  	s10 =	sld [smem:$0x3FA8];
	_ =	sdelay $0x3  }
0x36: {  	p1 =	seq.s32 s10, $0x1;
	s10 =	sld [smem:$0x3FA9];
	_ =	sdelay $0x3  }
0x37: {  	[smem:$0x3FA9] =	sst s10  }
0x38: {  	s10 =	sld [smem:$0x3FAA]  }
0x39: {  	_ = 	snop;
	(pc) =	sbr.ind lr, $3  }
0x3a: {  	_ = 	snop  }
0x3b: {  	_ = 	snop  }
0x3c: {  	p2 =	seq.s32 s10, $0x1;
	s10 =	sld [smem:$0x3FA9]  }
0x3d: {  	_ =	shalt  }
0x3e: {  	_ =	shalt  }
0x3f: {  	_ =	shalt  }
0x40: {  	_ =	shalt  }
0x41: {  	_ =	shalt  }
0x42: {  	_ =	shalt  }
0x43: {  	_ =	shalt  }
0x44: {  	_ =	shalt  }
0x45: {  	_ =	shalt  }
0x46: {  	_ =	shalt  }
0x47: {  	_ =	shalt  }
0x48: {  	_ =	shalt  }
0x49: {  	_ =	shalt  }
0x4a: {  	_ =	shalt  }
0x4b: {  	_ =	shalt  }
0x4c: {  	_ =	shalt  }
0x4d: {  	_ =	shalt  }
0x4e: {  	_ =	shalt  }
0x4f: {  	_ =	shalt  }
0x50: {  	_ =	shalt  }
0x51: {  	_ =	shalt  }
0x52: {  	_ =	shalt  }
0x53: {  	_ =	shalt  }
0x54: {  	_ =	shalt  }
0x55: {  	_ =	shalt  }
0x56: {  	_ =	shalt  }
0x57: {  	_ =	shalt  }
0x58: {  	_ =	shalt  }
0x59: {  	_ =	shalt  }
0x5a: {  	_ =	shalt  }
0x5b: {  	_ =	shalt  }
0x5c: {  	_ =	shalt  }
0x5d: {  	_ =	shalt  }
0x5e: {  	_ =	shalt  }
0x5f: {  	_ =	shalt  }
0x60: {  	_ =	shalt  }
0x61: {  	_ =	shalt  }
0x62: {  	_ =	shalt  }
0x63: {  	_ =	shalt  }
0x64: {  	_ =	shalt  }
0x65: {  	_ =	shalt  }
0x66: {  	_ =	shalt  }
0x67: {  	_ =	shalt  }
0x68: {  	_ =	shalt  }
0x69: {  	_ =	shalt  }
0x6a: {  	_ =	shalt  }
0x6b: {  	_ =	shalt  }
0x6c: {  	_ =	shalt  }
0x6d: {  	_ =	shalt  }
0x6e: {  	_ =	shalt  }
0x6f: {  	_ =	shalt  }
0x70: {  	_ =	shalt  }
0x71: {  	_ =	shalt  }
0x72: {  	_ =	shalt  }
0x73: {  	_ =	shalt  }
0x74: {  	_ =	shalt  }
0x75: {  	_ =	shalt  }
0x76: {  	_ =	shalt  }
0x77: {  	_ =	shalt  }
0x78: {  	_ =	shalt  }
0x79: {  	_ =	shalt  }
0x7a: {  	_ =	shalt  }
0x7b: {  	_ =	shalt  }
0x7c: {  	_ =	shalt  }
0x7d: {  	_ =	shalt  }
0x7e: {  	_ =	shalt  }
0x7f: {  	_ =	shalt  }
0x80: {  	_ =	shalt  }
0x81: {  	_ =	shalt  }
0x82: {  	_ =	shalt  }
0x83: {  	_ =	shalt  }
0x84: {  	_ =	shalt  }
0x85: {  	_ =	shalt  }
0x86: {  	_ =	shalt  }
0x87: {  	_ =	shalt  }
.Lfunc_end0:
.L_simem_size_0:
called_computation.1_lowered:
.L_overlay_start_0:
0x88: {  	s2 =	sld [smem:$0x3FD9]  }
0x89: {  	s3 =	sld [smem:$0x3FFE];
	_ =	sdelay $0x1  }
0x8a: {  	s1 =	srdreg.scid  }
0x8b: {  	s0 =	sand.u32 $0x1, s1  }
0x8c: {  	s14 =	sshll.u32 s0, $0xA;
	s2 =	sadd.s32 s3, s2  }
0x8d: {  	s2 =	sadd.s32 s2, s14  }
0x8e: {  	[smem:$0x3FB5] =	sst s2  }
0x8f: {  	_ = 	snop  }
0x90: {  	s2 =	sld [smem:$0x3FD0];
	_ =	sdelay $0x2  }
0x91: {  	s15 =	simm.s32 $0xA;
	s4 =	simm.s32 $0x10  }
0x92: {  	[smem:s4], [sflag:s15] =	dma.local [hbm:s2], $0x1  }
0x93: {  	_ =	swait.eq [sflag:s15], $0x1  }
0x94: {  	[sflag:s15] =	ssyncset.done $0x0  }
0x95: {  	[sflag:s15] =	ssyncadd.s32 $0xFFFFFFFF  }
0x96: {  	s16 =	sld [smem:$0x10];
	(tm) =	ssettm $0x1  }
0x97: {  	s17 =	sld [smem:$0x3FFB];
	_ =	sdelay $0x3  }
0x98: {  	_ =	strace s17  }
0x99: {  	s3 =	sld [smem:$0x3FFC];
	_ =	sdelay $0x3  }
0x9a: {  	_ =	strace s3  }
0x9b: {  	s3 =	sld [smem:$0x3FFD];
	_ =	sdelay $0x3  }
0x9c: {  	_ =	strace s3  }
0x9d: {  	_ =	strace $0x8FFFFFFF  }
0x9e: {  	s18 =	sld [smem:$0x3FDB];
	_ =	sdelay $0x1  }
0x9f: {  	s19 =	simm.s32 $_scs_section_size  }
0xa0: {  	s5 =	simm.s32 $_size__tile_overlayer_lowered;
	s6 =	simm.s32 $_tile_overlayer_lowered  }
0xa1: {  	s22 =	simm.s32 $0x1BFF;
	s21 =	sshll.u32 s6, $0x1;
	s3 =	sadd.s32 s19, s18  }
0xa2: {  	s7 =	simm.s32 $0x0;
	s20 =	sshll.u32 s5, $0x1;
	s5 =	sadd.s32 s21, s3  }
0xa3: {  	[timem:s7], [sflag:s22] =	dma.local [hbm:s5], s20  }
0xa4: {  	_ =	swait.ge [sflag:s22], s20  }
0xa5: {  	s4 =	ssub.s32 $0x0, s20;
	[sflag:s22] =	ssyncset.done $0x0  }
0xa6: {  	[sflag:s22] =	ssyncadd.s32 s4;
	_ =	sdelay $0x1  }
0xa7: {  	s23 =	simm.s32 $0x1B8B  }
0xa8: {  	_ =	swait.ge [sflag:s23], $0x1  }
0xa9: {  	[sflag:s23] =	ssyncset.done $0x0  }
0xaa: {  	s25 =	simm.s32 $0x1B8E;
	s24 =	sld [smem:$0x3FFE];
	[sflag:s23] =	ssyncadd.s32 $0xFFFFFFFF  }
0xab: {  	s26 =	simm.s32 $execute0_lowered;
	[smem:$0x3FD2] =	sst s25  }
0xac: {  	s5 =	sshll.u32 s26, $0x1;
	_ =	strace $0x80000049;
	[dreg:$0x1] =	wrdreg $0xFFFFFFFF  }
0xad: {  	s28 =	simm.s32 $_size_execute0_lowered;
	s3 =	sadd.s32 s3, s5;
	[dreg:$0x0] =	wrdreg $0x0  }
0xae: {  	s5 =	sshll.u32 s28, $0x1;
	[dreg:$0x2] =	wrdreg s3  }
0xaf: {  	[dreg:$0x3] =	wrdreg s5  }
0xb0: {  	[dreg:$0x4] =	wrdreg $0xC0  }
0xb1: {  	_ =	task [dreg:s7], $0x5FFFF  }
0xb2: {  	[dreg:$0x1] =	wrdreg $0xFFFFFFFF  }
0xb3: {  	[dreg:$0x0] =	wrdreg $0x60  }
0xb4: {  	[dreg:$0x2] =	wrdreg s24  }
0xb5: {  	[dreg:$0x3] =	wrdreg s16  }
0xb6: {  	[dreg:$0x4] =	wrdreg $0x89800  }
0xb7: {  	[dreg:$0x5] =	wrdreg $0x9  }
0xb8: {  	_ =	task.clear_ibuf [dreg:s7], $0x6FFFF;
	_ =	strace $0x90000049  }
0xb9: {  	s29 =	simm.s32 $0x9;
	_ =	strace $0x8000004B  }
0xba: {  	_ =	swait.ge [sflag:s29], $0x1  }
0xbb: {  	[sflag:s29] =	ssyncadd.s32 $0xFFFFFFFF  }
0xbc: {  	_ =	strace $0x9000004B  }
0xbd: {  	_ =	sfence  }
0xbe: {  	s30 =	sld [smem:$0x0];
	_ =	sdelay $0x2  }
0xbf: {  	s31 =	sshll.u32 s1, $0xD;
	s1 =	sshrl.u32 s1, $0x2  }
0xc0: {  	s3 =	sand.u32 $0x4000, s31;
	s1 =	sadd.s32 s1, s30  }
0xc1: {  	s0 =	sor.u32 s3, s0;
	s1 =	sshll.u32 s1, $0x11  }
0xc2: {  	s0 =	sor.u32 s1, s0  }
0xc3: {  	s0 =	sadd.s32 $0x8F2B, s0  }
0xc4: {  	[sflag:s0] =	ssyncadd.remote.s32 $0x1  }
0xc5: {  	_ =	sfence.sel $0xFFFF  }
0xc6: {  	[dreg:$0x0] =	wrdreg $0xFFFFFFFF;
	(pc) =	sbr.abs _section_cstart, $3  }
0xc7: {  	[dreg:$0x1] =	wrdreg $0xFFFFFFFF  }
0xc8: {  	_ =	task.clear_ibuf [dreg:s7], $0x2FFFF;
	_ =	strace $0x9FFFFFFF  }
0xc9: {  	(tm) =	ssettm $0x7FFFFFFF  }
tec
execute0_lowered:
.L_overlay_start_1:
0x0: {  	(tag) =	ssettag $0x1  }
0x1: {  	s0 =	rddreg [dreg:$0x0]  }
0x2: {  	s2 =	rddreg [dreg:$0x2]  }
0x3: {  	s1 =	srdreg.scid;
	s4 =	simm.s32 $0x0;
	s17 =	stileid.u32  }
0x4: {  	s28 =	simm.s32 $0x100;
	s29 =	simm.s32 $0x8180;
	s6 =	smul.u32 $0x14000, s17  }
0x5: {  	s31 =	simm.s32 $0x0;
	s1 =	sand.u32 $0x1, s1;
	s7 =	smul.u32 $0x50000, s17  }
0x6: {  	[smem:$0x7FF] =	sst s4;
	s13 =	sadd.s32 $0xA01600, s0;
	s3 =	smul.u32 $0x140000, s1  }
0x7: {  	s5 =	sadd.s32 $0xC600, s0;
	s19 =	sshll.u32 s17, $0x6;
	s14 =	smul.u32 $0x271000, s1  }
0x8: {  	s16 =	sshll.u32 s1, $0x4;
	s18 =	ssub.s32 $0x2, s1;
	s1 =	smul.u32 $0x27100, s1  }
0x9: {  	s3 =	sadd.s32 s6, s3;
	s6 =	sor.u32 s17, s16;
	s16 =	smul.u32 $0x2710, s17  }
0xa: {  	_ =	strace $0x8000004A;
	s7 =	sshrl.u32 s7, $0x2;
	s17 =	smul.u32 $0x27100, s17  }
0xb: {  	s8 =	sshrl.u32 s18, $0x1;
	s15 =	sadd.s32 s7, s2;
	s10 =	smul.u32 $0x2710, s6  }
0xc: {  	s14 =	sadd.s32 s14, s13;
	s3 =	sshrl.u32 s3, $0x3;
	s9 =	smul.u32 $0x27100, s6  }
0xd: {  	s6 =	sor.u32 $0x1C05, s19;
	s19 =	simm.s32 $0x5;
	s0 =	sadd.s32 s3, s0  }
0xe: {  	s3 =	ssub.s32 s18, s8;
	s1 =	sadd.s32 s16, s1;
	s25 =	sadd.s32 s17, s14  }
0xf: {  	s18 =	sshrl.u32 s15, $0x3;
	s20 =	sshrl.u32 s10, $0x3;
	s11 =	sadd.s32 $0x80, s10  }
0x10: {  	s22 =	sadd.s32 s13, s9;
	s23 =	sadd.s32 $0x2700, s10;
	s16 =	sadd.s32 $0x180, s1  }
0x11: {  	s14 =	smax.u32 s3, $0x1;
	s30 =	sadd.s32 $0x1800, s25;
	s17 =	sadd.s32 $0x100, s1  }
0x12: {  	s25 =	simm.s32 $0x3;
	s21 =	sadd.s32 s5, s20;
	s12 =	sshrl.u32 s11, $0x3  }
0x13: {  	[dreg:$0x5] =	wrdreg s22;
	s11 =	sshll.u32 s11, $0x4;
	s24 =	sshrl.u32 s23, $0x3  }
0x14: {  	s26 =	sshrl.u32 s16, $0x3;
	s20 =	simm.s32 $0x180;
	s22 =	simm.s32 $0x4180  }
0x15: {  	[dreg:$0x4] =	wrdreg s21;
	s9 =	sadd.s32 s5, s12;
	s10 =	sadd.s32 s13, s11  }
0x16: {  	s11 =	sadd.s32 s5, s24;
	s12 =	sshll.u32 s23, $0x4;
	s16 =	sadd.s32 s26, s5  }
0x17: {  	s21 =	simm.s32 $0x80;
	s23 =	simm.s32 $0x1;
	s24 =	simm.s32 $0x2  }
0x18: {  	s26 =	simm.s32 $0x4;
	s12 =	sadd.s32 s13, s12;
	s13 =	sadd.s32 $0x3D600, s0  }
.LBB2_1:
0x19: {  	s0 =	rddreg [dreg:$0x1]  }
0x1a: {  	[spmem:s18], [sflag:s6] =	dma.local [hbm:s0], $0x2800  }
0x1b: {  	_ =	swait.ge [sflag:s19], $0x2800  }
0x1c: {  	[sflag:s19] =	ssyncset.done $0x0  }
0x1d: {  	[sflag:s19] =	ssyncadd.s32 $0xFFFFD800  }
0x1e: {  	[bflag:$0x0] =	sbarrier.arrive $0xFFFF  }
0x1f: {  	s1 =	rddreg [dreg:$0x4]  }
0x20: {  	[tilespmem:s4], [sflag:$0x5] =	stream.linear.gather [hbm4b:s1+s4], $0x80, $0x38;
	[tilespmem:$0x1C980] =	vst v63  }
0x21: {  	_ =	swait.ge [sflag:s19], $0x80  }
0x22: {  	[sflag:s19] =	ssyncset.done $0x0  }
0x23: {  	s3 =	rddreg [dreg:$0x5];
	[sflag:s19] =	ssyncadd.s32 $0xFFFFFF80  }
0x24: {  	[tilespmem:s20], [sflag:$0x1] =	stream.linear.gather [hbm4b:s3+s4], $0x4000, $0x38;
	[tilespmem:$0x1C980] =	vst v63  }
0x25: {  	_ = 	snop  }
0x26: {  	[tilespmem:s21], [sflag:$0x5] =	stream.linear.gather [hbm4b:s9+s4], $0x80, $0x38;
	[tilespmem:$0x1C980] =	vst v63  }
0x27: {  	_ =	swait.ge [sflag:s19], $0x80  }
0x28: {  	[sflag:s19] =	ssyncset.done $0x0  }
0x29: {  	[sflag:s19] =	ssyncadd.s32 $0xFFFFFF80  }
0x2a: {  	[tilespmem:s22], [sflag:$0x2] =	stream.linear.gather [hbm4b:s10+s4], $0x4000, $0x38;
	[tilespmem:$0x1C980] =	vst v63  }
0x2b: {  	_ =	swait.ge [sflag:s23], $0x4000  }
0x2c: {  	[sflag:s23] =	ssyncset.done $0x0  }
0x2d: {  	[sflag:s23] =	ssyncadd.s32 $0xFFFFC000  }
0x2e: {  	[spmem:s2] =	stream.indirect.scatter.add.f32 [tilespmem:s20], [sflag:$0x3], $0x80, s4, s21, $0xb8;
	[tilespmem:$0x1C980] =	vst v63  }
0x2f: {  	_ =	swait.ge [sflag:s24], $0x4000  }
0x30: {  	[sflag:s24] =	ssyncset.done $0x0  }
0x31: {  	[sflag:s24] =	ssyncadd.s32 $0xFFFFC000  }
0x32: {  	[spmem:s2] =	stream.indirect.scatter.add.f32 [tilespmem:s22], [sflag:$0x4], $0x80, s21, s21, $0xb8;
	[tilespmem:$0x1C980] =	vst v63  }
0x33: {  	_ =	swait.ge [sflag:s25], $0x4000  }
0x34: {  	s7 =	sshrl.u32 s17, $0x3;
	[sflag:s25] =	ssyncset.done $0x0  }
0x35: {  	s0 =	sadd.s32 s5, s7;
	[sflag:s25] =	ssyncadd.s32 $0xFFFFC000  }
0x36: {  	[tilespmem:s4], [sflag:$0x5] =	stream.linear.gather [hbm4b:s0+s4], $0x80, $0x38;
	[tilespmem:$0x1C980] =	vst v63  }
0x37: {  	_ =	swait.ge [sflag:s19], $0x80  }
0x38: {  	[sflag:s19] =	ssyncset.done $0x0  }
0x39: {  	s8 =	sadd.s32 $0xFFFFF800, s30;
	[sflag:s19] =	ssyncadd.s32 $0xFFFFFF80  }
0x3a: {  	[tilespmem:s20], [sflag:$0x1] =	stream.linear.gather [hbm4b:s8+s4], $0x4000, $0x38;
	[tilespmem:$0x1C980] =	vst v63  }
0x3b: {  	_ =	swait.ge [sflag:s26], $0x4000  }
0x3c: {  	[sflag:s26] =	ssyncset.done $0x0  }
0x3d: {  	s15 =	sadd.s32 $0x0, s16;
	[sflag:s26] =	ssyncadd.s32 $0xFFFFC000  }
0x3e: {  	[tilespmem:s21], [sflag:$0x5] =	stream.linear.gather [hbm4b:s15+s4], $0x80, $0x38;
	[tilespmem:$0x1C980] =	vst v63  }
0x3f: {  	_ =	swait.ge [sflag:s19], $0x80  }
0x40: {  	s1 =	sadd.s32 $0x100, s17;
	s3 =	sadd.s32 $0x1000, s30;
	[sflag:s19] =	ssyncset.done $0x0  }
0x41: {  	s0 =	simm.s32 $0x20;
	s15 =	smov.u32 s30;
	[sflag:s19] =	ssyncadd.s32 $0xFFFFFF80  }
.LBB2_2:
0x42: {  	[tilespmem:s22], [sflag:$0x2] =	stream.linear.gather [hbm4b:s15+s4], $0x4000, $0x38;
	[tilespmem:$0x1C980] =	vst v63  }
0x43: {  	s7 =	smov.u32 s0;
	s15 =	smov.u32 s3  }
0x44: {  	p0 =	sne.s32 s0, $0x4A0;
	s0 =	sadd.s32 $0x20, s0;
	_ =	swait.ge [sflag:s23], $0x4000  }
0x45: {  	[sflag:s23] =	ssyncset.done $0x0  }
0x46: {  	[sflag:s23] =	ssyncadd.s32 $0xFFFFC000  }
0x47: {  	[spmem:s2] =	stream.indirect.scatter.add.f32 [tilespmem:s20], [sflag:$0x3], $0x80, s4, s21, $0xb8;
	[tilespmem:$0x1C980] =	vst v63  }
0x48: {  	_ =	swait.ge [sflag:s24], $0x4000  }
0x49: {  	[sflag:s24] =	ssyncset.done $0x0  }
0x4a: {  	[sflag:s24] =	ssyncadd.s32 $0xFFFFC000  }
0x4b: {  	[spmem:s2] =	stream.indirect.scatter.add.f32 [tilespmem:s22], [sflag:$0x4], $0x80, s21, s21, $0xb8;
	[tilespmem:$0x1C980] =	vst v63  }
0x4c: {  	_ =	swait.ge [sflag:s25], $0x4000  }
0x4d: {  	s8 =	sshrl.u32 s1, $0x3;
	[sflag:s25] =	ssyncset.done $0x0  }
0x4e: {  	s8 =	sadd.s32 s5, s8;
	[sflag:s25] =	ssyncadd.s32 $0xFFFFC000  }
0x4f: {  	[tilespmem:s4], [sflag:$0x5] =	stream.linear.gather [hbm4b:s8+s4], $0x80, $0x38;
	[tilespmem:$0x1C980] =	vst v63  }
0x50: {  	_ =	swait.ge [sflag:s19], $0x80  }
0x51: {  	[sflag:s19] =	ssyncset.done $0x0  }
0x52: {  	s8 =	sadd.s32 $0xFFFFF800, s3;
	[sflag:s19] =	ssyncadd.s32 $0xFFFFFF80  }
0x53: {  	[tilespmem:s20], [sflag:$0x1] =	stream.linear.gather [hbm4b:s8+s4], $0x4000, $0x38;
	[tilespmem:$0x1C980] =	vst v63  }
0x54: {  	_ =	swait.ge [sflag:s26], $0x4000  }
0x55: {  	[sflag:s26] =	ssyncset.done $0x0  }
.Ltmp0:
0x56: {  	s7 =	sadd.s32 s7, s16;
	[sflag:s26] =	ssyncadd.s32 $0xFFFFC000;
	(pc) =	sbr.rel @p0 .LBB2_2-.Ltmp0, $4  }
0x57: {  	[tilespmem:s21], [sflag:$0x5] =	stream.linear.gather [hbm4b:s7+s4], $0x80, $0x38;
	[tilespmem:$0x1C980] =	vst v63  }
0x58: {  	_ =	swait.ge [sflag:s19], $0x80  }
0x59: {  	[sflag:s19] =	ssyncset.done $0x0  }
0x5a: {  	s1 =	sadd.s32 $0x100, s1;
	s3 =	sadd.s32 $0x1000, s3;
	[sflag:s19] =	ssyncadd.s32 $0xFFFFFF80  }
0x5b: {  	[tilespmem:s22], [sflag:$0x2] =	stream.linear.gather [hbm4b:s15+s4], $0x4000, $0x38;
	[tilespmem:$0x1C980] =	vst v63  }
0x5c: {  	_ =	swait.ge [sflag:s23], $0x4000  }
0x5d: {  	[sflag:s23] =	ssyncset.done $0x0  }
0x5e: {  	[sflag:s23] =	ssyncadd.s32 $0xFFFFC000  }
0x5f: {  	[spmem:s2] =	stream.indirect.scatter.add.f32 [tilespmem:s20], [sflag:$0x3], $0x80, s4, s21, $0xb8;
	[tilespmem:$0x1C980] =	vst v63  }
0x60: {  	_ =	swait.ge [sflag:s24], $0x4000  }
0x61: {  	[sflag:s24] =	ssyncset.done $0x0  }
0x62: {  	[sflag:s24] =	ssyncadd.s32 $0xFFFFC000  }
0x63: {  	[spmem:s2] =	stream.indirect.scatter.add.f32 [tilespmem:s22], [sflag:$0x4], $0x80, s21, s21, $0xb8;
	[tilespmem:$0x1C980] =	vst v63  }
0x64: {  	_ =	swait.ge [sflag:s25], $0x4000  }
0x65: {  	[sflag:s25] =	ssyncset.done $0x0  }
0x66: {  	[sflag:s25] =	ssyncadd.s32 $0xFFFFC000  }
0x67: {  	_ =	swait.ge [sflag:s26], $0x4000  }
0x68: {  	[sflag:s26] =	ssyncset.done $0x0  }
0x69: {  	[sflag:s26] =	ssyncadd.s32 $0xFFFFC000  }
0x6a: {  	[tilespmem:s28], [sflag:$0x5] =	stream.linear.gather [hbm4b:s11+s4], $0x10, $0x38;
	[tilespmem:$0x1C980] =	vst v63  }
0x6b: {  	_ =	swait.ge [sflag:s19], $0x10  }
0x6c: {  	[sflag:s19] =	ssyncset.done $0x0  }
0x6d: {  	[sflag:s19] =	ssyncadd.s32 $0xFFFFFFF0  }
0x6e: {  	[tilespmem:s29], [sflag:$0x5] =	stream.linear.gather [hbm4b:s12+s4], $0x800, $0x38;
	[tilespmem:$0x1C980] =	vst v63  }
0x6f: {  	_ =	swait.ge [sflag:s19], $0x800  }
0x70: {  	[sflag:s19] =	ssyncset.done $0x0  }
0x71: {  	s0 =	simm.s32 $0x10;
	[sflag:s19] =	ssyncadd.s32 $0xFFFFF800  }
0x72: {  	[spmem:s2] =	stream.indirect.scatter.add.f32 [tilespmem:s29], [sflag:$0x5], $0x80, s28, s0, $0xb8;
	[tilespmem:$0x1C980] =	vst v63  }
0x73: {  	_ =	swait.ge [sflag:s19], $0x800  }
0x74: {  	s31 =	sadd.s32 $0x1, s31;
	[sflag:s19] =	ssyncset.done $0x0  }
0x75: {  	p0 =	sne.s32 s31, s14;
	[sflag:s19] =	ssyncadd.s32 $0xFFFFF800  }
.Ltmp1:
0x76: {  	[bflag:$0x0] =	sbarrier.arrive $0xFFFF;
	(pc) =	sbr.rel @p0 .LBB2_1-.Ltmp1, $4  }
0x77: {  	[hbm:s13], [sflag:s6] =	dma.local [spmem:s18], $0x2800  }
0x78: {  	_ =	swait.ge [sflag:s19], $0x2800  }
0x79: {  	[sflag:s19] =	ssyncset.done $0x0  }
0x7a: {  	[sflag:s19] =	ssyncadd.s32 $0xFFFFD800  }
0x7b: {  	_ =	sfence.sel $0x180000  }
0x7c: {  	[bflag:$0x0] =	sbarrier.arrive $0xFFFF  }
0x7d: {  	_ =	strace $0x9000004A  }
0x7e: {  	s0 =	stileid.u32;
	[bflag:$0x2] =	sbarrier.arrive $0xFFFF  }
0x7f: {  	p0 =	sne.s32 s0, $0x0;
	s0 =	rddreg [dreg:$0x3]  }
0x80: {  	s0 =	sadd.s32 @!p0 $0x100000, s0  }
0x81: {  	[sflag:s0] =	ssyncadd.tile.s32 @!p0 $0x1;
	_ =	shalt  }
.Lfunc_end2:
_tile_overlayer_lowered:
.L_overlay_start_2:
0x82: {  	(tag) =	ssettag $0x2  }
0x83: {  	s0 =	rddreg [dreg:$0x0];
	s2 =	stileid.u32  }
0x84: {  	s1 =	rddreg [dreg:$0x1];
	p0 =	sne.s32 s2, $0x0  }
0x85: {  	s3 =	rddreg [dreg:$0x2];
	[bflag:$0x3] =	sbarrier.arrive $0xFFFF;
	s2 =	simm.s32 @!p0 $0x1C05  }
0x86: {  	[timem:s3], [sflag:s2] =	dma.local @!p0 [hbm:s0], s1  }
0x87: {  	s0 =	simm.s32 @!p0 $0x5  }
0x88: {  	_ =	swait.ge @!p0 [sflag:s0], s1  }
0x89: {  	s1 =	ssub.s32 @!p0 $0x0, s1;
	[sflag:s0] =	ssyncset.done @!p0 $0x0  }
0x8a: {  	[sflag:s0] =	ssyncadd.s32 @!p0 s1  }
0x8b: {  	[bflag:$0x3] =	sbarrier.arrive $0xFFFF  }
0x8c: {  	_ =	shalt  }

// kernel: kernel.19.cloned.1.call-start
scs
__scs_entry_jumppad:
0x0: {  	(pc) =	sbr.rel $0x88, $3  }
0x1: {  	(tag) =	ssettag $0x0;
	lr =	simm.s32 $0x1  }
0x2: {  	[smem:$0x3F8E] =	sst lr;
	_ =	strace $0xD0000000  }
0x3: {  	_ = 	snop  }
0x4: {  	_ = 	snop  }
0x5: {  	_ = 	snop  }
0x6: {  	_ = 	snop  }
0x7: {  	_ = 	snop  }
__scs_overlays_trampoline_lowered:
0x8: {  	[smem:$0x3F9D] =	sst s0  }
0x9: {  	[smem:$0x3F9E] =	sst s1  }
0xa: {  	[smem:$0x3F9F] =	sst s2  }
0xb: {  	[smem:$0x3FA0] =	sst s3  }
0xc: {  	[smem:$0x3FA1] =	sst s4  }
0xd: {  	[smem:$0x3FA2] =	sst s5  }
0xe: {  	[smem:$0x3FA3] =	sst s6  }
0xf: {  	[smem:$0x3FA4] =	sst s7  }
0x10: {  	[smem:$0x3FA5] =	sst s8  }
0x11: {  	[smem:$0x3FA6] =	sst s9;
	s0 =	simm.s32 @!p0 $0x0  }
0x12: {  	s1 =	sld [smem:$0x3F8C];
	s0 =	simm.s32 @p0 $0x1  }
0x13: {  	[smem:$0x3FA7] =	sst s0;
	s0 =	simm.s32 @!p1 $0x0  }
0x14: {  	s2 =	sld [smem:$0x3F8B];
	s0 =	simm.s32 @p1 $0x1  }
0x15: {  	[smem:$0x3FA8] =	sst s0;
	s0 =	simm.s32 @!p2 $0x0  }
0x16: {  	s3 =	sld [smem:$0x3FDB];
	s0 =	simm.s32 @p2 $0x1  }
0x17: {  	s4 =	simm.s32 $0x1BF5;
	[smem:$0x3FAA] =	sst s0  }
0x18: {  	s0 =	sld [smem:$0x3F8D];
	_ =	swait.ge [sflag:s4], $0x0  }
0x19: {  	s7 =	sld [smem:$0x3F8E]  }
0x1a: {  	s8 =	sadd.s32 $0xFFFFE003, lr  }
0x1b: {  	s9 =	sadd.s32 $0xFFFFFEF7, lr;
	s5 =	simm.s32 $0xFFFFFFFF;
	p2 =	slt.u32 s8, $0xFFFFF086  }
0x1c: {  	p1 =	slt.u32 s9, $0xF7A;
	s5 =	simm.s32 @!p2 $0x0  }
0x1d: {  	s5 =	simm.s32 @p1 $0x1;
	p0 =	seq.s32 s7, s2  }
0x1e: {  	s7 =	smul.u32 @!p0 $0xF7A, s2;
	p2 =	seq.s32 @!p0 s5, $0x0  }
0x1f: {  	s9 =	smul.u32 $0xF7A, s1;
	s8 =	simm.s32 @!p0 $0x1BF5;
	p2 =	por !p2, p0  }
0x20: {  	[sflag:s8] =	ssyncset.s32 @!p0 $0xFFFFF086;
	s6 =	sadd.s32 @!p0 s3, s7;
	s7 =	simm.s32 @!p0 $0x108  }
0x21: {  	s3 =	sadd.s32 s3, s9;
	s6 =	sadd.s32 @!p0 $0x88, s6;
	s7 =	simm.s32 @p2 $0x1082  }
0x22: {  	[simem:s7], [sflag:s8] =	dma.local @!p0 [hbm:s6], $0xF7A  }
0x23: {  	s9 =	sor.u32 $0xD0000000, s2;
	s6 =	simm.s32 $0x108;
	_ =	swait.ge @!p0 [sflag:s8], $0x0  }
0x24: {  	s3 =	sadd.s32 $0x88, s3;
	s6 =	simm.s32 @!p1 $0x1082;
	[sflag:s4] =	ssyncset.s32 $0xFFFFF086  }
0x25: {  	[simem:s6], [sflag:s4] =	dma.local [hbm:s3], $0xF7A  }
0x26: {  	[smem:$0x3F8E] =	sst s1;
	(tag) =	ssettag s2;
	_ =	strace s9  }
0x27: {  	s1 =	sld [smem:$0x3F9E]  }
0x28: {  	s2 =	sld [smem:$0x3F9F]  }
0x29: {  	s4 =	sld [smem:$0x3FA1]  }
0x2a: {  	p0 =	seq.s32 s5, $0x0;
	s5 =	sld [smem:$0x3FA2]  }
0x2b: {  	s6 =	sld [smem:$0x3FA3]  }
0x2c: {  	s7 =	sld [smem:$0x3FA4]  }
0x2d: {  	s3 =	simm.s32 $0x108;
	s8 =	sld [smem:$0x3FA5]  }
0x2e: {  	s3 =	simm.s32 @!p0 $0x1082;
	s9 =	sld [smem:$0x3FA6]  }
0x2f: {  	lr =	sadd.s32 s0, s3;
	s0 =	sld [smem:$0x3F9D]  }
0x30: {  	s3 =	sld [smem:$0x3FA0]  }
0x31: {  	[smem:$0x3FA9] =	sst s10  }
0x32: {  	s10 =	sld [smem:$0x3FA7];
	_ =	sdelay $0x3  }
0x33: {  	p0 =	seq.s32 s10, $0x1;
	s10 =	sld [smem:$0x3FA9];
	_ =	sdelay $0x3  }
0x34: {  	[smem:$0x3FA9] =	sst s10  }
0x35: {  	s10 =	sld [smem:$0x3FA8];
	_ =	sdelay $0x3  }
0x36: {  	p1 =	seq.s32 s10, $0x1;
	s10 =	sld [smem:$0x3FA9];
	_ =	sdelay $0x3  }
0x37: {  	[smem:$0x3FA9] =	sst s10  }
0x38: {  	s10 =	sld [smem:$0x3FAA]  }
0x39: {  	_ = 	snop;
	(pc) =	sbr.ind lr, $3  }
0x3a: {  	_ = 	snop  }
0x3b: {  	_ = 	snop  }
0x3c: {  	p2 =	seq.s32 s10, $0x1;
	s10 =	sld [smem:$0x3FA9]  }
0x3d: {  	_ =	shalt  }
0x3e: {  	_ =	shalt  }
0x3f: {  	_ =	shalt  }
0x40: {  	_ =	shalt  }
0x41: {  	_ =	shalt  }
0x42: {  	_ =	shalt  }
0x43: {  	_ =	shalt  }
0x44: {  	_ =	shalt  }
0x45: {  	_ =	shalt  }
0x46: {  	_ =	shalt  }
0x47: {  	_ =	shalt  }
0x48: {  	_ =	shalt  }
0x49: {  	_ =	shalt  }
0x4a: {  	_ =	shalt  }
0x4b: {  	_ =	shalt  }
0x4c: {  	_ =	shalt  }
0x4d: {  	_ =	shalt  }
0x4e: {  	_ =	shalt  }
0x4f: {  	_ =	shalt  }
0x50: {  	_ =	shalt  }
0x51: {  	_ =	shalt  }
0x52: {  	_ =	shalt  }
0x53: {  	_ =	shalt  }
0x54: {  	_ =	shalt  }
0x55: {  	_ =	shalt  }
0x56: {  	_ =	shalt  }
0x57: {  	_ =	shalt  }
0x58: {  	_ =	shalt  }
0x59: {  	_ =	shalt  }
0x5a: {  	_ =	shalt  }
0x5b: {  	_ =	shalt  }
0x5c: {  	_ =	shalt  }
0x5d: {  	_ =	shalt  }
0x5e: {  	_ =	shalt  }
0x5f: {  	_ =	shalt  }
0x60: {  	_ =	shalt  }
0x61: {  	_ =	shalt  }
0x62: {  	_ =	shalt  }
0x63: {  	_ =	shalt  }
0x64: {  	_ =	shalt  }
0x65: {  	_ =	shalt  }
0x66: {  	_ =	shalt  }
0x67: {  	_ =	shalt  }
0x68: {  	_ =	shalt  }
0x69: {  	_ =	shalt  }
0x6a: {  	_ =	shalt  }
0x6b: {  	_ =	shalt  }
0x6c: {  	_ =	shalt  }
0x6d: {  	_ =	shalt  }
0x6e: {  	_ =	shalt  }
0x6f: {  	_ =	shalt  }
0x70: {  	_ =	shalt  }
0x71: {  	_ =	shalt  }
0x72: {  	_ =	shalt  }
0x73: {  	_ =	shalt  }
0x74: {  	_ =	shalt  }
0x75: {  	_ =	shalt  }
0x76: {  	_ =	shalt  }
0x77: {  	_ =	shalt  }
0x78: {  	_ =	shalt  }
0x79: {  	_ =	shalt  }
0x7a: {  	_ =	shalt  }
0x7b: {  	_ =	shalt  }
0x7c: {  	_ =	shalt  }
0x7d: {  	_ =	shalt  }
0x7e: {  	_ =	shalt  }
0x7f: {  	_ =	shalt  }
0x80: {  	_ =	shalt  }
0x81: {  	_ =	shalt  }
0x82: {  	_ =	shalt  }
0x83: {  	_ =	shalt  }
0x84: {  	_ =	shalt  }
0x85: {  	_ =	shalt  }
0x86: {  	_ =	shalt  }
0x87: {  	_ =	shalt  }
.Lfunc_end0:
.L_simem_size_0:
called_computation.2_lowered:
.L_overlay_start_0:
0x88: {  	s2 =	sld [smem:$0x3FD9]  }
0x89: {  	s3 =	sld [smem:$0x3FFE];
	_ =	sdelay $0x1  }
0x8a: {  	s1 =	srdreg.scid  }
0x8b: {  	s0 =	sand.u32 $0x1, s1  }
0x8c: {  	s16 =	sshll.u32 s0, $0xA;
	s2 =	sadd.s32 s3, s2  }
0x8d: {  	s2 =	sadd.s32 s2, s16  }
0x8e: {  	[smem:$0x3FB5] =	sst s2  }
0x8f: {  	_ = 	snop  }
0x90: {  	(tm) =	ssettm $0x1  }
0x91: {  	s17 =	sld [smem:$0x3FFB];
	_ =	sdelay $0x3  }
0x92: {  	_ =	strace s17  }
0x93: {  	s2 =	sld [smem:$0x3FFC];
	_ =	sdelay $0x3  }
0x94: {  	_ =	strace s2  }
0x95: {  	s2 =	sld [smem:$0x3FFD];
	_ =	sdelay $0x3  }
0x96: {  	_ =	strace s2  }
0x97: {  	_ =	strace $0x8FFFFFFF  }
0x98: {  	s18 =	sld [smem:$0x3FDB];
	_ =	sdelay $0x1  }
0x99: {  	s19 =	simm.s32 $_scs_section_size  }
0x9a: {  	s4 =	simm.s32 $_size__tile_overlayer_lowered;
	s5 =	simm.s32 $_tile_overlayer_lowered  }
0x9b: {  	s22 =	simm.s32 $0x1BFF;
	s21 =	sshll.u32 s5, $0x1;
	s2 =	sadd.s32 s19, s18  }
0x9c: {  	s6 =	simm.s32 $0x0;
	s20 =	sshll.u32 s4, $0x1;
	s4 =	sadd.s32 s21, s2  }
0x9d: {  	[timem:s6], [sflag:s22] =	dma.local [hbm:s4], s20  }
0x9e: {  	_ =	swait.ge [sflag:s22], s20  }
0x9f: {  	s3 =	ssub.s32 $0x0, s20;
	[sflag:s22] =	ssyncset.done $0x0  }
0xa0: {  	[sflag:s22] =	ssyncadd.s32 s3;
	_ =	sdelay $0x1  }
0xa1: {  	s23 =	simm.s32 $0x1B8B  }
0xa2: {  	_ =	swait.ge [sflag:s23], $0x1  }
0xa3: {  	[sflag:s23] =	ssyncset.done $0x0  }
0xa4: {  	s25 =	simm.s32 $0x1B8E;
	s24 =	sld [smem:$0x3FFE];
	[sflag:s23] =	ssyncadd.s32 $0xFFFFFFFF  }
0xa5: {  	s26 =	simm.s32 $execute0_lowered;
	[smem:$0x3FD2] =	sst s25  }
0xa6: {  	s4 =	sshll.u32 s26, $0x1;
	_ =	strace $0x8000004C;
	[dreg:$0x1] =	wrdreg $0xFFFFFFFF  }
0xa7: {  	s28 =	simm.s32 $_size_execute0_lowered;
	s2 =	sadd.s32 s2, s4;
	[dreg:$0x0] =	wrdreg $0x0  }
0xa8: {  	s4 =	sshll.u32 s28, $0x1;
	[dreg:$0x2] =	wrdreg s2  }
0xa9: {  	[dreg:$0x3] =	wrdreg s4  }
0xaa: {  	[dreg:$0x4] =	wrdreg $0xC0  }
0xab: {  	_ =	task [dreg:s6], $0x5FFFF  }
0xac: {  	[dreg:$0x1] =	wrdreg $0xFFFFFFFF  }
0xad: {  	[dreg:$0x0] =	wrdreg $0x60  }
0xae: {  	[dreg:$0x2] =	wrdreg s24  }
0xaf: {  	[dreg:$0x3] =	wrdreg $0x9  }
0xb0: {  	_ =	task.clear_ibuf [dreg:s6], $0x4FFFF;
	_ =	strace $0x9000004C  }
0xb1: {  	s29 =	simm.s32 $0x9;
	_ =	strace $0x8000004E  }
0xb2: {  	_ =	swait.ge [sflag:s29], $0x1  }
0xb3: {  	[sflag:s29] =	ssyncadd.s32 $0xFFFFFFFF  }
0xb4: {  	_ =	strace $0x9000004E  }
0xb5: {  	_ =	sfence  }
0xb6: {  	s30 =	sld [smem:$0x0];
	_ =	sdelay $0x2  }
0xb7: {  	s31 =	sshll.u32 s1, $0xD;
	s1 =	sshrl.u32 s1, $0x2  }
0xb8: {  	s3 =	sand.u32 $0x4000, s31;
	s1 =	sadd.s32 s1, s30  }
0xb9: {  	s0 =	sor.u32 s3, s0;
	s1 =	sshll.u32 s1, $0x11  }
0xba: {  	s0 =	sor.u32 s1, s0  }
0xbb: {  	s0 =	sadd.s32 $0x8F2B, s0  }
0xbc: {  	[sflag:s0] =	ssyncadd.remote.s32 $0x1  }
0xbd: {  	_ =	sfence.sel $0xFFFF  }
0xbe: {  	[dreg:$0x0] =	wrdreg $0xFFFFFFFF;
	(pc) =	sbr.abs _section_cstart, $3  }
0xbf: {  	[dreg:$0x1] =	wrdreg $0xFFFFFFFF  }
0xc0: {  	_ =	task.clear_ibuf [dreg:s6], $0x2FFFF;
	_ =	strace $0x9FFFFFFF  }
0xc1: {  	(tm) =	ssettm $0x7FFFFFFF  }
tec
execute0_lowered:
.L_overlay_start_1:
0x0: {  	(tag) =	ssettag $0x1  }
0x1: {  	s4 =	rddreg [dreg:$0x0]  }
0x2: {  	s1 =	srdreg.scid;
	s0 =	rddreg [dreg:$0x1];
	s2 =	simm.s32 $0x0  }
0x3: {  	s16 =	simm.s32 $0x1;
	s17 =	simm.s32 $0x2;
	s6 =	sand.u32 $0x1, s1  }
0x4: {  	s18 =	simm.s32 $0x3;
	s19 =	simm.s32 $0x4;
	s24 =	smul.u32 $0x271000, s6  }
0x5: {  	s20 =	simm.s32 $0x2700;
	s1 =	stileid.u32;
	s26 =	smul.u32 $0x1388000, s6  }
0x6: {  	[smem:$0x7FF] =	sst s2;
	s3 =	sshll.u32 s6, $0x4;
	s29 =	smul.u32 $0x138800, s1  }
0x7: {  	s9 =	sadd.s32 $0x2800, s4;
	s14 =	smul.u32 $0x27100, s1;
	s5 =	sor.u32 s1, s3  }
0x8: {  	s11 =	sadd.s32 $0x3D600, s4;
	s7 =	ssub.s32 $0x2, s6;
	s8 =	smul.u32 $0x2710, s5  }
0x9: {  	_ =	strace $0x8000004D;
	s21 =	sshrl.u32 s7, $0x1;
	s10 =	smul.u32 $0x138800, s5  }
0xa: {  	s3 =	sadd.s32 $0x16400, s4;
	s7 =	ssub.s32 s7, s21;
	s13 =	smul.u32 $0x27100, s5  }
0xb: {  	s15 =	sadd.s32 s24, s11;
	s21 =	simm.s32 $0x10;
	s24 =	simm.s32 $0x0  }
0xc: {  	s7 =	smax.u32 s7, $0x1;
	s30 =	sadd.s32 s14, s15;
	s14 =	simm.s32 $0x2780  }
0xd: {  	s15 =	simm.s32 $0x6780;
	s12 =	sadd.s32 $0x2700, s8;
	s22 =	sshrl.u32 s8, $0x3  }
0xe: {  	s10 =	sshrl.u32 s10, $0x3;
	s13 =	sadd.s32 s13, s11;
	s23 =	sshrl.u32 s12, $0x3  }
0xf: {  	s4 =	sadd.s32 s9, s22;
	s25 =	sshll.u32 s12, $0x4;
	s28 =	sadd.s32 s11, s10  }
0x10: {  	s10 =	sadd.s32 s29, s26;
	s12 =	simm.s32 $0x6;
	s22 =	simm.s32 $0xA780  }
0x11: {  	s5 =	sadd.s32 s9, s23;
	s6 =	sadd.s32 s11, s25;
	s8 =	sadd.s32 $0x26000, s28  }
0x12: {  	s9 =	sadd.s32 $0x26800, s13;
	s31 =	sshrl.u32 s10, $0x3;
	s10 =	sadd.s32 $0x800, s30  }
0x13: {  	s13 =	simm.s32 $0x80;
	s23 =	simm.s32 $0x5;
	s11 =	sadd.s32 s31, s11  }
.LBB2_1:
0x14: {  	[tilespmem:s2], [sflag:$0x6] =	stream.linear.gather [hbm4b:s4+s2], $0x2700, $0x38;
	[tilespmem:$0xAF80] =	vst v63  }
0x15: {  	_ =	swait.ge [sflag:s12], $0x2700  }
0x16: {  	[sflag:s12] =	ssyncset.done $0x0  }
0x17: {  	[sflag:s12] =	ssyncadd.s32 $0xFFFFD900  }
0x18: {  	[tilespmem:s14], [sflag:$0x1] =	stream.indirect.gather [hbm4b:s3+s13], $0x80, s2, s13, $0xb8;
	[tilespmem:$0xAF80] =	vst v63  }
0x19: {  	_ = 	snop  }
0x1a: {  	[tilespmem:s15], [sflag:$0x2] =	stream.indirect.gather [hbm4b:s3+s13], $0x80, s13, s13, $0xb8;
	[tilespmem:$0xAF80] =	vst v63  }
0x1b: {  	_ =	swait.ge [sflag:s16], $0x4000  }
0x1c: {  	[sflag:s16] =	ssyncset.done $0x0  }
0x1d: {  	s25 =	sadd.s32 $0x0, s11;
	[sflag:s16] =	ssyncadd.s32 $0xFFFFC000  }
0x1e: {  	[hbm4b:s25+s2] =	stream.linear.scatter [tilespmem:s14], [sflag:$0x3], $0x4000, $0x38;
	[tilespmem:$0xAF80] =	vst v63  }
0x1f: {  	_ =	swait.ge [sflag:s17], $0x4000  }
0x20: {  	[sflag:s17] =	ssyncset.done $0x0  }
0x21: {  	s30 =	sadd.s32 $0x0, s10;
	[sflag:s17] =	ssyncadd.s32 $0xFFFFC000  }
0x22: {  	[hbm4b:s30+s2] =	stream.linear.scatter [tilespmem:s15], [sflag:$0x4], $0x4000, $0x38;
	[tilespmem:$0xAF80] =	vst v63  }
0x23: {  	_ =	swait.ge [sflag:s18], $0x4000  }
0x24: {  	[sflag:s18] =	ssyncset.done $0x0  }
0x25: {  	s31 =	simm.s32 $0x100;
	[sflag:s18] =	ssyncadd.s32 $0xFFFFC000  }
0x26: {  	[tilespmem:s14], [sflag:$0x1] =	stream.indirect.gather [hbm4b:s3+s13], $0x80, s31, s13, $0xb8;
	[tilespmem:$0xAF80] =	vst v63  }
0x27: {  	_ =	swait.ge [sflag:s19], $0x4000  }
0x28: {  	s26 =	simm.s32 $0x1000;
	[sflag:s19] =	ssyncset.done $0x0  }
0x29: {  	s28 =	simm.s32 $0x280;
	s25 =	simm.s32 $0x180;
	[sflag:s19] =	ssyncadd.s32 $0xFFFFC000  }
.LBB2_2:
0x2a: {  	[tilespmem:s15], [sflag:$0x2] =	stream.indirect.gather [hbm4b:s3+s13], $0x80, s25, s13, $0xb8;
	[tilespmem:$0xAF80] =	vst v63  }
0x2b: {  	s29 =	smov.u32 s26;
	s25 =	smov.u32 s28  }
0x2c: {  	p0 =	sne.s32 s26, $0x25000;
	s26 =	sadd.s32 $0x1000, s26;
	_ =	swait.ge [sflag:s16], $0x4000  }
0x2d: {  	[sflag:s16] =	ssyncset.done $0x0  }
0x2e: {  	s30 =	sadd.s32 s29, s11;
	[sflag:s16] =	ssyncadd.s32 $0xFFFFC000  }
0x2f: {  	[hbm4b:s30+s2] =	stream.linear.scatter [tilespmem:s14], [sflag:$0x3], $0x4000, $0x38;
	[tilespmem:$0xAF80] =	vst v63  }
0x30: {  	_ =	swait.ge [sflag:s17], $0x4000  }
0x31: {  	[sflag:s17] =	ssyncset.done $0x0  }
0x32: {  	s29 =	sadd.s32 s29, s10;
	[sflag:s17] =	ssyncadd.s32 $0xFFFFC000  }
0x33: {  	[hbm4b:s29+s2] =	stream.linear.scatter [tilespmem:s15], [sflag:$0x4], $0x4000, $0x38;
	[tilespmem:$0xAF80] =	vst v63  }
0x34: {  	_ =	swait.ge [sflag:s18], $0x4000  }
0x35: {  	[sflag:s18] =	ssyncset.done $0x0  }
.Ltmp0:
0x36: {  	s29 =	sadd.s32 $0xFFFFFF80, s28;
	[sflag:s18] =	ssyncadd.s32 $0xFFFFC000;
	(pc) =	sbr.rel @p0 .LBB2_2-.Ltmp0, $4  }
0x37: {  	[tilespmem:s14], [sflag:$0x1] =	stream.indirect.gather [hbm4b:s3+s13], $0x80, s29, s13, $0xb8;
	[tilespmem:$0xAF80] =	vst v63  }
0x38: {  	_ =	swait.ge [sflag:s19], $0x4000  }
0x39: {  	[sflag:s19] =	ssyncset.done $0x0  }
0x3a: {  	s28 =	sadd.s32 $0x100, s28;
	[sflag:s19] =	ssyncadd.s32 $0xFFFFC000  }
0x3b: {  	[tilespmem:s15], [sflag:$0x2] =	stream.indirect.gather [hbm4b:s3+s13], $0x80, s25, s13, $0xb8;
	[tilespmem:$0xAF80] =	vst v63  }
0x3c: {  	_ =	swait.ge [sflag:s16], $0x4000  }
0x3d: {  	[sflag:s16] =	ssyncset.done $0x0  }
0x3e: {  	[sflag:s16] =	ssyncadd.s32 $0xFFFFC000  }
0x3f: {  	[hbm4b:s8+s2] =	stream.linear.scatter [tilespmem:s14], [sflag:$0x3], $0x4000, $0x38;
	[tilespmem:$0xAF80] =	vst v63  }
0x40: {  	_ =	swait.ge [sflag:s17], $0x4000  }
0x41: {  	[sflag:s17] =	ssyncset.done $0x0  }
0x42: {  	[sflag:s17] =	ssyncadd.s32 $0xFFFFC000  }
0x43: {  	[hbm4b:s9+s2] =	stream.linear.scatter [tilespmem:s15], [sflag:$0x4], $0x4000, $0x38;
	[tilespmem:$0xAF80] =	vst v63  }
0x44: {  	_ =	swait.ge [sflag:s18], $0x4000  }
0x45: {  	[sflag:s18] =	ssyncset.done $0x0  }
0x46: {  	[sflag:s18] =	ssyncadd.s32 $0xFFFFC000  }
0x47: {  	_ =	swait.ge [sflag:s19], $0x4000  }
0x48: {  	[sflag:s19] =	ssyncset.done $0x0  }
0x49: {  	[sflag:s19] =	ssyncadd.s32 $0xFFFFC000  }
0x4a: {  	[tilespmem:s20], [sflag:$0x6] =	stream.linear.gather [hbm4b:s5+s2], $0x10, $0x38;
	[tilespmem:$0xAF80] =	vst v63  }
0x4b: {  	_ =	swait.ge [sflag:s12], $0x10  }
0x4c: {  	[sflag:s12] =	ssyncset.done $0x0  }
0x4d: {  	[sflag:s12] =	ssyncadd.s32 $0xFFFFFFF0  }
0x4e: {  	[tilespmem:s22], [sflag:$0x5] =	stream.indirect.gather [hbm4b:s3+s21], $0x80, s20, s21, $0xb8;
	[tilespmem:$0xAF80] =	vst v63  }
0x4f: {  	s24 =	sadd.s32 $0x1, s24;
	_ =	swait.ge [sflag:s23], $0x800  }
0x50: {  	p0 =	sne.s32 s24, s7;
	[sflag:s23] =	ssyncset.done $0x0  }
.Ltmp1:
0x51: {  	[sflag:s23] =	ssyncadd.s32 $0xFFFFF800;
	(pc) =	sbr.rel @p0 .LBB2_1-.Ltmp1, $4  }
0x52: {  	[hbm4b:s6+s2] =	stream.linear.scatter [tilespmem:s22], [sflag:$0x6], $0x800, $0x38;
	[tilespmem:$0xAF80] =	vst v63  }
0x53: {  	_ =	swait.ge [sflag:s12], $0x800  }
0x54: {  	[sflag:s12] =	ssyncset.done $0x0  }
0x55: {  	[sflag:s12] =	ssyncadd.s32 $0xFFFFF800  }
0x56: {  	_ =	sfence.sel $0x180000  }
0x57: {  	[bflag:$0x0] =	sbarrier.arrive $0xFFFF  }
0x58: {  	p0 =	sne.s32 s1, $0x0;
	_ =	strace $0x9000004D  }
0x59: {  	s0 =	sadd.s32 @!p0 $0x100000, s0;
	[bflag:$0x2] =	sbarrier.arrive $0xFFFF  }
0x5a: {  	[sflag:s0] =	ssyncadd.tile.s32 @!p0 $0x1;
	_ =	shalt  }
.Lfunc_end2:
_tile_overlayer_lowered:
.L_overlay_start_2:
0x5b: {  	(tag) =	ssettag $0x2  }
0x5c: {  	s0 =	rddreg [dreg:$0x0];
	s2 =	stileid.u32  }
0x5d: {  	s1 =	rddreg [dreg:$0x1];
	p0 =	sne.s32 s2, $0x0  }
0x5e: {  	s3 =	rddreg [dreg:$0x2];
	[bflag:$0x3] =	sbarrier.arrive $0xFFFF;
	s2 =	simm.s32 @!p0 $0x1C06  }
0x5f: {  	[timem:s3], [sflag:s2] =	dma.local @!p0 [hbm:s0], s1  }
0x60: {  	s0 =	simm.s32 @!p0 $0x6  }
0x61: {  	_ =	swait.ge @!p0 [sflag:s0], s1  }
0x62: {  	s1 =	ssub.s32 @!p0 $0x0, s1;
	[sflag:s0] =	ssyncset.done @!p0 $0x0  }
0x63: {  	[sflag:s0] =	ssyncadd.s32 @!p0 s1  }
0x64: {  	[bflag:$0x3] =	sbarrier.arrive $0xFFFF  }
0x65: {  	_ =	shalt  }

// kernel: kernel.22.cloned.1.call-start
scs
__scs_entry_jumppad:
0x0: {  	(pc) =	sbr.rel $0x88, $3  }
0x1: {  	(tag) =	ssettag $0x0;
	lr =	simm.s32 $0x1  }
0x2: {  	[smem:$0x3F8E] =	sst lr;
	_ =	strace $0xD0000000  }
0x3: {  	_ = 	snop  }
0x4: {  	_ = 	snop  }
0x5: {  	_ = 	snop  }
0x6: {  	_ = 	snop  }
0x7: {  	_ = 	snop  }
__scs_overlays_trampoline_lowered:
0x8: {  	[smem:$0x3F9D] =	sst s0  }
0x9: {  	[smem:$0x3F9E] =	sst s1  }
0xa: {  	[smem:$0x3F9F] =	sst s2  }
0xb: {  	[smem:$0x3FA0] =	sst s3  }
0xc: {  	[smem:$0x3FA1] =	sst s4  }
0xd: {  	[smem:$0x3FA2] =	sst s5  }
0xe: {  	[smem:$0x3FA3] =	sst s6  }
0xf: {  	[smem:$0x3FA4] =	sst s7  }
0x10: {  	[smem:$0x3FA5] =	sst s8  }
0x11: {  	[smem:$0x3FA6] =	sst s9;
	s0 =	simm.s32 @!p0 $0x0  }
0x12: {  	s1 =	sld [smem:$0x3F8C];
	s0 =	simm.s32 @p0 $0x1  }
0x13: {  	[smem:$0x3FA7] =	sst s0;
	s0 =	simm.s32 @!p1 $0x0  }
0x14: {  	s2 =	sld [smem:$0x3F8B];
	s0 =	simm.s32 @p1 $0x1  }
0x15: {  	[smem:$0x3FA8] =	sst s0;
	s0 =	simm.s32 @!p2 $0x0  }
0x16: {  	s3 =	sld [smem:$0x3FDB];
	s0 =	simm.s32 @p2 $0x1  }
0x17: {  	s4 =	simm.s32 $0x1BF5;
	[smem:$0x3FAA] =	sst s0  }
0x18: {  	s0 =	sld [smem:$0x3F8D];
	_ =	swait.ge [sflag:s4], $0x0  }
0x19: {  	s7 =	sld [smem:$0x3F8E]  }
0x1a: {  	s8 =	sadd.s32 $0xFFFFE003, lr  }
0x1b: {  	s9 =	sadd.s32 $0xFFFFFEF7, lr;
	s5 =	simm.s32 $0xFFFFFFFF;
	p2 =	slt.u32 s8, $0xFFFFF086  }
0x1c: {  	p1 =	slt.u32 s9, $0xF7A;
	s5 =	simm.s32 @!p2 $0x0  }
0x1d: {  	s5 =	simm.s32 @p1 $0x1;
	p0 =	seq.s32 s7, s2  }
0x1e: {  	s7 =	smul.u32 @!p0 $0xF7A, s2;
	p2 =	seq.s32 @!p0 s5, $0x0  }
0x1f: {  	s9 =	smul.u32 $0xF7A, s1;
	s8 =	simm.s32 @!p0 $0x1BF5;
	p2 =	por !p2, p0  }
0x20: {  	[sflag:s8] =	ssyncset.s32 @!p0 $0xFFFFF086;
	s6 =	sadd.s32 @!p0 s3, s7;
	s7 =	simm.s32 @!p0 $0x108  }
0x21: {  	s3 =	sadd.s32 s3, s9;
	s6 =	sadd.s32 @!p0 $0x88, s6;
	s7 =	simm.s32 @p2 $0x1082  }
0x22: {  	[simem:s7], [sflag:s8] =	dma.local @!p0 [hbm:s6], $0xF7A  }
0x23: {  	s9 =	sor.u32 $0xD0000000, s2;
	s6 =	simm.s32 $0x108;
	_ =	swait.ge @!p0 [sflag:s8], $0x0  }
0x24: {  	s3 =	sadd.s32 $0x88, s3;
	s6 =	simm.s32 @!p1 $0x1082;
	[sflag:s4] =	ssyncset.s32 $0xFFFFF086  }
0x25: {  	[simem:s6], [sflag:s4] =	dma.local [hbm:s3], $0xF7A  }
0x26: {  	[smem:$0x3F8E] =	sst s1;
	(tag) =	ssettag s2;
	_ =	strace s9  }
0x27: {  	s1 =	sld [smem:$0x3F9E]  }
0x28: {  	s2 =	sld [smem:$0x3F9F]  }
0x29: {  	s4 =	sld [smem:$0x3FA1]  }
0x2a: {  	p0 =	seq.s32 s5, $0x0;
	s5 =	sld [smem:$0x3FA2]  }
0x2b: {  	s6 =	sld [smem:$0x3FA3]  }
0x2c: {  	s7 =	sld [smem:$0x3FA4]  }
0x2d: {  	s3 =	simm.s32 $0x108;
	s8 =	sld [smem:$0x3FA5]  }
0x2e: {  	s3 =	simm.s32 @!p0 $0x1082;
	s9 =	sld [smem:$0x3FA6]  }
0x2f: {  	lr =	sadd.s32 s0, s3;
	s0 =	sld [smem:$0x3F9D]  }
0x30: {  	s3 =	sld [smem:$0x3FA0]  }
0x31: {  	[smem:$0x3FA9] =	sst s10  }
0x32: {  	s10 =	sld [smem:$0x3FA7];
	_ =	sdelay $0x3  }
0x33: {  	p0 =	seq.s32 s10, $0x1;
	s10 =	sld [smem:$0x3FA9];
	_ =	sdelay $0x3  }
0x34: {  	[smem:$0x3FA9] =	sst s10  }
0x35: {  	s10 =	sld [smem:$0x3FA8];
	_ =	sdelay $0x3  }
0x36: {  	p1 =	seq.s32 s10, $0x1;
	s10 =	sld [smem:$0x3FA9];
	_ =	sdelay $0x3  }
0x37: {  	[smem:$0x3FA9] =	sst s10  }
0x38: {  	s10 =	sld [smem:$0x3FAA]  }
0x39: {  	_ = 	snop;
	(pc) =	sbr.ind lr, $3  }
0x3a: {  	_ = 	snop  }
0x3b: {  	_ = 	snop  }
0x3c: {  	p2 =	seq.s32 s10, $0x1;
	s10 =	sld [smem:$0x3FA9]  }
0x3d: {  	_ =	shalt  }
0x3e: {  	_ =	shalt  }
0x3f: {  	_ =	shalt  }
0x40: {  	_ =	shalt  }
0x41: {  	_ =	shalt  }
0x42: {  	_ =	shalt  }
0x43: {  	_ =	shalt  }
0x44: {  	_ =	shalt  }
0x45: {  	_ =	shalt  }
0x46: {  	_ =	shalt  }
0x47: {  	_ =	shalt  }
0x48: {  	_ =	shalt  }
0x49: {  	_ =	shalt  }
0x4a: {  	_ =	shalt  }
0x4b: {  	_ =	shalt  }
0x4c: {  	_ =	shalt  }
0x4d: {  	_ =	shalt  }
0x4e: {  	_ =	shalt  }
0x4f: {  	_ =	shalt  }
0x50: {  	_ =	shalt  }
0x51: {  	_ =	shalt  }
0x52: {  	_ =	shalt  }
0x53: {  	_ =	shalt  }
0x54: {  	_ =	shalt  }
0x55: {  	_ =	shalt  }
0x56: {  	_ =	shalt  }
0x57: {  	_ =	shalt  }
0x58: {  	_ =	shalt  }
0x59: {  	_ =	shalt  }
0x5a: {  	_ =	shalt  }
0x5b: {  	_ =	shalt  }
0x5c: {  	_ =	shalt  }
0x5d: {  	_ =	shalt  }
0x5e: {  	_ =	shalt  }
0x5f: {  	_ =	shalt  }
0x60: {  	_ =	shalt  }
0x61: {  	_ =	shalt  }
0x62: {  	_ =	shalt  }
0x63: {  	_ =	shalt  }
0x64: {  	_ =	shalt  }
0x65: {  	_ =	shalt  }
0x66: {  	_ =	shalt  }
0x67: {  	_ =	shalt  }
0x68: {  	_ =	shalt  }
0x69: {  	_ =	shalt  }
0x6a: {  	_ =	shalt  }
0x6b: {  	_ =	shalt  }
0x6c: {  	_ =	shalt  }
0x6d: {  	_ =	shalt  }
0x6e: {  	_ =	shalt  }
0x6f: {  	_ =	shalt  }
0x70: {  	_ =	shalt  }
0x71: {  	_ =	shalt  }
0x72: {  	_ =	shalt  }
0x73: {  	_ =	shalt  }
0x74: {  	_ =	shalt  }
0x75: {  	_ =	shalt  }
0x76: {  	_ =	shalt  }
0x77: {  	_ =	shalt  }
0x78: {  	_ =	shalt  }
0x79: {  	_ =	shalt  }
0x7a: {  	_ =	shalt  }
0x7b: {  	_ =	shalt  }
0x7c: {  	_ =	shalt  }
0x7d: {  	_ =	shalt  }
0x7e: {  	_ =	shalt  }
0x7f: {  	_ =	shalt  }
0x80: {  	_ =	shalt  }
0x81: {  	_ =	shalt  }
0x82: {  	_ =	shalt  }
0x83: {  	_ =	shalt  }
0x84: {  	_ =	shalt  }
0x85: {  	_ =	shalt  }
0x86: {  	_ =	shalt  }
0x87: {  	_ =	shalt  }
.Lfunc_end0:
.L_simem_size_0:
called_computation.3_lowered:
.L_overlay_start_0:
0x88: {  	s2 =	sld [smem:$0x3FD9]  }
0x89: {  	s3 =	sld [smem:$0x3FFE];
	_ =	sdelay $0x1  }
0x8a: {  	s1 =	srdreg.scid  }
0x8b: {  	s0 =	sand.u32 $0x1, s1  }
0x8c: {  	s14 =	sshll.u32 s0, $0xA;
	s2 =	sadd.s32 s3, s2  }
0x8d: {  	s2 =	sadd.s32 s2, s14  }
0x8e: {  	[smem:$0x3FB5] =	sst s2  }
0x8f: {  	_ = 	snop  }
0x90: {  	s2 =	sld [smem:$0x3FD0];
	_ =	sdelay $0x2  }
0x91: {  	s15 =	simm.s32 $0xA;
	s4 =	simm.s32 $0x10  }
0x92: {  	[smem:s4], [sflag:s15] =	dma.local [hbm:s2], $0x1  }
0x93: {  	_ =	swait.eq [sflag:s15], $0x1  }
0x94: {  	[sflag:s15] =	ssyncset.done $0x0  }
0x95: {  	[sflag:s15] =	ssyncadd.s32 $0xFFFFFFFF  }
0x96: {  	s16 =	sld [smem:$0x10];
	(tm) =	ssettm $0x1  }
0x97: {  	s17 =	sld [smem:$0x3FFB];
	_ =	sdelay $0x3  }
0x98: {  	_ =	strace s17  }
0x99: {  	s3 =	sld [smem:$0x3FFC];
	_ =	sdelay $0x3  }
0x9a: {  	_ =	strace s3  }
0x9b: {  	s3 =	sld [smem:$0x3FFD];
	_ =	sdelay $0x3  }
0x9c: {  	_ =	strace s3  }
0x9d: {  	_ =	strace $0x8FFFFFFF  }
0x9e: {  	s18 =	sld [smem:$0x3FDB];
	_ =	sdelay $0x1  }
0x9f: {  	s19 =	simm.s32 $_scs_section_size  }
0xa0: {  	s5 =	simm.s32 $_size__tile_overlayer_lowered;
	s6 =	simm.s32 $_tile_overlayer_lowered  }
0xa1: {  	s22 =	simm.s32 $0x1BFF;
	s21 =	sshll.u32 s6, $0x1;
	s3 =	sadd.s32 s19, s18  }
0xa2: {  	s7 =	simm.s32 $0x0;
	s20 =	sshll.u32 s5, $0x1;
	s5 =	sadd.s32 s21, s3  }
0xa3: {  	[timem:s7], [sflag:s22] =	dma.local [hbm:s5], s20  }
0xa4: {  	_ =	swait.ge [sflag:s22], s20  }
0xa5: {  	s4 =	ssub.s32 $0x0, s20;
	[sflag:s22] =	ssyncset.done $0x0  }
0xa6: {  	[sflag:s22] =	ssyncadd.s32 s4;
	_ =	sdelay $0x1  }
0xa7: {  	s23 =	simm.s32 $0x1B8B  }
0xa8: {  	_ =	swait.ge [sflag:s23], $0x1  }
0xa9: {  	[sflag:s23] =	ssyncset.done $0x0  }
0xaa: {  	s25 =	simm.s32 $0x1B8E;
	s24 =	sld [smem:$0x3FFE];
	[sflag:s23] =	ssyncadd.s32 $0xFFFFFFFF  }
0xab: {  	s26 =	simm.s32 $execute0_lowered;
	[smem:$0x3FD2] =	sst s25  }
0xac: {  	s5 =	sshll.u32 s26, $0x1;
	_ =	strace $0x8000004F;
	[dreg:$0x1] =	wrdreg $0xFFFFFFFF  }
0xad: {  	s28 =	simm.s32 $_size_execute0_lowered;
	s3 =	sadd.s32 s3, s5;
	[dreg:$0x0] =	wrdreg $0x0  }
0xae: {  	s5 =	sshll.u32 s28, $0x1;
	[dreg:$0x2] =	wrdreg s3  }
0xaf: {  	[dreg:$0x3] =	wrdreg s5  }
0xb0: {  	[dreg:$0x4] =	wrdreg $0xC0  }
0xb1: {  	_ =	task [dreg:s7], $0x5FFFF  }
0xb2: {  	[dreg:$0x1] =	wrdreg $0xFFFFFFFF  }
0xb3: {  	[dreg:$0x0] =	wrdreg $0x60  }
0xb4: {  	[dreg:$0x2] =	wrdreg s24  }
0xb5: {  	[dreg:$0x3] =	wrdreg s16  }
0xb6: {  	[dreg:$0x4] =	wrdreg $0x89800  }
0xb7: {  	[dreg:$0x5] =	wrdreg $0x9  }
0xb8: {  	_ =	task.clear_ibuf [dreg:s7], $0x6FFFF;
	_ =	strace $0x9000004F  }
0xb9: {  	s29 =	simm.s32 $0x9;
	_ =	strace $0x80000051  }
0xba: {  	_ =	swait.ge [sflag:s29], $0x1  }
0xbb: {  	[sflag:s29] =	ssyncadd.s32 $0xFFFFFFFF  }
0xbc: {  	_ =	strace $0x90000051  }
0xbd: {  	_ =	sfence  }
0xbe: {  	s30 =	sld [smem:$0x0];
	_ =	sdelay $0x2  }
0xbf: {  	s31 =	sshll.u32 s1, $0xD;
	s1 =	sshrl.u32 s1, $0x2  }
0xc0: {  	s3 =	sand.u32 $0x4000, s31;
	s1 =	sadd.s32 s1, s30  }
0xc1: {  	s0 =	sor.u32 s3, s0;
	s1 =	sshll.u32 s1, $0x11  }
0xc2: {  	s0 =	sor.u32 s1, s0  }
0xc3: {  	s0 =	sadd.s32 $0x8F2B, s0  }
0xc4: {  	[sflag:s0] =	ssyncadd.remote.s32 $0x1  }
0xc5: {  	_ =	sfence.sel $0xFFFF  }
0xc6: {  	[dreg:$0x0] =	wrdreg $0xFFFFFFFF;
	(pc) =	sbr.abs _section_cstart, $3  }
0xc7: {  	[dreg:$0x1] =	wrdreg $0xFFFFFFFF  }
0xc8: {  	_ =	task.clear_ibuf [dreg:s7], $0x2FFFF;
	_ =	strace $0x9FFFFFFF  }
0xc9: {  	(tm) =	ssettm $0x7FFFFFFF  }
tec
execute0_lowered:
.L_overlay_start_1:
0x0: {  	(tag) =	ssettag $0x1  }
0x1: {  	s0 =	rddreg [dreg:$0x0]  }
0x2: {  	s2 =	rddreg [dreg:$0x2]  }
0x3: {  	s1 =	srdreg.scid;
	s4 =	simm.s32 $0x0;
	s17 =	stileid.u32  }
0x4: {  	s28 =	simm.s32 $0x100;
	s29 =	simm.s32 $0x8180;
	s6 =	smul.u32 $0x14000, s17  }
0x5: {  	s31 =	simm.s32 $0x0;
	s1 =	sand.u32 $0x1, s1;
	s7 =	smul.u32 $0x50000, s17  }
0x6: {  	[smem:$0x7FF] =	sst s4;
	s13 =	sadd.s32 $0xA01600, s0;
	s3 =	smul.u32 $0x140000, s1  }
0x7: {  	s5 =	sadd.s32 $0xC600, s0;
	s19 =	sshll.u32 s17, $0x6;
	s14 =	smul.u32 $0x271000, s1  }
0x8: {  	s16 =	sshll.u32 s1, $0x4;
	s18 =	ssub.s32 $0x2, s1;
	s1 =	smul.u32 $0x27100, s1  }
0x9: {  	s3 =	sadd.s32 s6, s3;
	s6 =	sor.u32 s17, s16;
	s16 =	smul.u32 $0x2710, s17  }
0xa: {  	_ =	strace $0x80000050;
	s7 =	sshrl.u32 s7, $0x2;
	s17 =	smul.u32 $0x27100, s17  }
0xb: {  	s8 =	sshrl.u32 s18, $0x1;
	s15 =	sadd.s32 s7, s2;
	s10 =	smul.u32 $0x2710, s6  }
0xc: {  	s14 =	sadd.s32 s14, s13;
	s3 =	sshrl.u32 s3, $0x3;
	s9 =	smul.u32 $0x27100, s6  }
0xd: {  	s6 =	sor.u32 $0x1C05, s19;
	s19 =	simm.s32 $0x5;
	s0 =	sadd.s32 s3, s0  }
0xe: {  	s3 =	ssub.s32 s18, s8;
	s1 =	sadd.s32 s16, s1;
	s25 =	sadd.s32 s17, s14  }
0xf: {  	s18 =	sshrl.u32 s15, $0x3;
	s20 =	sshrl.u32 s10, $0x3;
	s11 =	sadd.s32 $0x80, s10  }
0x10: {  	s22 =	sadd.s32 s13, s9;
	s23 =	sadd.s32 $0x2700, s10;
	s16 =	sadd.s32 $0x180, s1  }
0x11: {  	s14 =	smax.u32 s3, $0x1;
	s30 =	sadd.s32 $0x1800, s25;
	s17 =	sadd.s32 $0x100, s1  }
0x12: {  	s25 =	simm.s32 $0x3;
	s21 =	sadd.s32 s5, s20;
	s12 =	sshrl.u32 s11, $0x3  }
0x13: {  	[dreg:$0x5] =	wrdreg s22;
	s11 =	sshll.u32 s11, $0x4;
	s24 =	sshrl.u32 s23, $0x3  }
0x14: {  	s26 =	sshrl.u32 s16, $0x3;
	s20 =	simm.s32 $0x180;
	s22 =	simm.s32 $0x4180  }
0x15: {  	[dreg:$0x4] =	wrdreg s21;
	s9 =	sadd.s32 s5, s12;
	s10 =	sadd.s32 s13, s11  }
0x16: {  	s11 =	sadd.s32 s5, s24;
	s12 =	sshll.u32 s23, $0x4;
	s16 =	sadd.s32 s26, s5  }
0x17: {  	s21 =	simm.s32 $0x80;
	s23 =	simm.s32 $0x1;
	s24 =	simm.s32 $0x2  }
0x18: {  	s26 =	simm.s32 $0x4;
	s12 =	sadd.s32 s13, s12;
	s13 =	sadd.s32 $0x3D600, s0  }
.LBB2_1:
0x19: {  	s0 =	rddreg [dreg:$0x1]  }
0x1a: {  	[spmem:s18], [sflag:s6] =	dma.local [hbm:s0], $0x2800  }
0x1b: {  	_ =	swait.ge [sflag:s19], $0x2800  }
0x1c: {  	[sflag:s19] =	ssyncset.done $0x0  }
0x1d: {  	[sflag:s19] =	ssyncadd.s32 $0xFFFFD800  }
0x1e: {  	[bflag:$0x0] =	sbarrier.arrive $0xFFFF  }
0x1f: {  	s1 =	rddreg [dreg:$0x4]  }
0x20: {  	[tilespmem:s4], [sflag:$0x5] =	stream.linear.gather [hbm4b:s1+s4], $0x80, $0x38;
	[tilespmem:$0x1C980] =	vst v63  }
0x21: {  	_ =	swait.ge [sflag:s19], $0x80  }
0x22: {  	[sflag:s19] =	ssyncset.done $0x0  }
0x23: {  	s3 =	rddreg [dreg:$0x5];
	[sflag:s19] =	ssyncadd.s32 $0xFFFFFF80  }
0x24: {  	[tilespmem:s20], [sflag:$0x1] =	stream.linear.gather [hbm4b:s3+s4], $0x4000, $0x38;
	[tilespmem:$0x1C980] =	vst v63  }
0x25: {  	_ = 	snop  }
0x26: {  	[tilespmem:s21], [sflag:$0x5] =	stream.linear.gather [hbm4b:s9+s4], $0x80, $0x38;
	[tilespmem:$0x1C980] =	vst v63  }
0x27: {  	_ =	swait.ge [sflag:s19], $0x80  }
0x28: {  	[sflag:s19] =	ssyncset.done $0x0  }
0x29: {  	[sflag:s19] =	ssyncadd.s32 $0xFFFFFF80  }
0x2a: {  	[tilespmem:s22], [sflag:$0x2] =	stream.linear.gather [hbm4b:s10+s4], $0x4000, $0x38;
	[tilespmem:$0x1C980] =	vst v63  }
0x2b: {  	_ =	swait.ge [sflag:s23], $0x4000  }
0x2c: {  	[sflag:s23] =	ssyncset.done $0x0  }
0x2d: {  	[sflag:s23] =	ssyncadd.s32 $0xFFFFC000  }
0x2e: {  	[spmem:s2] =	stream.indirect.scatter.add.f32 [tilespmem:s20], [sflag:$0x3], $0x80, s4, s21, $0xb8;
	[tilespmem:$0x1C980] =	vst v63  }
0x2f: {  	_ =	swait.ge [sflag:s24], $0x4000  }
0x30: {  	[sflag:s24] =	ssyncset.done $0x0  }
0x31: {  	[sflag:s24] =	ssyncadd.s32 $0xFFFFC000  }
0x32: {  	[spmem:s2] =	stream.indirect.scatter.add.f32 [tilespmem:s22], [sflag:$0x4], $0x80, s21, s21, $0xb8;
	[tilespmem:$0x1C980] =	vst v63  }
0x33: {  	_ =	swait.ge [sflag:s25], $0x4000  }
0x34: {  	s7 =	sshrl.u32 s17, $0x3;
	[sflag:s25] =	ssyncset.done $0x0  }
0x35: {  	s0 =	sadd.s32 s5, s7;
	[sflag:s25] =	ssyncadd.s32 $0xFFFFC000  }
0x36: {  	[tilespmem:s4], [sflag:$0x5] =	stream.linear.gather [hbm4b:s0+s4], $0x80, $0x38;
	[tilespmem:$0x1C980] =	vst v63  }
0x37: {  	_ =	swait.ge [sflag:s19], $0x80  }
0x38: {  	[sflag:s19] =	ssyncset.done $0x0  }
0x39: {  	s8 =	sadd.s32 $0xFFFFF800, s30;
	[sflag:s19] =	ssyncadd.s32 $0xFFFFFF80  }
0x3a: {  	[tilespmem:s20], [sflag:$0x1] =	stream.linear.gather [hbm4b:s8+s4], $0x4000, $0x38;
	[tilespmem:$0x1C980] =	vst v63  }
0x3b: {  	_ =	swait.ge [sflag:s26], $0x4000  }
0x3c: {  	[sflag:s26] =	ssyncset.done $0x0  }
0x3d: {  	s15 =	sadd.s32 $0x0, s16;
	[sflag:s26] =	ssyncadd.s32 $0xFFFFC000  }
0x3e: {  	[tilespmem:s21], [sflag:$0x5] =	stream.linear.gather [hbm4b:s15+s4], $0x80, $0x38;
	[tilespmem:$0x1C980] =	vst v63  }
0x3f: {  	_ =	swait.ge [sflag:s19], $0x80  }
0x40: {  	s1 =	sadd.s32 $0x100, s17;
	s3 =	sadd.s32 $0x1000, s30;
	[sflag:s19] =	ssyncset.done $0x0  }
0x41: {  	s0 =	simm.s32 $0x20;
	s15 =	smov.u32 s30;
	[sflag:s19] =	ssyncadd.s32 $0xFFFFFF80  }
.LBB2_2:
0x42: {  	[tilespmem:s22], [sflag:$0x2] =	stream.linear.gather [hbm4b:s15+s4], $0x4000, $0x38;
	[tilespmem:$0x1C980] =	vst v63  }
0x43: {  	s7 =	smov.u32 s0;
	s15 =	smov.u32 s3  }
0x44: {  	p0 =	sne.s32 s0, $0x4A0;
	s0 =	sadd.s32 $0x20, s0;
	_ =	swait.ge [sflag:s23], $0x4000  }
0x45: {  	[sflag:s23] =	ssyncset.done $0x0  }
0x46: {  	[sflag:s23] =	ssyncadd.s32 $0xFFFFC000  }
0x47: {  	[spmem:s2] =	stream.indirect.scatter.add.f32 [tilespmem:s20], [sflag:$0x3], $0x80, s4, s21, $0xb8;
	[tilespmem:$0x1C980] =	vst v63  }
0x48: {  	_ =	swait.ge [sflag:s24], $0x4000  }
0x49: {  	[sflag:s24] =	ssyncset.done $0x0  }
0x4a: {  	[sflag:s24] =	ssyncadd.s32 $0xFFFFC000  }
0x4b: {  	[spmem:s2] =	stream.indirect.scatter.add.f32 [tilespmem:s22], [sflag:$0x4], $0x80, s21, s21, $0xb8;
	[tilespmem:$0x1C980] =	vst v63  }
0x4c: {  	_ =	swait.ge [sflag:s25], $0x4000  }
0x4d: {  	s8 =	sshrl.u32 s1, $0x3;
	[sflag:s25] =	ssyncset.done $0x0  }
0x4e: {  	s8 =	sadd.s32 s5, s8;
	[sflag:s25] =	ssyncadd.s32 $0xFFFFC000  }
0x4f: {  	[tilespmem:s4], [sflag:$0x5] =	stream.linear.gather [hbm4b:s8+s4], $0x80, $0x38;
	[tilespmem:$0x1C980] =	vst v63  }
0x50: {  	_ =	swait.ge [sflag:s19], $0x80  }
0x51: {  	[sflag:s19] =	ssyncset.done $0x0  }
0x52: {  	s8 =	sadd.s32 $0xFFFFF800, s3;
	[sflag:s19] =	ssyncadd.s32 $0xFFFFFF80  }
0x53: {  	[tilespmem:s20], [sflag:$0x1] =	stream.linear.gather [hbm4b:s8+s4], $0x4000, $0x38;
	[tilespmem:$0x1C980] =	vst v63  }
0x54: {  	_ =	swait.ge [sflag:s26], $0x4000  }
0x55: {  	[sflag:s26] =	ssyncset.done $0x0  }
.Ltmp0:
0x56: {  	s7 =	sadd.s32 s7, s16;
	[sflag:s26] =	ssyncadd.s32 $0xFFFFC000;
	(pc) =	sbr.rel @p0 .LBB2_2-.Ltmp0, $4  }
0x57: {  	[tilespmem:s21], [sflag:$0x5] =	stream.linear.gather [hbm4b:s7+s4], $0x80, $0x38;
	[tilespmem:$0x1C980] =	vst v63  }
0x58: {  	_ =	swait.ge [sflag:s19], $0x80  }
0x59: {  	[sflag:s19] =	ssyncset.done $0x0  }
0x5a: {  	s1 =	sadd.s32 $0x100, s1;
	s3 =	sadd.s32 $0x1000, s3;
	[sflag:s19] =	ssyncadd.s32 $0xFFFFFF80  }
0x5b: {  	[tilespmem:s22], [sflag:$0x2] =	stream.linear.gather [hbm4b:s15+s4], $0x4000, $0x38;
	[tilespmem:$0x1C980] =	vst v63  }
0x5c: {  	_ =	swait.ge [sflag:s23], $0x4000  }
0x5d: {  	[sflag:s23] =	ssyncset.done $0x0  }
0x5e: {  	[sflag:s23] =	ssyncadd.s32 $0xFFFFC000  }
0x5f: {  	[spmem:s2] =	stream.indirect.scatter.add.f32 [tilespmem:s20], [sflag:$0x3], $0x80, s4, s21, $0xb8;
	[tilespmem:$0x1C980] =	vst v63  }
0x60: {  	_ =	swait.ge [sflag:s24], $0x4000  }
0x61: {  	[sflag:s24] =	ssyncset.done $0x0  }
0x62: {  	[sflag:s24] =	ssyncadd.s32 $0xFFFFC000  }
0x63: {  	[spmem:s2] =	stream.indirect.scatter.add.f32 [tilespmem:s22], [sflag:$0x4], $0x80, s21, s21, $0xb8;
	[tilespmem:$0x1C980] =	vst v63  }
0x64: {  	_ =	swait.ge [sflag:s25], $0x4000  }
0x65: {  	[sflag:s25] =	ssyncset.done $0x0  }
0x66: {  	[sflag:s25] =	ssyncadd.s32 $0xFFFFC000  }
0x67: {  	_ =	swait.ge [sflag:s26], $0x4000  }
0x68: {  	[sflag:s26] =	ssyncset.done $0x0  }
0x69: {  	[sflag:s26] =	ssyncadd.s32 $0xFFFFC000  }
0x6a: {  	[tilespmem:s28], [sflag:$0x5] =	stream.linear.gather [hbm4b:s11+s4], $0x10, $0x38;
	[tilespmem:$0x1C980] =	vst v63  }
0x6b: {  	_ =	swait.ge [sflag:s19], $0x10  }
0x6c: {  	[sflag:s19] =	ssyncset.done $0x0  }
0x6d: {  	[sflag:s19] =	ssyncadd.s32 $0xFFFFFFF0  }
0x6e: {  	[tilespmem:s29], [sflag:$0x5] =	stream.linear.gather [hbm4b:s12+s4], $0x800, $0x38;
	[tilespmem:$0x1C980] =	vst v63  }
0x6f: {  	_ =	swait.ge [sflag:s19], $0x800  }
0x70: {  	[sflag:s19] =	ssyncset.done $0x0  }
0x71: {  	s0 =	simm.s32 $0x10;
	[sflag:s19] =	ssyncadd.s32 $0xFFFFF800  }
0x72: {  	[spmem:s2] =	stream.indirect.scatter.add.f32 [tilespmem:s29], [sflag:$0x5], $0x80, s28, s0, $0xb8;
	[tilespmem:$0x1C980] =	vst v63  }
0x73: {  	_ =	swait.ge [sflag:s19], $0x800  }
0x74: {  	s31 =	sadd.s32 $0x1, s31;
	[sflag:s19] =	ssyncset.done $0x0  }
0x75: {  	p0 =	sne.s32 s31, s14;
	[sflag:s19] =	ssyncadd.s32 $0xFFFFF800  }
.Ltmp1:
0x76: {  	[bflag:$0x0] =	sbarrier.arrive $0xFFFF;
	(pc) =	sbr.rel @p0 .LBB2_1-.Ltmp1, $4  }
0x77: {  	[hbm:s13], [sflag:s6] =	dma.local [spmem:s18], $0x2800  }
0x78: {  	_ =	swait.ge [sflag:s19], $0x2800  }
0x79: {  	[sflag:s19] =	ssyncset.done $0x0  }
0x7a: {  	[sflag:s19] =	ssyncadd.s32 $0xFFFFD800  }
0x7b: {  	_ =	sfence.sel $0x180000  }
0x7c: {  	[bflag:$0x0] =	sbarrier.arrive $0xFFFF  }
0x7d: {  	_ =	strace $0x90000050  }
0x7e: {  	s0 =	stileid.u32;
	[bflag:$0x2] =	sbarrier.arrive $0xFFFF  }
0x7f: {  	p0 =	sne.s32 s0, $0x0;
	s0 =	rddreg [dreg:$0x3]  }
0x80: {  	s0 =	sadd.s32 @!p0 $0x100000, s0  }
0x81: {  	[sflag:s0] =	ssyncadd.tile.s32 @!p0 $0x1;
	_ =	shalt  }
.Lfunc_end2:
_tile_overlayer_lowered:
.L_overlay_start_2:
0x82: {  	(tag) =	ssettag $0x2  }
0x83: {  	s0 =	rddreg [dreg:$0x0];
	s2 =	stileid.u32  }
0x84: {  	s1 =	rddreg [dreg:$0x1];
	p0 =	sne.s32 s2, $0x0  }
0x85: {  	s3 =	rddreg [dreg:$0x2];
	[bflag:$0x3] =	sbarrier.arrive $0xFFFF;
	s2 =	simm.s32 @!p0 $0x1C05  }
0x86: {  	[timem:s3], [sflag:s2] =	dma.local @!p0 [hbm:s0], s1  }
0x87: {  	s0 =	simm.s32 @!p0 $0x5  }
0x88: {  	_ =	swait.ge @!p0 [sflag:s0], s1  }
0x89: {  	s1 =	ssub.s32 @!p0 $0x0, s1;
	[sflag:s0] =	ssyncset.done @!p0 $0x0  }
0x8a: {  	[sflag:s0] =	ssyncadd.s32 @!p0 s1  }
0x8b: {  	[bflag:$0x3] =	sbarrier.arrive $0xFFFF  }
0x8c: {  	_ =	shalt  }

// kernel: kernel.25.cloned.1.call-start
scs
__scs_entry_jumppad:
0x0: {  	(pc) =	sbr.rel $0x88, $3  }
0x1: {  	(tag) =	ssettag $0x0;
	lr =	simm.s32 $0x1  }
0x2: {  	[smem:$0x3F8E] =	sst lr;
	_ =	strace $0xD0000000  }
0x3: {  	_ = 	snop  }
0x4: {  	_ = 	snop  }
0x5: {  	_ = 	snop  }
0x6: {  	_ = 	snop  }
0x7: {  	_ = 	snop  }
__scs_overlays_trampoline_lowered:
0x8: {  	[smem:$0x3F9D] =	sst s0  }
0x9: {  	[smem:$0x3F9E] =	sst s1  }
0xa: {  	[smem:$0x3F9F] =	sst s2  }
0xb: {  	[smem:$0x3FA0] =	sst s3  }
0xc: {  	[smem:$0x3FA1] =	sst s4  }
0xd: {  	[smem:$0x3FA2] =	sst s5  }
0xe: {  	[smem:$0x3FA3] =	sst s6  }
0xf: {  	[smem:$0x3FA4] =	sst s7  }
0x10: {  	[smem:$0x3FA5] =	sst s8  }
0x11: {  	[smem:$0x3FA6] =	sst s9;
	s0 =	simm.s32 @!p0 $0x0  }
0x12: {  	s1 =	sld [smem:$0x3F8C];
	s0 =	simm.s32 @p0 $0x1  }
0x13: {  	[smem:$0x3FA7] =	sst s0;
	s0 =	simm.s32 @!p1 $0x0  }
0x14: {  	s2 =	sld [smem:$0x3F8B];
	s0 =	simm.s32 @p1 $0x1  }
0x15: {  	[smem:$0x3FA8] =	sst s0;
	s0 =	simm.s32 @!p2 $0x0  }
0x16: {  	s3 =	sld [smem:$0x3FDB];
	s0 =	simm.s32 @p2 $0x1  }
0x17: {  	s4 =	simm.s32 $0x1BF5;
	[smem:$0x3FAA] =	sst s0  }
0x18: {  	s0 =	sld [smem:$0x3F8D];
	_ =	swait.ge [sflag:s4], $0x0  }
0x19: {  	s7 =	sld [smem:$0x3F8E]  }
0x1a: {  	s8 =	sadd.s32 $0xFFFFE003, lr  }
0x1b: {  	s9 =	sadd.s32 $0xFFFFFEF7, lr;
	s5 =	simm.s32 $0xFFFFFFFF;
	p2 =	slt.u32 s8, $0xFFFFF086  }
0x1c: {  	p1 =	slt.u32 s9, $0xF7A;
	s5 =	simm.s32 @!p2 $0x0  }
0x1d: {  	s5 =	simm.s32 @p1 $0x1;
	p0 =	seq.s32 s7, s2  }
0x1e: {  	s7 =	smul.u32 @!p0 $0xF7A, s2;
	p2 =	seq.s32 @!p0 s5, $0x0  }
0x1f: {  	s9 =	smul.u32 $0xF7A, s1;
	s8 =	simm.s32 @!p0 $0x1BF5;
	p2 =	por !p2, p0  }
0x20: {  	[sflag:s8] =	ssyncset.s32 @!p0 $0xFFFFF086;
	s6 =	sadd.s32 @!p0 s3, s7;
	s7 =	simm.s32 @!p0 $0x108  }
0x21: {  	s3 =	sadd.s32 s3, s9;
	s6 =	sadd.s32 @!p0 $0x88, s6;
	s7 =	simm.s32 @p2 $0x1082  }
0x22: {  	[simem:s7], [sflag:s8] =	dma.local @!p0 [hbm:s6], $0xF7A  }
0x23: {  	s9 =	sor.u32 $0xD0000000, s2;
	s6 =	simm.s32 $0x108;
	_ =	swait.ge @!p0 [sflag:s8], $0x0  }
0x24: {  	s3 =	sadd.s32 $0x88, s3;
	s6 =	simm.s32 @!p1 $0x1082;
	[sflag:s4] =	ssyncset.s32 $0xFFFFF086  }
0x25: {  	[simem:s6], [sflag:s4] =	dma.local [hbm:s3], $0xF7A  }
0x26: {  	[smem:$0x3F8E] =	sst s1;
	(tag) =	ssettag s2;
	_ =	strace s9  }
0x27: {  	s1 =	sld [smem:$0x3F9E]  }
0x28: {  	s2 =	sld [smem:$0x3F9F]  }
0x29: {  	s4 =	sld [smem:$0x3FA1]  }
0x2a: {  	p0 =	seq.s32 s5, $0x0;
	s5 =	sld [smem:$0x3FA2]  }
0x2b: {  	s6 =	sld [smem:$0x3FA3]  }
0x2c: {  	s7 =	sld [smem:$0x3FA4]  }
0x2d: {  	s3 =	simm.s32 $0x108;
	s8 =	sld [smem:$0x3FA5]  }
0x2e: {  	s3 =	simm.s32 @!p0 $0x1082;
	s9 =	sld [smem:$0x3FA6]  }
0x2f: {  	lr =	sadd.s32 s0, s3;
	s0 =	sld [smem:$0x3F9D]  }
0x30: {  	s3 =	sld [smem:$0x3FA0]  }
0x31: {  	[smem:$0x3FA9] =	sst s10  }
0x32: {  	s10 =	sld [smem:$0x3FA7];
	_ =	sdelay $0x3  }
0x33: {  	p0 =	seq.s32 s10, $0x1;
	s10 =	sld [smem:$0x3FA9];
	_ =	sdelay $0x3  }
0x34: {  	[smem:$0x3FA9] =	sst s10  }
0x35: {  	s10 =	sld [smem:$0x3FA8];
	_ =	sdelay $0x3  }
0x36: {  	p1 =	seq.s32 s10, $0x1;
	s10 =	sld [smem:$0x3FA9];
	_ =	sdelay $0x3  }
0x37: {  	[smem:$0x3FA9] =	sst s10  }
0x38: {  	s10 =	sld [smem:$0x3FAA]  }
0x39: {  	_ = 	snop;
	(pc) =	sbr.ind lr, $3  }
0x3a: {  	_ = 	snop  }
0x3b: {  	_ = 	snop  }
0x3c: {  	p2 =	seq.s32 s10, $0x1;
	s10 =	sld [smem:$0x3FA9]  }
0x3d: {  	_ =	shalt  }
0x3e: {  	_ =	shalt  }
0x3f: {  	_ =	shalt  }
0x40: {  	_ =	shalt  }
0x41: {  	_ =	shalt  }
0x42: {  	_ =	shalt  }
0x43: {  	_ =	shalt  }
0x44: {  	_ =	shalt  }
0x45: {  	_ =	shalt  }
0x46: {  	_ =	shalt  }
0x47: {  	_ =	shalt  }
0x48: {  	_ =	shalt  }
0x49: {  	_ =	shalt  }
0x4a: {  	_ =	shalt  }
0x4b: {  	_ =	shalt  }
0x4c: {  	_ =	shalt  }
0x4d: {  	_ =	shalt  }
0x4e: {  	_ =	shalt  }
0x4f: {  	_ =	shalt  }
0x50: {  	_ =	shalt  }
0x51: {  	_ =	shalt  }
0x52: {  	_ =	shalt  }
0x53: {  	_ =	shalt  }
0x54: {  	_ =	shalt  }
0x55: {  	_ =	shalt  }
0x56: {  	_ =	shalt  }
0x57: {  	_ =	shalt  }
0x58: {  	_ =	shalt  }
0x59: {  	_ =	shalt  }
0x5a: {  	_ =	shalt  }
0x5b: {  	_ =	shalt  }
0x5c: {  	_ =	shalt  }
0x5d: {  	_ =	shalt  }
0x5e: {  	_ =	shalt  }
0x5f: {  	_ =	shalt  }
0x60: {  	_ =	shalt  }
0x61: {  	_ =	shalt  }
0x62: {  	_ =	shalt  }
0x63: {  	_ =	shalt  }
0x64: {  	_ =	shalt  }
0x65: {  	_ =	shalt  }
0x66: {  	_ =	shalt  }
0x67: {  	_ =	shalt  }
0x68: {  	_ =	shalt  }
0x69: {  	_ =	shalt  }
0x6a: {  	_ =	shalt  }
0x6b: {  	_ =	shalt  }
0x6c: {  	_ =	shalt  }
0x6d: {  	_ =	shalt  }
0x6e: {  	_ =	shalt  }
0x6f: {  	_ =	shalt  }
0x70: {  	_ =	shalt  }
0x71: {  	_ =	shalt  }
0x72: {  	_ =	shalt  }
0x73: {  	_ =	shalt  }
0x74: {  	_ =	shalt  }
0x75: {  	_ =	shalt  }
0x76: {  	_ =	shalt  }
0x77: {  	_ =	shalt  }
0x78: {  	_ =	shalt  }
0x79: {  	_ =	shalt  }
0x7a: {  	_ =	shalt  }
0x7b: {  	_ =	shalt  }
0x7c: {  	_ =	shalt  }
0x7d: {  	_ =	shalt  }
0x7e: {  	_ =	shalt  }
0x7f: {  	_ =	shalt  }
0x80: {  	_ =	shalt  }
0x81: {  	_ =	shalt  }
0x82: {  	_ =	shalt  }
0x83: {  	_ =	shalt  }
0x84: {  	_ =	shalt  }
0x85: {  	_ =	shalt  }
0x86: {  	_ =	shalt  }
0x87: {  	_ =	shalt  }
.Lfunc_end0:
.L_simem_size_0:
called_computation.4_lowered:
.L_overlay_start_0:
0x88: {  	s2 =	sld [smem:$0x3FD9]  }
0x89: {  	s3 =	sld [smem:$0x3FFE];
	_ =	sdelay $0x1  }
0x8a: {  	s1 =	srdreg.scid  }
0x8b: {  	s0 =	sand.u32 $0x1, s1  }
0x8c: {  	s14 =	sshll.u32 s0, $0xA;
	s2 =	sadd.s32 s3, s2  }
0x8d: {  	s2 =	sadd.s32 s2, s14  }
0x8e: {  	[smem:$0x3FB5] =	sst s2  }
0x8f: {  	_ = 	snop  }
0x90: {  	s2 =	sld [smem:$0x3FD0];
	_ =	sdelay $0x2  }
0x91: {  	s15 =	simm.s32 $0xA;
	s4 =	simm.s32 $0x10  }
0x92: {  	[smem:s4], [sflag:s15] =	dma.local [hbm:s2], $0x1  }
0x93: {  	_ =	swait.eq [sflag:s15], $0x1  }
0x94: {  	[sflag:s15] =	ssyncset.done $0x0  }
0x95: {  	[sflag:s15] =	ssyncadd.s32 $0xFFFFFFFF  }
0x96: {  	s16 =	sld [smem:$0x10];
	(tm) =	ssettm $0x1  }
0x97: {  	s17 =	sld [smem:$0x3FFB];
	_ =	sdelay $0x3  }
0x98: {  	_ =	strace s17  }
0x99: {  	s3 =	sld [smem:$0x3FFC];
	_ =	sdelay $0x3  }
0x9a: {  	_ =	strace s3  }
0x9b: {  	s3 =	sld [smem:$0x3FFD];
	_ =	sdelay $0x3  }
0x9c: {  	_ =	strace s3  }
0x9d: {  	_ =	strace $0x8FFFFFFF  }
0x9e: {  	s18 =	sld [smem:$0x3FDB];
	_ =	sdelay $0x1  }
0x9f: {  	s19 =	simm.s32 $_scs_section_size  }
0xa0: {  	s5 =	simm.s32 $_size__tile_overlayer_lowered;
	s6 =	simm.s32 $_tile_overlayer_lowered  }
0xa1: {  	s22 =	simm.s32 $0x1BFF;
	s21 =	sshll.u32 s6, $0x1;
	s3 =	sadd.s32 s19, s18  }
0xa2: {  	s7 =	simm.s32 $0x0;
	s20 =	sshll.u32 s5, $0x1;
	s5 =	sadd.s32 s21, s3  }
0xa3: {  	[timem:s7], [sflag:s22] =	dma.local [hbm:s5], s20  }
0xa4: {  	_ =	swait.ge [sflag:s22], s20  }
0xa5: {  	s4 =	ssub.s32 $0x0, s20;
	[sflag:s22] =	ssyncset.done $0x0  }
0xa6: {  	[sflag:s22] =	ssyncadd.s32 s4;
	_ =	sdelay $0x1  }
0xa7: {  	s23 =	simm.s32 $0x1B8B  }
0xa8: {  	_ =	swait.ge [sflag:s23], $0x1  }
0xa9: {  	[sflag:s23] =	ssyncset.done $0x0  }
0xaa: {  	s25 =	simm.s32 $0x1B8E;
	s24 =	sld [smem:$0x3FFE];
	[sflag:s23] =	ssyncadd.s32 $0xFFFFFFFF  }
0xab: {  	s26 =	simm.s32 $execute0_lowered;
	[smem:$0x3FD2] =	sst s25  }
0xac: {  	s5 =	sshll.u32 s26, $0x1;
	_ =	strace $0x80000052;
	[dreg:$0x1] =	wrdreg $0xFFFFFFFF  }
0xad: {  	s28 =	simm.s32 $_size_execute0_lowered;
	s3 =	sadd.s32 s3, s5;
	[dreg:$0x0] =	wrdreg $0x0  }
0xae: {  	s5 =	sshll.u32 s28, $0x1;
	[dreg:$0x2] =	wrdreg s3  }
0xaf: {  	[dreg:$0x3] =	wrdreg s5  }
0xb0: {  	[dreg:$0x4] =	wrdreg $0xC0  }
0xb1: {  	_ =	task [dreg:s7], $0x5FFFF  }
0xb2: {  	[dreg:$0x1] =	wrdreg $0xFFFFFFFF  }
0xb3: {  	[dreg:$0x0] =	wrdreg $0x60  }
0xb4: {  	[dreg:$0x2] =	wrdreg s24  }
0xb5: {  	[dreg:$0x3] =	wrdreg s16  }
0xb6: {  	[dreg:$0x4] =	wrdreg $0x9  }
0xb7: {  	_ =	task.clear_ibuf [dreg:s7], $0x5FFFF;
	_ =	strace $0x90000052  }
0xb8: {  	s29 =	simm.s32 $0x9;
	_ =	strace $0x80000054  }
0xb9: {  	_ =	swait.ge [sflag:s29], $0x1  }
0xba: {  	[sflag:s29] =	ssyncadd.s32 $0xFFFFFFFF  }
0xbb: {  	_ =	strace $0x90000054  }
0xbc: {  	_ =	sfence  }
0xbd: {  	s30 =	sld [smem:$0x0];
	_ =	sdelay $0x2  }
0xbe: {  	s31 =	sshll.u32 s1, $0xD;
	s1 =	sshrl.u32 s1, $0x2  }
0xbf: {  	s3 =	sand.u32 $0x4000, s31;
	s1 =	sadd.s32 s1, s30  }
0xc0: {  	s0 =	sor.u32 s3, s0;
	s1 =	sshll.u32 s1, $0x11  }
0xc1: {  	s0 =	sor.u32 s1, s0  }
0xc2: {  	s0 =	sadd.s32 $0x8F2B, s0  }
0xc3: {  	[sflag:s0] =	ssyncadd.remote.s32 $0x1  }
0xc4: {  	_ =	sfence.sel $0xFFFF  }
0xc5: {  	[dreg:$0x0] =	wrdreg $0xFFFFFFFF;
	(pc) =	sbr.abs _section_cstart, $3  }
0xc6: {  	[dreg:$0x1] =	wrdreg $0xFFFFFFFF  }
0xc7: {  	_ =	task.clear_ibuf [dreg:s7], $0x2FFFF;
	_ =	strace $0x9FFFFFFF  }
0xc8: {  	(tm) =	ssettm $0x7FFFFFFF  }
0xc9: {  	_ =	shalt  }
tec
execute0_lowered:
.L_overlay_start_1:
0x0: {  	(tag) =	ssettag $0x1  }
0x1: {  	s4 =	rddreg [dreg:$0x0]  }
0x2: {  	s1 =	rddreg [dreg:$0x1]  }
0x3: {  	s2 =	srdreg.scid;
	s0 =	rddreg [dreg:$0x2]  }
0x4: {  	s3 =	simm.s32 $0x0;
	s9 =	simm.s32 $0x2;
	s10 =	simm.s32 $0x80  }
0x5: {  	s11 =	simm.s32 $0x100;
	s12 =	simm.s32 $0x1;
	s13 =	simm.s32 $0x180  }
0x6: {  	s14 =	simm.s32 $0x200;
	s15 =	simm.s32 $0x0;
	s5 =	sand.u32 $0x1, s2  }
0x7: {  	s2 =	stileid.u32;
	s6 =	smul.u32 $0x1900, s5;
	s5 =	ssub.s32 $0x2, s5  }
0x8: {  	[smem:$0x7FF] =	sst s3;
	s7 =	smul.u32 $0x190, s2;
	s8 =	sshrl.u32 s5, $0x1  }
0x9: {  	_ =	strace $0x80000053;
	s6 =	sadd.s32 s6, s4;
	s5 =	ssub.s32 s5, s8  }
0xa: {  	s4 =	sadd.s32 $0x8C00, s4;
	s31 =	sadd.s32 s7, s6;
	s5 =	smax.u32 s5, $0x1  }
0xb: {  	s6 =	sadd.s32 $0x9200, s31;
	s7 =	sadd.s32 $0x5A00, s31;
	s8 =	sadd.s32 $0x2800, s31  }
.LBB2_1:
0xc: {  	s16 =	sadd.s32 $0x0, s8  }
0xd: {  	[tilespmem:s3], [sflag:$0x2] =	stream.linear.gather [hbm4b:s16+s3], $0x80, $0x38;
	[tilespmem:$0x280] =	vst v63  }
0xe: {  	_ =	swait.ge [sflag:s9], $0x80  }
0xf: {  	[sflag:s9] =	ssyncset.done $0x0  }
0x10: {  	s31 =	sadd.s32 $0x0, s7;
	[sflag:s9] =	ssyncadd.s32 $0xFFFFFF80  }
0x11: {  	[tilespmem:s10], [sflag:$0x2] =	stream.linear.gather [hbm4b:s31+s3], $0x80, $0x38;
	[tilespmem:$0x280] =	vst v63  }
0x12: {  	_ =	swait.ge [sflag:s9], $0x80  }
0x13: {  	[sflag:s9] =	ssyncset.done $0x0  }
0x14: {  	[sflag:s9] =	ssyncadd.s32 $0xFFFFFF80  }
0x15: {  	[tilespmem:s11], [sflag:$0x1] =	stream.indirect.gather [hbm4b:s4+s10], $0x1, s3, s10, $0xb8;
	[tilespmem:$0x280] =	vst v63  }
0x16: {  	_ =	swait.ge [sflag:s12], $0x80  }
0x17: {  	[sflag:s12] =	ssyncset.done $0x0  }
0x18: {  	[sflag:s12] =	ssyncadd.s32 $0xFFFFFF80  }
0x19: {  	[tilespmem:s13], [sflag:$0x1] =	stream.indirect.gather [hbm4b:s1+s10], $0x1, s10, s10, $0xb8;
	[tilespmem:$0x280] =	vst v63  }
0x1a: {  	_ =	swait.ge [sflag:s12], $0x80  }
0x1b: {  	[sflag:s12] =	ssyncset.done $0x0  }
0x1c: {  	[sflag:s12] =	ssyncadd.s32 $0xFFFFFF80  }
0x1d: {  	v0 =	vld [tilespmem:$0x1B0]  }
0x1e: {  	v1 =	vld [tilespmem:$0x1D0]  }
0x1f: {  	v2 =	vld [tilespmem:$0x150]  }
0x20: {  	s17 =	simm.s32 $0x10;
	s16 =	simm.s32 $0x0;
	v3 =	vld [tilespmem:$0x1A0]  }
.LBB2_2:
0x21: {  	p0 =	sne.s32 s17, $0x180;
	v4 =	vld [tilespmem:$0x160];
	s18 =	smov.u32 s17;
	s17 =	sadd.s32 $0x10, s17  }
0x22: {  	v5 =	vld [tilespmem:$0x120]  }
0x23: {  	v6 =	vld [tilespmem:$0x140]  }
0x24: {  	v7 =	vld [tilespmem:$0x1E0]  }
0x25: {  	v8 =	vld [tilespmem:$0x1C0]  }
0x26: {  	v9 =	vld [tilespmem:$0x110]  }
0x27: {  	v10 =	vld [tilespmem:$0x130]  }
0x28: {  	v11 =	vld [tilespmem:$0x180]  }
0x29: {  	v3 =	vadd.f32 v3, v5;
	v12 =	vld [tilespmem:$0x190]  }
0x2a: {  	v1 =	vadd.f32 v1, v2;
	v5 =	vld [tilespmem:$0x100];
	v6 =	vadd.f32 v8, v6  }
0x2b: {  	v2 =	vsub.f32 $0.0e+00, v3;
	v3 =	vadd.f32 v7, v4;
	v4 =	vld [tilespmem:$0x170]  }
0x2c: {  	v1 =	vsub.f32 $0.0e+00, v1;
	v0 =	vadd.f32 v0, v10;
	v7 =	vld [tilespmem:$0x1F0]  }
0x2d: {  	v2 =	vmul.f32 $1.442695020e+00, v2;
	v3 =	vsub.f32 $0.0e+00, v3;
	v6 =	vsub.f32 $0.0e+00, v6  }
0x2e: {  	v1 =	vmul.f32 $1.442695020e+00, v1;
	v8 =	vadd.f32 v12, v9;
	v0 =	vsub.f32 $0.0e+00, v0  }
0x2f: {  	v3 =	vmul.f32 $1.442695020e+00, v3;
	v6 =	vmul.f32 $1.442695020e+00, v6;
	v5 =	vadd.f32 v11, v5  }
0x30: {  	v8 =	vsub.f32 $0.0e+00, v8;
	v0 =	vmul.f32 $1.442695020e+00, v0;
	(erf) = vpow2.f32 v2  }
0x31: {  	v2 =	vsub.f32 $0.0e+00, v5;
	v4 =	vadd.f32 v7, v4;
	(erf) = vpow2.f32 v3  }
0x32: {  	v3 =	vmul.f32 $1.442695020e+00, v8;
	(erf) = vpow2.f32 v0  }
0x33: {  	v0 =	vmul.f32 $1.442695020e+00, v2;
	v2 =	vsub.f32 $0.0e+00, v4;
	(erf) = vpow2.f32 v6  }
0x34: {  	(erf) = vpow2.f32 v3  }
0x35: {  	v2 =	vmul.f32 $1.442695020e+00, v2;
	(erf) = vpow2.f32 v0  }
0x36: {  	(erf) = vpow2.f32 v1  }
0x37: {  	(erf) = vpow2.f32 v2;
	_ =	sdelay $0x1  }
0x38: {  	v0 =	vpop (erf)  }
0x39: {  	v5 =	vadd.f32 $1.000000000e+00, v0;
	v1 =	vpop (erf)  }
0x3a: {  	v1 =	vadd.f32 $1.000000000e+00, v1;
	v2 =	vpop (erf)  }
0x3b: {  	v2 =	vadd.f32 $1.000000000e+00, v2;
	(erf) = vrcp.f32 v5;
	v0 =	vpop (erf)  }
0x3c: {  	v4 =	vadd.f32 $1.000000000e+00, v0;
	v3 =	vpop (erf);
	(erf) = vrcp.f32 v1  }
0x3d: {  	v5 =	vadd.f32 $1.000000000e+00, v3;
	v3 =	vpop (erf);
	(erf) = vrcp.f32 v2  }
0x3e: {  	v2 =	vadd.f32 $1.000000000e+00, v3;
	(erf) = vrcp.f32 v4;
	v0 =	vpop (erf)  }
0x3f: {  	v0 =	vadd.f32 $1.000000000e+00, v0;
	(erf) = vrcp.f32 v5;
	v1 =	vpop (erf)  }
0x40: {  	v1 =	vadd.f32 $1.000000000e+00, v1;
	(erf) = vrcp.f32 v2  }
0x41: {  	(erf) = vrcp.f32 v0  }
0x42: {  	(erf) = vrcp.f32 v1;
	_ =	sdelay $0x1  }
0x43: {  	v0 =	vpop (erf)  }
0x44: {  	[tilespmem:$0x220] =	vst v0;
	v0 =	vpop (erf)  }
0x45: {  	[tilespmem:$0x260] =	vst v0;
	v0 =	vpop (erf)  }
0x46: {  	[tilespmem:$0x230] =	vst v0;
	v0 =	vpop (erf)  }
0x47: {  	[tilespmem:$0x240] =	vst v0;
	v0 =	vpop (erf)  }
0x48: {  	[tilespmem:$0x210] =	vst v0;
	v0 =	vpop (erf)  }
0x49: {  	[tilespmem:$0x200] =	vst v0;
	v0 =	vpop (erf)  }
0x4a: {  	[tilespmem:$0x250] =	vst v0;
	v0 =	vpop (erf)  }
0x4b: {  	s19 =	sadd.s32 s16, s6;
	s16 =	smov.u32 s18;
	[tilespmem:$0x270] =	vst v0  }
0x4c: {  	[hbm4b:s19+s3] =	stream.linear.scatter [tilespmem:s14], [sflag:$0x2], $0x80, $0x38;
	[tilespmem:$0x280] =	vst v63  }
0x4d: {  	_ =	swait.ge [sflag:s9], $0x80  }
0x4e: {  	[sflag:s9] =	ssyncset.done $0x0  }
0x4f: {  	s18 =	sadd.s32 s16, s8;
	[sflag:s9] =	ssyncadd.s32 $0xFFFFFF80  }
0x50: {  	[tilespmem:s3], [sflag:$0x2] =	stream.linear.gather [hbm4b:s18+s3], $0x80, $0x38;
	[tilespmem:$0x280] =	vst v63  }
0x51: {  	_ =	swait.ge [sflag:s9], $0x80  }
0x52: {  	[sflag:s9] =	ssyncset.done $0x0  }
0x53: {  	s18 =	sadd.s32 s16, s7;
	[sflag:s9] =	ssyncadd.s32 $0xFFFFFF80  }
0x54: {  	[tilespmem:s10], [sflag:$0x2] =	stream.linear.gather [hbm4b:s18+s3], $0x80, $0x38;
	[tilespmem:$0x280] =	vst v63  }
0x55: {  	_ =	swait.ge [sflag:s9], $0x80  }
0x56: {  	[sflag:s9] =	ssyncset.done $0x0  }
0x57: {  	[sflag:s9] =	ssyncadd.s32 $0xFFFFFF80  }
0x58: {  	[tilespmem:s11], [sflag:$0x1] =	stream.indirect.gather [hbm4b:s4+s10], $0x1, s3, s10, $0xb8;
	[tilespmem:$0x280] =	vst v63  }
0x59: {  	_ =	swait.ge [sflag:s12], $0x80  }
0x5a: {  	[sflag:s12] =	ssyncset.done $0x0  }
0x5b: {  	[sflag:s12] =	ssyncadd.s32 $0xFFFFFF80  }
0x5c: {  	[tilespmem:s13], [sflag:$0x1] =	stream.indirect.gather [hbm4b:s1+s10], $0x1, s10, s10, $0xb8;
	[tilespmem:$0x280] =	vst v63  }
0x5d: {  	_ =	swait.ge [sflag:s12], $0x80  }
0x5e: {  	[sflag:s12] =	ssyncset.done $0x0  }
.Ltmp0:
0x5f: {  	[sflag:s12] =	ssyncadd.s32 $0xFFFFFF80;
	(pc) =	sbr.rel @p0 .LBB2_2-.Ltmp0, $4  }
0x60: {  	v0 =	vld [tilespmem:$0x1B0]  }
0x61: {  	v1 =	vld [tilespmem:$0x1D0]  }
0x62: {  	v2 =	vld [tilespmem:$0x150]  }
0x63: {  	v3 =	vld [tilespmem:$0x1A0]  }
0x64: {  	v4 =	vld [tilespmem:$0x160]  }
0x65: {  	v5 =	vld [tilespmem:$0x120]  }
0x66: {  	v6 =	vld [tilespmem:$0x140]  }
0x67: {  	v7 =	vld [tilespmem:$0x1E0]  }
0x68: {  	v8 =	vld [tilespmem:$0x1C0]  }
0x69: {  	v9 =	vld [tilespmem:$0x110]  }
0x6a: {  	v10 =	vld [tilespmem:$0x130]  }
0x6b: {  	v11 =	vld [tilespmem:$0x180]  }
0x6c: {  	v12 =	vld [tilespmem:$0x190]  }
0x6d: {  	v36 =	vld [tilespmem:$0x100]  }
0x6e: {  	v38 =	vld [tilespmem:$0x170]  }
0x6f: {  	v39 =	vld [tilespmem:$0x1F0];
	v1 =	vadd.f32 v1, v2;
	v3 =	vadd.f32 v3, v5  }
0x70: {  	v6 =	vadd.f32 v8, v6;
	v37 =	vadd.f32 v7, v4  }
0x71: {  	v0 =	vadd.f32 v0, v10;
	v3 =	vsub.f32 $0.0e+00, v3  }
0x72: {  	v40 =	vadd.f32 v12, v9;
	v2 =	vsub.f32 $0.0e+00, v37  }
0x73: {  	v5 =	vadd.f32 v11, v36;
	v0 =	vsub.f32 $0.0e+00, v0;
	v3 =	vmul.f32 $1.442695020e+00, v3  }
0x74: {  	v4 =	vadd.f32 v39, v38;
	v6 =	vsub.f32 $0.0e+00, v6;
	v2 =	vmul.f32 $1.442695020e+00, v2  }
0x75: {  	v8 =	vsub.f32 $0.0e+00, v40;
	v0 =	vmul.f32 $1.442695020e+00, v0;
	(erf) = vpow2.f32 v3  }
0x76: {  	v41 =	vsub.f32 $0.0e+00, v5;
	v6 =	vmul.f32 $1.442695020e+00, v6;
	(erf) = vpow2.f32 v2  }
0x77: {  	v1 =	vsub.f32 $0.0e+00, v1;
	v42 =	vmul.f32 $1.442695020e+00, v8;
	(erf) = vpow2.f32 v0  }
0x78: {  	v44 =	vsub.f32 $0.0e+00, v4;
	v43 =	vmul.f32 $1.442695020e+00, v41;
	(erf) = vpow2.f32 v6  }
0x79: {  	v1 =	vmul.f32 $1.442695020e+00, v1;
	(erf) = vpow2.f32 v42  }
0x7a: {  	v45 =	vmul.f32 $1.442695020e+00, v44;
	(erf) = vpow2.f32 v43  }
0x7b: {  	(erf) = vpow2.f32 v1  }
0x7c: {  	(erf) = vpow2.f32 v45;
	_ =	sdelay $0x1  }
0x7d: {  	v46 =	vpop (erf)  }
0x7e: {  	v0 =	vadd.f32 $1.000000000e+00, v46;
	v47 =	vpop (erf)  }
0x7f: {  	v1 =	vadd.f32 $1.000000000e+00, v47;
	v48 =	vpop (erf)  }
0x80: {  	v2 =	vadd.f32 $1.000000000e+00, v48;
	(erf) = vrcp.f32 v0;
	v49 =	vpop (erf)  }
0x81: {  	v0 =	vadd.f32 $1.000000000e+00, v49;
	v50 =	vpop (erf);
	(erf) = vrcp.f32 v1  }
0x82: {  	v51 =	vadd.f32 $1.000000000e+00, v50;
	v52 =	vpop (erf);
	(erf) = vrcp.f32 v2  }
0x83: {  	v53 =	vadd.f32 $1.000000000e+00, v52;
	(erf) = vrcp.f32 v0;
	v54 =	vpop (erf)  }
0x84: {  	v0 =	vadd.f32 $1.000000000e+00, v54;
	(erf) = vrcp.f32 v51;
	v55 =	vpop (erf)  }
0x85: {  	v1 =	vadd.f32 $1.000000000e+00, v55;
	(erf) = vrcp.f32 v53  }
0x86: {  	(erf) = vrcp.f32 v0  }
0x87: {  	(erf) = vrcp.f32 v1;
	_ =	sdelay $0x1  }
0x88: {  	v56 =	vpop (erf)  }
0x89: {  	[tilespmem:$0x220] =	vst v56;
	v57 =	vpop (erf)  }
0x8a: {  	[tilespmem:$0x260] =	vst v57;
	v58 =	vpop (erf)  }
0x8b: {  	[tilespmem:$0x230] =	vst v58;
	v59 =	vpop (erf)  }
0x8c: {  	[tilespmem:$0x240] =	vst v59;
	v60 =	vpop (erf)  }
0x8d: {  	[tilespmem:$0x210] =	vst v60;
	v61 =	vpop (erf)  }
0x8e: {  	s15 =	sadd.s32 $0x1, s15;
	[tilespmem:$0x200] =	vst v61;
	v62 =	vpop (erf)  }
0x8f: {  	p0 =	sne.s32 s15, s5;
	[tilespmem:$0x250] =	vst v62;
	v63 =	vpop (erf)  }
.Ltmp1:
0x90: {  	s16 =	sadd.s32 s16, s6;
	[tilespmem:$0x270] =	vst v63;
	(pc) =	sbr.rel @p0 .LBB2_1-.Ltmp1, $4  }
0x91: {  	[hbm4b:s16+s3] =	stream.linear.scatter [tilespmem:s14], [sflag:$0x2], $0x80, $0x38;
	[tilespmem:$0x280] =	vst v63  }
0x92: {  	_ =	swait.ge [sflag:s9], $0x80  }
0x93: {  	[sflag:s9] =	ssyncset.done $0x0  }
0x94: {  	[sflag:s9] =	ssyncadd.s32 $0xFFFFFF80  }
0x95: {  	_ =	sfence.sel $0x180000  }
0x96: {  	[bflag:$0x0] =	sbarrier.arrive $0xFFFF  }
0x97: {  	p0 =	sne.s32 s2, $0x0;
	_ =	strace $0x90000053  }
0x98: {  	s0 =	sadd.s32 @!p0 $0x100000, s0;
	[bflag:$0x2] =	sbarrier.arrive $0xFFFF  }
0x99: {  	[sflag:s0] =	ssyncadd.tile.s32 @!p0 $0x1;
	_ =	shalt  }
.Lfunc_end2:
_tile_overlayer_lowered:
.L_overlay_start_2:
0x9a: {  	(tag) =	ssettag $0x2  }
0x9b: {  	s0 =	rddreg [dreg:$0x0];
	s2 =	stileid.u32  }
0x9c: {  	s1 =	rddreg [dreg:$0x1];
	p0 =	sne.s32 s2, $0x0  }
0x9d: {  	s3 =	rddreg [dreg:$0x2];
	[bflag:$0x3] =	sbarrier.arrive $0xFFFF;
	s2 =	simm.s32 @!p0 $0x1C02  }
0x9e: {  	[timem:s3], [sflag:s2] =	dma.local @!p0 [hbm:s0], s1  }
0x9f: {  	s0 =	simm.s32 @!p0 $0x2  }
0xa0: {  	_ =	swait.ge @!p0 [sflag:s0], s1  }
0xa1: {  	s1 =	ssub.s32 @!p0 $0x0, s1;
	[sflag:s0] =	ssyncset.done @!p0 $0x0  }
0xa2: {  	[sflag:s0] =	ssyncadd.s32 @!p0 s1  }
0xa3: {  	[bflag:$0x3] =	sbarrier.arrive $0xFFFF  }
0xa4: {  	_ =	shalt  }

</sc_bundles>
